<compile_context>
chip_gen: v7x
topology: tpu7x:2x2x1
jax: 0.10.2.dev20260603
libtpu: 0.0.44.dev20260713+nightly
codegen_flags: <defaults>
</compile_context>

<pallas_src>
import functools

import jax
import jax.numpy as jnp
from jax import lax
from jax.experimental import pallas as pl
from jax.experimental.pallas import tpu as pltpu
from jax.experimental.pallas import tpu_sc as plsc

N = 10000
E = 320000
F_IN = 128
H = 64
C = 10
G = 64

NC = 2
NS = 16
NW = NC * NS
NPAD = 10240

EC = 80
CPW = E // NW // EC
NB = 5
EPT = E // NW

BR = 2000
NACC = 10240
RPT = NACC // NS
_BW = BR * H // 128
_VR = N * H // 128

_mesh = plsc.VectorSubcoreMesh(core_axis_name="c", subcore_axis_name="s")
_sc_params = pltpu.CompilerParams(needs_layout_passes=False,
                                  use_tc_tiling_on_sc=False)



@functools.partial(
    pl.kernel,
    mesh=_mesh,
    out_type=jax.ShapeDtypeStruct((NW, NPAD), jnp.float32),
    scratch_types=[
        pltpu.VMEM((NPAD,), jnp.float32),
        pltpu.VMEM((EPT,), jnp.int32),
        pltpu.SemaphoreType.DMA,
    ],
    compiler_params=_sc_params,
)
def _sc_hist(dst_hbm, out_hbm, hist_v, chunk_v, sem):
    c = lax.axis_index("c")
    s = lax.axis_index("s")
    wid = s * NC + c
    cp = pltpu.async_copy(dst_hbm.at[pl.ds(wid * EPT, EPT)], chunk_v, sem)
    zero16 = jnp.zeros((16,), jnp.float32)

    def zbody(j, carry):
        hist_v[pl.ds(j * 16, 16)] = zero16
        return carry

    lax.fori_loop(0, NPAD // 16, zbody, 0)
    cp.wait()
    ones16 = jnp.ones((16,), jnp.float32)

    def inner(j, c2):
        idx = chunk_v[pl.ds(j * 16, 16)]
        plsc.addupdate_scatter(hist_v, [idx], ones16)
        return c2

    lax.fori_loop(0, EPT // 16, inner, 0)
    pltpu.sync_copy(hist_v, out_hbm.at[wid])



@functools.partial(
    pl.kernel,
    mesh=_mesh,
    out_type=jax.ShapeDtypeStruct((NC, NACC, H), jnp.float32),
    scratch_types=[
        pltpu.VMEM((CPW, EC), jnp.int32),
        pltpu.VMEM((CPW, EC), jnp.int32),
        [pltpu.VMEM((EC, H), jnp.float32)] * NB,
        pltpu.VMEM_SHARED((NACC, H), jnp.float32),
        pltpu.SemaphoreType.DMA,
        [pltpu.SemaphoreType.DMA] * NB,
    ],
    compiler_params=_sc_params,
)
def _sc_agg(hp_hbm, src_hbm, dst_hbm, out_hbm,
            srcb, dstb, rows, accum_sh, isem, gsems):
    c = lax.axis_index("c")
    s = lax.axis_index("s")
    wid = s * NC + c

    icp1 = pltpu.async_copy(src_hbm.at[pl.ds(wid * CPW, CPW)], srcb, isem)
    icp2 = pltpu.async_copy(dst_hbm.at[pl.ds(wid * CPW, CPW)], dstb, isem)

    zero16 = jnp.zeros((16,), jnp.float32)

    def zbody(j, carry):
        rows[0][j // (H // 16), pl.ds((j % (H // 16)) * 16, 16)] = zero16
        return carry

    lax.fori_loop(0, EC * H // 16, zbody, 0)
    for q in range(RPT // EC):
        pltpu.sync_copy(rows[0], accum_sh.at[pl.ds(s * RPT + q * EC, EC)])
    icp1.wait()
    icp2.wait()
    plsc.subcore_barrier()

    for b in range(NB):
        pltpu.async_copy(hp_hbm.at[srcb.at[b]], rows[b], gsems[b])

    def body(i, carry):
        j0 = i * NB
        for b in range(NB):
            j = j0 + b
            pltpu.make_async_copy(hp_hbm.at[srcb.at[j]], rows[b],
                                  gsems[b]).wait()
            pltpu.sync_copy(rows[b], accum_sh.at[dstb.at[j]], add=True)

            @pl.when(j + NB < CPW)
            def _():
                pltpu.async_copy(hp_hbm.at[srcb.at[j + NB]], rows[b],
                                 gsems[b])
        return carry

    lax.fori_loop(0, CPW // NB, body, 0)
    plsc.subcore_barrier()
    pltpu.sync_copy(accum_sh.at[pl.ds(s * RPT, RPT)],
                    out_hbm.at[c, pl.ds(s * RPT, RPT)])



def _pair_expand(dvp):
    r2 = lax.broadcasted_iota(jnp.int32, (2, 128), 0)
    ll = lax.broadcasted_iota(jnp.int32, (2, 128), 1)
    sel = (ll // 64 == r2).astype(jnp.float32)
    return lax.dot_general(dvp, sel, (((1,), (0,)), ((), ())),
                           preferred_element_type=jnp.float32)


def _tc_dinv_body(degp_ref, dinv_ref):
    v = jnp.reshape(degp_ref[...], (NW, NPAD // 128, 128))
    deg = jnp.sum(v, axis=0) + 1.0
    dinv_ref[...] = lax.rsqrt(deg)


def _tc_first_body(xv_ref, w_ref, dvp_ref, hp_ref):
    dinvw = _pair_expand(dvp_ref[...])
    h = jnp.dot(xv_ref[...], w_ref[...], preferred_element_type=jnp.float32)
    hp_ref[...] = h * dinvw


def _tc_mid_body(aggp_ref, hp_ref, dvp_ref, b_ref, w_ref, out_ref):
    dinvw = _pair_expand(dvp_ref[...])
    a = aggp_ref[...]
    agg = a[0] + a[1] + hp_ref[...]
    z = jnp.maximum(agg * dinvw + b_ref[...], 0.0)
    out_ref[...] = jnp.dot(
        z, w_ref[...], preferred_element_type=jnp.float32) * dinvw


def _tc_pool_body(aggp_ref, hp_ref, dvp_ref, b_ref, batch_ref,
                  linw_ref, linb_ref, out_ref, acc_ref):
    i = pl.program_id(0)
    dinvw = _pair_expand(dvp_ref[...])
    a = aggp_ref[...]
    z = (a[0] + a[1] + hp_ref[...]) * dinvw + b_ref[...]
    bb = batch_ref[...]
    gi = lax.broadcasted_iota(jnp.int32, (_BW, G), 1)
    oh_e = (gi == bb[:, :1]).astype(jnp.float32)
    oh_o = (gi == bb[:, 1:]).astype(jnp.float32)
    ones = jnp.ones((_BW, 1), jnp.float32)
    zc_e = jnp.concatenate([z[:, :H], ones], axis=1)
    zc_o = jnp.concatenate([z[:, H:], ones], axis=1)
    part = (lax.dot_general(oh_e, zc_e, (((0,), (0,)), ((), ())),
                            preferred_element_type=jnp.float32)
            + lax.dot_general(oh_o, zc_o, (((0,), (0,)), ((), ())),
                              preferred_element_type=jnp.float32))

    @pl.when(i == 0)
    def _():
        acc_ref[...] = part

    @pl.when(i > 0)
    def _():
        acc_ref[...] = acc_ref[...] + part

    @pl.when(i == pl.num_programs(0) - 1)
    def _():
        sums = acc_ref[:, :H]
        cnt = acc_ref[:, H:]
        pooled = sums / jnp.maximum(cnt, 1.0)
        out_ref[...] = jnp.dot(
            pooled, linw_ref[...],
            preferred_element_type=jnp.float32) + linb_ref[...]


def _tc_dinv(degpv):
    return pl.pallas_call(
        _tc_dinv_body,
        grid=(1,),
        in_specs=[pl.BlockSpec((NW * NPAD // 128, 128), lambda i: (0, 0))],
        out_specs=pl.BlockSpec((NPAD // 128, 128), lambda i: (0, 0)),
        out_shape=jax.ShapeDtypeStruct((NPAD // 128, 128), jnp.float32),
    )(degpv)


def _tc_first(xv, wblk, dvp):
    return pl.pallas_call(
        _tc_first_body,
        grid=(N // BR,),
        in_specs=[
            pl.BlockSpec((_BW, 2 * F_IN), lambda i: (i, 0)),
            pl.BlockSpec((2 * F_IN, 128), lambda i: (0, 0)),
            pl.BlockSpec((_BW, 2), lambda i: (i, 0)),
        ],
        out_specs=pl.BlockSpec((_BW, 128), lambda i: (i, 0)),
        out_shape=jax.ShapeDtypeStruct((_VR, 128), jnp.float32),
    )(xv, wblk, dvp)


def _tc_mid(aggv, hpw, dvp, bb, wblk):
    return pl.pallas_call(
        _tc_mid_body,
        grid=(N // BR,),
        in_specs=[
            pl.BlockSpec((NC, _BW, 128), lambda i: (0, i, 0)),
            pl.BlockSpec((_BW, 128), lambda i: (i, 0)),
            pl.BlockSpec((_BW, 2), lambda i: (i, 0)),
            pl.BlockSpec((1, 128), lambda i: (0, 0)),
            pl.BlockSpec((128, 128), lambda i: (0, 0)),
        ],
        out_specs=pl.BlockSpec((_BW, 128), lambda i: (i, 0)),
        out_shape=jax.ShapeDtypeStruct((_VR, 128), jnp.float32),
    )(aggv, hpw, dvp, bb, wblk)


def _tc_pool(aggv, hpw, dvp, bb, batch2, linw, linb):
    return pl.pallas_call(
        _tc_pool_body,
        grid=(N // BR,),
        in_specs=[
            pl.BlockSpec((NC, _BW, 128), lambda i: (0, i, 0)),
            pl.BlockSpec((_BW, 128), lambda i: (i, 0)),
            pl.BlockSpec((_BW, 2), lambda i: (i, 0)),
            pl.BlockSpec((1, 128), lambda i: (0, 0)),
            pl.BlockSpec((_BW, 2), lambda i: (i, 0)),
            pl.BlockSpec((H, C), lambda i: (0, 0)),
            pl.BlockSpec((1, C), lambda i: (0, 0)),
        ],
        out_specs=pl.BlockSpec((G, C), lambda i: (0, 0)),
        out_shape=jax.ShapeDtypeStruct((G, C), jnp.float32),
        scratch_shapes=[pltpu.VMEM((G, H + 1), jnp.float32)],
    )(aggv, hpw, dvp, bb, batch2, linw, linb)



def _blockdiag(w):
    k, m = w.shape
    out = jnp.zeros((2 * k, 2 * m), jnp.float32)
    return out.at[:k, :m].set(w).at[k:, m:].set(w)


def kernel(x, edge_index, batch, W1, b1, W2, b2, W3, b3, lin_W, lin_b):
    src2 = edge_index[0].reshape(E // EC, EC)
    dst = edge_index[1]
    dst2 = dst.reshape(E // EC, EC)
    degpv = _sc_hist(dst).reshape(NW * NPAD // 128, 128)
    dvp = _tc_dinv(degpv).reshape(NPAD)[:N].reshape(N // 2, 2)
    xv = x.reshape(N // 2, 2 * F_IN)
    bb1 = jnp.concatenate([b1, b1]).reshape(1, 128)
    bb2 = jnp.concatenate([b2, b2]).reshape(1, 128)
    bb3 = jnp.concatenate([b3, b3]).reshape(1, 128)
    hpw1 = _tc_first(xv, _blockdiag(W1), dvp)
    agg1 = _sc_agg(hpw1.reshape(N, H), src2, dst2)
    hpw2 = _tc_mid(agg1.reshape(NC, NACC * H // 128, 128), hpw1, dvp,
                   bb1, _blockdiag(W2))
    agg2 = _sc_agg(hpw2.reshape(N, H), src2, dst2)
    hpw3 = _tc_mid(agg2.reshape(NC, NACC * H // 128, 128), hpw2, dvp,
                   bb2, _blockdiag(W3))
    agg3 = _sc_agg(hpw3.reshape(N, H), src2, dst2)
    return _tc_pool(agg3.reshape(NC, NACC * H // 128, 128), hpw3, dvp,
                    bb3, batch.reshape(N // 2, 2),
                    lin_W, lin_b.reshape(1, C))

# --- scband reference (transcript-rebuilt; emitter-appended) ---
"""Pipeline reference for scband-advanced-gcn-31988916421038 (READ-ONLY COPY).

The authoritative reference and input builder live on the scoring server;
editing this copy changes nothing except your own understanding.
"""

import jax, jax.numpy as jnp
import numpy as np

N = 10000
E = 320000
F_IN = 128
H = 64
C = 10
G = 64


def setup_inputs(seed: int = 0) -> dict:
    key = jax.random.key(seed)
    ks = jax.random.split(key, 12)
    x = jax.random.normal(ks[0], (N, F_IN), dtype=jnp.float32)
    edge_index = jax.random.randint(ks[1], (2, E), 0, N, dtype=jnp.int32)
    batch = jnp.sort(jax.random.randint(ks[2], (N,), 0, G, dtype=jnp.int32))
    s1 = 1.0 / np.sqrt(F_IN)
    s2 = 1.0 / np.sqrt(H)
    W1 = jax.random.uniform(ks[3], (F_IN, H), jnp.float32, -s1, s1)
    b1 = jnp.zeros((H,), jnp.float32)
    W2 = jax.random.uniform(ks[4], (H, H), jnp.float32, -s2, s2)
    b2 = jnp.zeros((H,), jnp.float32)
    W3 = jax.random.uniform(ks[5], (H, H), jnp.float32, -s2, s2)
    b3 = jnp.zeros((H,), jnp.float32)
    lin_W = jax.random.uniform(ks[6], (H, C), jnp.float32, -s2, s2)
    lin_b = jnp.zeros((C,), jnp.float32)
    return {"x": x, "edge_index": edge_index, "batch": batch,
            "W1": W1, "b1": b1, "W2": W2, "b2": b2, "W3": W3, "b3": b3,
            "lin_W": lin_W, "lin_b": lin_b}


def gcn_layer(x, edge_index, W, b):
    # GCNConv: add self-loops, symmetric normalization, linear transform, scatter-add aggregate
    loops = jnp.arange(N, dtype=edge_index.dtype)
    src = jnp.concatenate([edge_index[0], loops])
    dst = jnp.concatenate([edge_index[1], loops])
    deg = jnp.zeros((N,), jnp.float32).at[dst].add(1.0)
    dinv = jnp.where(deg > 0, 1.0 / jnp.sqrt(deg), 0.0)
    norm = dinv[src] * dinv[dst]
    h = x @ W
    msg = h[src] * norm[:, None]
    out = jnp.zeros((N, W.shape[1]), jnp.float32).at[dst].add(msg)
    return out + b


def reference(x, edge_index, batch, W1, b1, W2, b2, W3, b3, lin_W, lin_b):
    # dropout in eval mode is identity
    h = jax.nn.relu(gcn_layer(x, edge_index, W1, b1))
    h = jax.nn.relu(gcn_layer(h, edge_index, W2, b2))
    h = gcn_layer(h, edge_index, W3, b3)
    # global_mean_pool over graph ids
    sums = jax.ops.segment_sum(h, batch, num_segments=G)
    cnt = jax.ops.segment_sum(jnp.ones((N, 1), jnp.float32), batch, num_segments=G)
    pooled = sums / jnp.maximum(cnt, 1.0)
    return pooled @ lin_W + lin_b

if __name__ == "__main__":
    import jax
    _d = setup_inputs()
    print(jax.jit(kernel)(*tuple(_d.values())))

</pallas_src>

<mosaic_0001>
#map = affine_map<(d0, d1) -> (0)>
#map1 = affine_map<(d0, d1) -> (0, 0)>
module attributes {stable_mosaic.version = 14 : i64} {
  func.func @_sc_hist(%arg0: i32, %arg1: i32, %arg2: memref<320000xi32, #tpu.memory_space<hbm>>, %arg3: memref<32x10240xf32, #tpu.memory_space<hbm>>, %arg4: memref<10240xf32, #tpu.memory_space<vmem>>, %arg5: memref<10000xi32, #tpu.memory_space<vmem>>, %arg6: memref<!tpu.dma_semaphore, #tpu.memory_space<semaphore_mem>>) attributes {dimension_semantics = [#tpu.dimension_semantics<core_parallel>, #tpu.dimension_semantics<subcore_parallel>], iteration_bounds = array<i64: 2, 16>, scalar_prefetch = 0 : i64, scratch_operands = 3 : i64, tpu.core_type = #tpu.core_type<sc_vector_subcore>, window_params = [{transform_indices = #map}, {transform_indices = #map1}]} {
    %mul3A = arith.constant 2 : i32
    %mul3A_0 = arith.muli %arg1, %mul3A : i32
    %add3A = arith.addi %mul3A_0, %arg0 : i32
    %mul3A_1 = arith.constant 10000 : i32
    %mul3A_2 = arith.muli %add3A, %mul3A_1 : i32
    %dma_start3A = tpu.memref_slice %arg2[%mul3A_2] : memref<320000xi32, #tpu.memory_space<hbm>> -> memref<10000xi32, #tpu.memory_space<hbm>>
    %dma_start3A_3 = tpu.memref_slice %arg2[%mul3A_2] : memref<320000xi32, #tpu.memory_space<hbm>> -> memref<10000xi32, #tpu.memory_space<hbm>>
    tpu.enqueue_dma source(%dma_start3A_3 : memref<10000xi32, #tpu.memory_space<hbm>>) target(%arg5 : memref<10000xi32, #tpu.memory_space<vmem>>) target_semaphore(%arg6 : memref<!tpu.dma_semaphore, #tpu.memory_space<semaphore_mem>>)
    %broadcast_in_dim3A = arith.constant 0.000000e+00 : f32
    %broadcast_in_dim3A_4 = vector.broadcast %broadcast_in_dim3A : f32 to vector<16xf32>
    %scan3A = arith.constant 0 : i32
    %scan3A_5 = arith.constant 0 : i32
    %scan3A_6 = arith.constant 640 : i32
    %scan3A_7 = arith.addi %scan3A_5, %scan3A_6 : i32
    %scan3A_8 = arith.constant 1 : i32
    scf.for %scan3A_19 = %scan3A_5 to %scan3A_7 step %scan3A_8  : i32 {
      %mul3A_20 = arith.constant 16 : i32
      %mul3A_21 = arith.muli %scan3A_19, %mul3A_20 : i32
      %swap3A = arith.index_cast %mul3A_21 : i32 to index
      %swap3A_22 = tpu.vector_load %arg4[%swap3A] {strides = array<i32>} : memref<10240xf32, #tpu.memory_space<vmem>>, vector<16xf32>,
      tpu.vector_store %arg4[%swap3A], %broadcast_in_dim3A_4 {strides = array<i32>} : memref<10240xf32, #tpu.memory_space<vmem>>, vector<16xf32>,
    }
    %scan3A_9 = arith.constant 640 : i32
    %dma_wait3A = tpu.memref_slice %arg2[%mul3A_2] : memref<320000xi32, #tpu.memory_space<hbm>> -> memref<10000xi32, #tpu.memory_space<hbm>>
    %dma_wait3A_10 = tpu.memref_slice %arg2[%mul3A_2] : memref<320000xi32, #tpu.memory_space<hbm>> -> memref<10000xi32, #tpu.memory_space<hbm>>
    tpu.wait_dma2 semaphore(%arg6 : memref<!tpu.dma_semaphore, #tpu.memory_space<semaphore_mem>>) src(%dma_wait3A_10 : memref<10000xi32, #tpu.memory_space<hbm>>) dst(%arg5 : memref<10000xi32, #tpu.memory_space<vmem>>)
    %broadcast_in_dim3A_11 = arith.constant 1.000000e+00 : f32
    %broadcast_in_dim3A_12 = vector.broadcast %broadcast_in_dim3A_11 : f32 to vector<16xf32>
    %scan3A_13 = arith.constant 0 : i32
    %scan3A_14 = arith.constant 0 : i32
    %scan3A_15 = arith.constant 625 : i32
    %scan3A_16 = arith.addi %scan3A_14, %scan3A_15 : i32
    %scan3A_17 = arith.constant 1 : i32
    scf.for %scan3A_19 = %scan3A_14 to %scan3A_16 step %scan3A_17  : i32 {
      %mul3A_20 = arith.constant 16 : i32
      %mul3A_21 = arith.muli %scan3A_19, %mul3A_20 : i32
      %get3A = arith.index_cast %mul3A_21 : i32 to index
      %get3A_22 = tpu.vector_load %arg5[%get3A] {strides = array<i32>} : memref<10000xi32, #tpu.memory_space<vmem>>, vector<16xi32>,
      tpu.vector_store_idx %arg4[%get3A_22], %broadcast_in_dim3A_12 {add = true} : memref<10240xf32, #tpu.memory_space<vmem>>[vector<16xi32>], vector<16xf32>,
    }
    %scan3A_18 = arith.constant 625 : i32
    "tpu.region"() ({
      %run_scoped3A = tpu.sem_alloc : memref<!tpu.dma_semaphore, #tpu.memory_space<semaphore_mem>>
      %dma_start3A_19 = arith.constant 0 : i32
      %dma_start3A_20 = tpu.memref_slice %arg3[%add3A, %dma_start3A_19] : memref<32x10240xf32, #tpu.memory_space<hbm>> -> memref<1x10240xf32, #tpu.memory_space<hbm>>
      %dma_start3A_21 = tpu.memref_squeeze %dma_start3A_20 : memref<1x10240xf32, #tpu.memory_space<hbm>> -> memref<10240xf32, #tpu.memory_space<hbm>>
      %dma_start3A_22 = arith.constant 0 : i32
      %dma_start3A_23 = tpu.memref_slice %arg3[%add3A, %dma_start3A_22] : memref<32x10240xf32, #tpu.memory_space<hbm>> -> memref<1x10240xf32, #tpu.memory_space<hbm>>
      %dma_start3A_24 = tpu.memref_squeeze %dma_start3A_23 : memref<1x10240xf32, #tpu.memory_space<hbm>> -> memref<10240xf32, #tpu.memory_space<hbm>>
      tpu.enqueue_dma source(%arg4 : memref<10240xf32, #tpu.memory_space<vmem>>) target(%dma_start3A_24 : memref<10240xf32, #tpu.memory_space<hbm>>) target_semaphore(%run_scoped3A : memref<!tpu.dma_semaphore, #tpu.memory_space<semaphore_mem>>)
      %dma_wait3A_25 = arith.constant 0 : i32
      %dma_wait3A_26 = tpu.memref_slice %arg3[%add3A, %dma_wait3A_25] : memref<32x10240xf32, #tpu.memory_space<hbm>> -> memref<1x10240xf32, #tpu.memory_space<hbm>>
      %dma_wait3A_27 = tpu.memref_squeeze %dma_wait3A_26 : memref<1x10240xf32, #tpu.memory_space<hbm>> -> memref<10240xf32, #tpu.memory_space<hbm>>
      %dma_wait3A_28 = arith.constant 0 : i32
      %dma_wait3A_29 = tpu.memref_slice %arg3[%add3A, %dma_wait3A_28] : memref<32x10240xf32, #tpu.memory_space<hbm>> -> memref<1x10240xf32, #tpu.memory_space<hbm>>
      %dma_wait3A_30 = tpu.memref_squeeze %dma_wait3A_29 : memref<1x10240xf32, #tpu.memory_space<hbm>> -> memref<10240xf32, #tpu.memory_space<hbm>>
      tpu.wait_dma2 semaphore(%run_scoped3A : memref<!tpu.dma_semaphore, #tpu.memory_space<semaphore_mem>>) src(%arg4 : memref<10240xf32, #tpu.memory_space<vmem>>) dst(%dma_wait3A_30 : memref<10240xf32, #tpu.memory_space<hbm>>)
      tpu.yield
    }) : () -> ()
    return
  }
}

#map = affine_map<(d0, d1) -> (0, 0)>
#map1 = affine_map<(d0, d1) -> (0, 0, 0)>
module attributes {stable_mosaic.version = 14 : i64} {
  func.func @_sc_agg(%arg0: i32, %arg1: i32, %arg2: memref<10000x64xf32, #tpu.memory_space<hbm>>, %arg3: memref<4000x80xi32, #tpu.memory_space<hbm>>, %arg4: memref<4000x80xi32, #tpu.memory_space<hbm>>, %arg5: memref<2x10240x64xf32, #tpu.memory_space<hbm>>, %arg6: memref<125x80xi32, #tpu.memory_space<vmem>>, %arg7: memref<125x80xi32, #tpu.memory_space<vmem>>, %arg8: memref<80x64xf32, #tpu.memory_space<vmem>>, %arg9: memref<80x64xf32, #tpu.memory_space<vmem>>, %arg10: memref<80x64xf32, #tpu.memory_space<vmem>>, %arg11: memref<80x64xf32, #tpu.memory_space<vmem>>, %arg12: memref<80x64xf32, #tpu.memory_space<vmem>>, %arg13: memref<10240x64xf32, #tpu.memory_space<vmem_shared>>, %arg14: memref<!tpu.dma_semaphore, #tpu.memory_space<semaphore_mem>>, %arg15: memref<!tpu.dma_semaphore, #tpu.memory_space<semaphore_mem>>, %arg16: memref<!tpu.dma_semaphore, #tpu.memory_space<semaphore_mem>>, %arg17: memref<!tpu.dma_semaphore, #tpu.memory_space<semaphore_mem>>, %arg18: memref<!tpu.dma_semaphore, #tpu.memory_space<semaphore_mem>>, %arg19: memref<!tpu.dma_semaphore, #tpu.memory_space<semaphore_mem>>) attributes {dimension_semantics = [#tpu.dimension_semantics<core_parallel>, #tpu.dimension_semantics<subcore_parallel>], iteration_bounds = array<i64: 2, 16>, scalar_prefetch = 0 : i64, scratch_operands = 14 : i64, tpu.core_type = #tpu.core_type<sc_vector_subcore>, window_params = [{transform_indices = #map}, {transform_indices = #map}, {transform_indices = #map}, {transform_indices = #map1}]} {
    %mul3A = arith.constant 2 : i32
    %mul3A_0 = arith.muli %arg1, %mul3A : i32
    %add3A = arith.addi %mul3A_0, %arg0 : i32
    %mul3A_1 = arith.constant 125 : i32
    %mul3A_2 = arith.muli %add3A, %mul3A_1 : i32
    %dma_start3A = arith.constant 0 : i32
    %dma_start3A_3 = tpu.memref_slice %arg3[%mul3A_2, %dma_start3A] : memref<4000x80xi32, #tpu.memory_space<hbm>> -> memref<125x80xi32, #tpu.memory_space<hbm>>
    %dma_start3A_4 = arith.constant 0 : i32
    %dma_start3A_5 = tpu.memref_slice %arg3[%mul3A_2, %dma_start3A_4] : memref<4000x80xi32, #tpu.memory_space<hbm>> -> memref<125x80xi32, #tpu.memory_space<hbm>>
    tpu.enqueue_dma source(%dma_start3A_5 : memref<125x80xi32, #tpu.memory_space<hbm>>) target(%arg6 : memref<125x80xi32, #tpu.memory_space<vmem>>) target_semaphore(%arg14 : memref<!tpu.dma_semaphore, #tpu.memory_space<semaphore_mem>>)
    %mul3A_6 = arith.constant 125 : i32
    %mul3A_7 = arith.muli %add3A, %mul3A_6 : i32
    %dma_start3A_8 = arith.constant 0 : i32
    %dma_start3A_9 = tpu.memref_slice %arg4[%mul3A_7, %dma_start3A_8] : memref<4000x80xi32, #tpu.memory_space<hbm>> -> memref<125x80xi32, #tpu.memory_space<hbm>>
    %dma_start3A_10 = arith.constant 0 : i32
    %dma_start3A_11 = tpu.memref_slice %arg4[%mul3A_7, %dma_start3A_10] : memref<4000x80xi32, #tpu.memory_space<hbm>> -> memref<125x80xi32, #tpu.memory_space<hbm>>
    tpu.enqueue_dma source(%dma_start3A_11 : memref<125x80xi32, #tpu.memory_space<hbm>>) target(%arg7 : memref<125x80xi32, #tpu.memory_space<vmem>>) target_semaphore(%arg14 : memref<!tpu.dma_semaphore, #tpu.memory_space<semaphore_mem>>)
    %broadcast_in_dim3A = arith.constant 0.000000e+00 : f32
    %broadcast_in_dim3A_12 = vector.broadcast %broadcast_in_dim3A : f32 to vector<16xf32>
    %scan3A = arith.constant 0 : i32
    %scan3A_13 = arith.constant 0 : i32
    %scan3A_14 = arith.constant 320 : i32
    %scan3A_15 = arith.addi %scan3A_13, %scan3A_14 : i32
    %scan3A_16 = arith.constant 1 : i32
    scf.for %scan3A_103 = %scan3A_13 to %scan3A_15 step %scan3A_16  : i32 {
      %jit3A = arith.constant 4 : i32
      %div3A = arith.divsi %scan3A_103, %jit3A : i32
      %sign3A = arith.constant 0 : i32
      %sign3A_104 = arith.cmpi sgt, %scan3A_103, %sign3A : i32
      %sign3A_105 = arith.extui %sign3A_104 : i1 to i32
      %sign3A_106 = arith.constant 0 : i32
      %sign3A_107 = arith.cmpi slt, %scan3A_103, %sign3A_106 : i32
      %sign3A_108 = arith.extui %sign3A_107 : i1 to i32
      %sign3A_109 = arith.subi %sign3A_105, %sign3A_108 : i32
      %sign3A_110 = arith.constant 0 : i32
      %sign3A_111 = arith.cmpi sgt, %jit3A, %sign3A_110 : i32
      %sign3A_112 = arith.extui %sign3A_111 : i1 to i32
      %sign3A_113 = arith.constant 0 : i32
      %sign3A_114 = arith.cmpi slt, %jit3A, %sign3A_113 : i32
      %sign3A_115 = arith.extui %sign3A_114 : i1 to i32
      %sign3A_116 = arith.subi %sign3A_112, %sign3A_115 : i32
      %ne3A = arith.cmpi ne, %sign3A_109, %sign3A_116 : i32
      %rem3A = arith.remsi %scan3A_103, %jit3A : i32
      %ne3A_117 = arith.constant 0 : i32
      %ne3A_118 = arith.cmpi ne, %rem3A, %ne3A_117 : i32
      %and3A = arith.andi %ne3A, %ne3A_118 : i1
      %sub3A = arith.constant 1 : i32
      %sub3A_119 = arith.subi %div3A, %sub3A : i32
      %select_n3A = arith.select %and3A, %sub3A_119, %div3A : i32
      %jit3A_120 = arith.constant 4 : i32
      %eq3A = arith.constant 0 : i32
      %eq3A_121 = arith.cmpi eq, %jit3A_120, %eq3A : i32
      %jit3A_122 = arith.constant 1 : i32
      %select_n3A_123 = arith.select %eq3A_121, %jit3A_122, %jit3A_120 : i32
      %rem3A_124 = arith.remsi %scan3A_103, %select_n3A_123 : i32
      %ne3A_125 = arith.constant 0 : i32
      %ne3A_126 = arith.cmpi ne, %rem3A_124, %ne3A_125 : i32
      %lt3A = arith.constant 0 : i32
      %lt3A_127 = arith.cmpi slt, %rem3A_124, %lt3A : i32
      %lt3A_128 = arith.constant 0 : i32
      %lt3A_129 = arith.cmpi slt, %select_n3A_123, %lt3A_128 : i32
      %ne3A_130 = arith.xori %lt3A_127, %lt3A_129 : i1
      %and3A_131 = arith.andi %ne3A_130, %ne3A_126 : i1
      %add3A_132 = arith.addi %rem3A_124, %select_n3A_123 : i32
      %select_n3A_133 = arith.select %and3A_131, %add3A_132, %rem3A_124 : i32
      %mul3A_134 = arith.constant 16 : i32
      %mul3A_135 = arith.muli %select_n3A_133, %mul3A_134 : i32
      %swap3A = arith.index_cast %select_n3A : i32 to index
      %swap3A_136 = arith.index_cast %mul3A_135 : i32 to index
      %swap3A_137 = tpu.vector_load %arg8[%swap3A, %swap3A_136] {strides = array<i32>} : memref<80x64xf32, #tpu.memory_space<vmem>>, vector<16xf32>,
      tpu.vector_store %arg8[%swap3A, %swap3A_136], %broadcast_in_dim3A_12 {strides = array<i32>} : memref<80x64xf32, #tpu.memory_space<vmem>>, vector<16xf32>,
    }
    %scan3A_17 = arith.constant 320 : i32
    %mul3A_18 = arith.constant 640 : i32
    %mul3A_19 = arith.muli %arg1, %mul3A_18 : i32
    %add3A_20 = arith.constant 0 : i32
    %add3A_21 = arith.addi %mul3A_19, %add3A_20 : i32
    "tpu.region"() ({
      %run_scoped3A = tpu.sem_alloc : memref<!tpu.dma_semaphore, #tpu.memory_space<semaphore_mem>>
      %dma_start3A_103 = arith.constant 0 : i32
      %dma_start3A_104 = tpu.memref_slice %arg13[%add3A_21, %dma_start3A_103] : memref<10240x64xf32, #tpu.memory_space<vmem_shared>> -> memref<80x64xf32, #tpu.memory_space<vmem_shared>>
      %dma_start3A_105 = arith.constant 0 : i32
      %dma_start3A_106 = tpu.memref_slice %arg13[%add3A_21, %dma_start3A_105] : memref<10240x64xf32, #tpu.memory_space<vmem_shared>> -> memref<80x64xf32, #tpu.memory_space<vmem_shared>>
      tpu.enqueue_dma source(%arg8 : memref<80x64xf32, #tpu.memory_space<vmem>>) target(%dma_start3A_106 : memref<80x64xf32, #tpu.memory_space<vmem_shared>>) target_semaphore(%run_scoped3A : memref<!tpu.dma_semaphore, #tpu.memory_space<semaphore_mem>>)
      %dma_wait3A_107 = arith.constant 0 : i32
      %dma_wait3A_108 = tpu.memref_slice %arg13[%add3A_21, %dma_wait3A_107] : memref<10240x64xf32, #tpu.memory_space<vmem_shared>> -> memref<80x64xf32, #tpu.memory_space<vmem_shared>>
      %dma_wait3A_109 = arith.constant 0 : i32
      %dma_wait3A_110 = tpu.memref_slice %arg13[%add3A_21, %dma_wait3A_109] : memref<10240x64xf32, #tpu.memory_space<vmem_shared>> -> memref<80x64xf32, #tpu.memory_space<vmem_shared>>
      tpu.wait_dma2 semaphore(%run_scoped3A : memref<!tpu.dma_semaphore, #tpu.memory_space<semaphore_mem>>) src(%arg8 : memref<80x64xf32, #tpu.memory_space<vmem>>) dst(%dma_wait3A_110 : memref<80x64xf32, #tpu.memory_space<vmem_shared>>)
      tpu.yield
    }) : () -> ()
    %mul3A_22 = arith.constant 640 : i32
    %mul3A_23 = arith.muli %arg1, %mul3A_22 : i32
    %add3A_24 = arith.constant 80 : i32
    %add3A_25 = arith.addi %mul3A_23, %add3A_24 : i32
    "tpu.region"() ({
      %run_scoped3A = tpu.sem_alloc : memref<!tpu.dma_semaphore, #tpu.memory_space<semaphore_mem>>
      %dma_start3A_103 = arith.constant 0 : i32
      %dma_start3A_104 = tpu.memref_slice %arg13[%add3A_25, %dma_start3A_103] : memref<10240x64xf32, #tpu.memory_space<vmem_shared>> -> memref<80x64xf32, #tpu.memory_space<vmem_shared>>
      %dma_start3A_105 = arith.constant 0 : i32
      %dma_start3A_106 = tpu.memref_slice %arg13[%add3A_25, %dma_start3A_105] : memref<10240x64xf32, #tpu.memory_space<vmem_shared>> -> memref<80x64xf32, #tpu.memory_space<vmem_shared>>
      tpu.enqueue_dma source(%arg8 : memref<80x64xf32, #tpu.memory_space<vmem>>) target(%dma_start3A_106 : memref<80x64xf32, #tpu.memory_space<vmem_shared>>) target_semaphore(%run_scoped3A : memref<!tpu.dma_semaphore, #tpu.memory_space<semaphore_mem>>)
      %dma_wait3A_107 = arith.constant 0 : i32
      %dma_wait3A_108 = tpu.memref_slice %arg13[%add3A_25, %dma_wait3A_107] : memref<10240x64xf32, #tpu.memory_space<vmem_shared>> -> memref<80x64xf32, #tpu.memory_space<vmem_shared>>
      %dma_wait3A_109 = arith.constant 0 : i32
      %dma_wait3A_110 = tpu.memref_slice %arg13[%add3A_25, %dma_wait3A_109] : memref<10240x64xf32, #tpu.memory_space<vmem_shared>> -> memref<80x64xf32, #tpu.memory_space<vmem_shared>>
      tpu.wait_dma2 semaphore(%run_scoped3A : memref<!tpu.dma_semaphore, #tpu.memory_space<semaphore_mem>>) src(%arg8 : memref<80x64xf32, #tpu.memory_space<vmem>>) dst(%dma_wait3A_110 : memref<80x64xf32, #tpu.memory_space<vmem_shared>>)
      tpu.yield
    }) : () -> ()
    %mul3A_26 = arith.constant 640 : i32
    %mul3A_27 = arith.muli %arg1, %mul3A_26 : i32
    %add3A_28 = arith.constant 160 : i32
    %add3A_29 = arith.addi %mul3A_27, %add3A_28 : i32
    "tpu.region"() ({
      %run_scoped3A = tpu.sem_alloc : memref<!tpu.dma_semaphore, #tpu.memory_space<semaphore_mem>>
      %dma_start3A_103 = arith.constant 0 : i32
      %dma_start3A_104 = tpu.memref_slice %arg13[%add3A_29, %dma_start3A_103] : memref<10240x64xf32, #tpu.memory_space<vmem_shared>> -> memref<80x64xf32, #tpu.memory_space<vmem_shared>>
      %dma_start3A_105 = arith.constant 0 : i32
      %dma_start3A_106 = tpu.memref_slice %arg13[%add3A_29, %dma_start3A_105] : memref<10240x64xf32, #tpu.memory_space<vmem_shared>> -> memref<80x64xf32, #tpu.memory_space<vmem_shared>>
      tpu.enqueue_dma source(%arg8 : memref<80x64xf32, #tpu.memory_space<vmem>>) target(%dma_start3A_106 : memref<80x64xf32, #tpu.memory_space<vmem_shared>>) target_semaphore(%run_scoped3A : memref<!tpu.dma_semaphore, #tpu.memory_space<semaphore_mem>>)
      %dma_wait3A_107 = arith.constant 0 : i32
      %dma_wait3A_108 = tpu.memref_slice %arg13[%add3A_29, %dma_wait3A_107] : memref<10240x64xf32, #tpu.memory_space<vmem_shared>> -> memref<80x64xf32, #tpu.memory_space<vmem_shared>>
      %dma_wait3A_109 = arith.constant 0 : i32
      %dma_wait3A_110 = tpu.memref_slice %arg13[%add3A_29, %dma_wait3A_109] : memref<10240x64xf32, #tpu.memory_space<vmem_shared>> -> memref<80x64xf32, #tpu.memory_space<vmem_shared>>
      tpu.wait_dma2 semaphore(%run_scoped3A : memref<!tpu.dma_semaphore, #tpu.memory_space<semaphore_mem>>) src(%arg8 : memref<80x64xf32, #tpu.memory_space<vmem>>) dst(%dma_wait3A_110 : memref<80x64xf32, #tpu.memory_space<vmem_shared>>)
      tpu.yield
    }) : () -> ()
    %mul3A_30 = arith.constant 640 : i32
    %mul3A_31 = arith.muli %arg1, %mul3A_30 : i32
    %add3A_32 = arith.constant 240 : i32
    %add3A_33 = arith.addi %mul3A_31, %add3A_32 : i32
    "tpu.region"() ({
      %run_scoped3A = tpu.sem_alloc : memref<!tpu.dma_semaphore, #tpu.memory_space<semaphore_mem>>
      %dma_start3A_103 = arith.constant 0 : i32
      %dma_start3A_104 = tpu.memref_slice %arg13[%add3A_33, %dma_start3A_103] : memref<10240x64xf32, #tpu.memory_space<vmem_shared>> -> memref<80x64xf32, #tpu.memory_space<vmem_shared>>
      %dma_start3A_105 = arith.constant 0 : i32
      %dma_start3A_106 = tpu.memref_slice %arg13[%add3A_33, %dma_start3A_105] : memref<10240x64xf32, #tpu.memory_space<vmem_shared>> -> memref<80x64xf32, #tpu.memory_space<vmem_shared>>
      tpu.enqueue_dma source(%arg8 : memref<80x64xf32, #tpu.memory_space<vmem>>) target(%dma_start3A_106 : memref<80x64xf32, #tpu.memory_space<vmem_shared>>) target_semaphore(%run_scoped3A : memref<!tpu.dma_semaphore, #tpu.memory_space<semaphore_mem>>)
      %dma_wait3A_107 = arith.constant 0 : i32
      %dma_wait3A_108 = tpu.memref_slice %arg13[%add3A_33, %dma_wait3A_107] : memref<10240x64xf32, #tpu.memory_space<vmem_shared>> -> memref<80x64xf32, #tpu.memory_space<vmem_shared>>
      %dma_wait3A_109 = arith.constant 0 : i32
      %dma_wait3A_110 = tpu.memref_slice %arg13[%add3A_33, %dma_wait3A_109] : memref<10240x64xf32, #tpu.memory_space<vmem_shared>> -> memref<80x64xf32, #tpu.memory_space<vmem_shared>>
      tpu.wait_dma2 semaphore(%run_scoped3A : memref<!tpu.dma_semaphore, #tpu.memory_space<semaphore_mem>>) src(%arg8 : memref<80x64xf32, #tpu.memory_space<vmem>>) dst(%dma_wait3A_110 : memref<80x64xf32, #tpu.memory_space<vmem_shared>>)
      tpu.yield
    }) : () -> ()
    %mul3A_34 = arith.constant 640 : i32
    %mul3A_35 = arith.muli %arg1, %mul3A_34 : i32
    %add3A_36 = arith.constant 320 : i32
    %add3A_37 = arith.addi %mul3A_35, %add3A_36 : i32
    "tpu.region"() ({
      %run_scoped3A = tpu.sem_alloc : memref<!tpu.dma_semaphore, #tpu.memory_space<semaphore_mem>>
      %dma_start3A_103 = arith.constant 0 : i32
      %dma_start3A_104 = tpu.memref_slice %arg13[%add3A_37, %dma_start3A_103] : memref<10240x64xf32, #tpu.memory_space<vmem_shared>> -> memref<80x64xf32, #tpu.memory_space<vmem_shared>>
      %dma_start3A_105 = arith.constant 0 : i32
      %dma_start3A_106 = tpu.memref_slice %arg13[%add3A_37, %dma_start3A_105] : memref<10240x64xf32, #tpu.memory_space<vmem_shared>> -> memref<80x64xf32, #tpu.memory_space<vmem_shared>>
      tpu.enqueue_dma source(%arg8 : memref<80x64xf32, #tpu.memory_space<vmem>>) target(%dma_start3A_106 : memref<80x64xf32, #tpu.memory_space<vmem_shared>>) target_semaphore(%run_scoped3A : memref<!tpu.dma_semaphore, #tpu.memory_space<semaphore_mem>>)
      %dma_wait3A_107 = arith.constant 0 : i32
      %dma_wait3A_108 = tpu.memref_slice %arg13[%add3A_37, %dma_wait3A_107] : memref<10240x64xf32, #tpu.memory_space<vmem_shared>> -> memref<80x64xf32, #tpu.memory_space<vmem_shared>>
      %dma_wait3A_109 = arith.constant 0 : i32
      %dma_wait3A_110 = tpu.memref_slice %arg13[%add3A_37, %dma_wait3A_109] : memref<10240x64xf32, #tpu.memory_space<vmem_shared>> -> memref<80x64xf32, #tpu.memory_space<vmem_shared>>
      tpu.wait_dma2 semaphore(%run_scoped3A : memref<!tpu.dma_semaphore, #tpu.memory_space<semaphore_mem>>) src(%arg8 : memref<80x64xf32, #tpu.memory_space<vmem>>) dst(%dma_wait3A_110 : memref<80x64xf32, #tpu.memory_space<vmem_shared>>)
      tpu.yield
    }) : () -> ()
    %mul3A_38 = arith.constant 640 : i32
    %mul3A_39 = arith.muli %arg1, %mul3A_38 : i32
    %add3A_40 = arith.constant 400 : i32
    %add3A_41 = arith.addi %mul3A_39, %add3A_40 : i32
    "tpu.region"() ({
      %run_scoped3A = tpu.sem_alloc : memref<!tpu.dma_semaphore, #tpu.memory_space<semaphore_mem>>
      %dma_start3A_103 = arith.constant 0 : i32
      %dma_start3A_104 = tpu.memref_slice %arg13[%add3A_41, %dma_start3A_103] : memref<10240x64xf32, #tpu.memory_space<vmem_shared>> -> memref<80x64xf32, #tpu.memory_space<vmem_shared>>
      %dma_start3A_105 = arith.constant 0 : i32
      %dma_start3A_106 = tpu.memref_slice %arg13[%add3A_41, %dma_start3A_105] : memref<10240x64xf32, #tpu.memory_space<vmem_shared>> -> memref<80x64xf32, #tpu.memory_space<vmem_shared>>
      tpu.enqueue_dma source(%arg8 : memref<80x64xf32, #tpu.memory_space<vmem>>) target(%dma_start3A_106 : memref<80x64xf32, #tpu.memory_space<vmem_shared>>) target_semaphore(%run_scoped3A : memref<!tpu.dma_semaphore, #tpu.memory_space<semaphore_mem>>)
      %dma_wait3A_107 = arith.constant 0 : i32
      %dma_wait3A_108 = tpu.memref_slice %arg13[%add3A_41, %dma_wait3A_107] : memref<10240x64xf32, #tpu.memory_space<vmem_shared>> -> memref<80x64xf32, #tpu.memory_space<vmem_shared>>
      %dma_wait3A_109 = arith.constant 0 : i32
      %dma_wait3A_110 = tpu.memref_slice %arg13[%add3A_41, %dma_wait3A_109] : memref<10240x64xf32, #tpu.memory_space<vmem_shared>> -> memref<80x64xf32, #tpu.memory_space<vmem_shared>>
      tpu.wait_dma2 semaphore(%run_scoped3A : memref<!tpu.dma_semaphore, #tpu.memory_space<semaphore_mem>>) src(%arg8 : memref<80x64xf32, #tpu.memory_space<vmem>>) dst(%dma_wait3A_110 : memref<80x64xf32, #tpu.memory_space<vmem_shared>>)
      tpu.yield
    }) : () -> ()
    %mul3A_42 = arith.constant 640 : i32
    %mul3A_43 = arith.muli %arg1, %mul3A_42 : i32
    %add3A_44 = arith.constant 480 : i32
    %add3A_45 = arith.addi %mul3A_43, %add3A_44 : i32
    "tpu.region"() ({
      %run_scoped3A = tpu.sem_alloc : memref<!tpu.dma_semaphore, #tpu.memory_space<semaphore_mem>>
      %dma_start3A_103 = arith.constant 0 : i32
      %dma_start3A_104 = tpu.memref_slice %arg13[%add3A_45, %dma_start3A_103] : memref<10240x64xf32, #tpu.memory_space<vmem_shared>> -> memref<80x64xf32, #tpu.memory_space<vmem_shared>>
      %dma_start3A_105 = arith.constant 0 : i32
      %dma_start3A_106 = tpu.memref_slice %arg13[%add3A_45, %dma_start3A_105] : memref<10240x64xf32, #tpu.memory_space<vmem_shared>> -> memref<80x64xf32, #tpu.memory_space<vmem_shared>>
      tpu.enqueue_dma source(%arg8 : memref<80x64xf32, #tpu.memory_space<vmem>>) target(%dma_start3A_106 : memref<80x64xf32, #tpu.memory_space<vmem_shared>>) target_semaphore(%run_scoped3A : memref<!tpu.dma_semaphore, #tpu.memory_space<semaphore_mem>>)
      %dma_wait3A_107 = arith.constant 0 : i32
      %dma_wait3A_108 = tpu.memref_slice %arg13[%add3A_45, %dma_wait3A_107] : memref<10240x64xf32, #tpu.memory_space<vmem_shared>> -> memref<80x64xf32, #tpu.memory_space<vmem_shared>>
      %dma_wait3A_109 = arith.constant 0 : i32
      %dma_wait3A_110 = tpu.memref_slice %arg13[%add3A_45, %dma_wait3A_109] : memref<10240x64xf32, #tpu.memory_space<vmem_shared>> -> memref<80x64xf32, #tpu.memory_space<vmem_shared>>
      tpu.wait_dma2 semaphore(%run_scoped3A : memref<!tpu.dma_semaphore, #tpu.memory_space<semaphore_mem>>) src(%arg8 : memref<80x64xf32, #tpu.memory_space<vmem>>) dst(%dma_wait3A_110 : memref<80x64xf32, #tpu.memory_space<vmem_shared>>)
      tpu.yield
    }) : () -> ()
    %mul3A_46 = arith.constant 640 : i32
    %mul3A_47 = arith.muli %arg1, %mul3A_46 : i32
    %add3A_48 = arith.constant 560 : i32
    %add3A_49 = arith.addi %mul3A_47, %add3A_48 : i32
    "tpu.region"() ({
      %run_scoped3A = tpu.sem_alloc : memref<!tpu.dma_semaphore, #tpu.memory_space<semaphore_mem>>
      %dma_start3A_103 = arith.constant 0 : i32
      %dma_start3A_104 = tpu.memref_slice %arg13[%add3A_49, %dma_start3A_103] : memref<10240x64xf32, #tpu.memory_space<vmem_shared>> -> memref<80x64xf32, #tpu.memory_space<vmem_shared>>
      %dma_start3A_105 = arith.constant 0 : i32
      %dma_start3A_106 = tpu.memref_slice %arg13[%add3A_49, %dma_start3A_105] : memref<10240x64xf32, #tpu.memory_space<vmem_shared>> -> memref<80x64xf32, #tpu.memory_space<vmem_shared>>
      tpu.enqueue_dma source(%arg8 : memref<80x64xf32, #tpu.memory_space<vmem>>) target(%dma_start3A_106 : memref<80x64xf32, #tpu.memory_space<vmem_shared>>) target_semaphore(%run_scoped3A : memref<!tpu.dma_semaphore, #tpu.memory_space<semaphore_mem>>)
      %dma_wait3A_107 = arith.constant 0 : i32
      %dma_wait3A_108 = tpu.memref_slice %arg13[%add3A_49, %dma_wait3A_107] : memref<10240x64xf32, #tpu.memory_space<vmem_shared>> -> memref<80x64xf32, #tpu.memory_space<vmem_shared>>
      %dma_wait3A_109 = arith.constant 0 : i32
      %dma_wait3A_110 = tpu.memref_slice %arg13[%add3A_49, %dma_wait3A_109] : memref<10240x64xf32, #tpu.memory_space<vmem_shared>> -> memref<80x64xf32, #tpu.memory_space<vmem_shared>>
      tpu.wait_dma2 semaphore(%run_scoped3A : memref<!tpu.dma_semaphore, #tpu.memory_space<semaphore_mem>>) src(%arg8 : memref<80x64xf32, #tpu.memory_space<vmem>>) dst(%dma_wait3A_110 : memref<80x64xf32, #tpu.memory_space<vmem_shared>>)
      tpu.yield
    }) : () -> ()
    %dma_wait3A = arith.constant 0 : i32
    %dma_wait3A_50 = tpu.memref_slice %arg3[%mul3A_2, %dma_wait3A] : memref<4000x80xi32, #tpu.memory_space<hbm>> -> memref<125x80xi32, #tpu.memory_space<hbm>>
    %dma_wait3A_51 = arith.constant 0 : i32
    %dma_wait3A_52 = tpu.memref_slice %arg3[%mul3A_2, %dma_wait3A_51] : memref<4000x80xi32, #tpu.memory_space<hbm>> -> memref<125x80xi32, #tpu.memory_space<hbm>>
    tpu.wait_dma2 semaphore(%arg14 : memref<!tpu.dma_semaphore, #tpu.memory_space<semaphore_mem>>) src(%dma_wait3A_52 : memref<125x80xi32, #tpu.memory_space<hbm>>) dst(%arg6 : memref<125x80xi32, #tpu.memory_space<vmem>>)
    %dma_wait3A_53 = arith.constant 0 : i32
    %dma_wait3A_54 = tpu.memref_slice %arg4[%mul3A_7, %dma_wait3A_53] : memref<4000x80xi32, #tpu.memory_space<hbm>> -> memref<125x80xi32, #tpu.memory_space<hbm>>
    %dma_wait3A_55 = arith.constant 0 : i32
    %dma_wait3A_56 = tpu.memref_slice %arg4[%mul3A_7, %dma_wait3A_55] : memref<4000x80xi32, #tpu.memory_space<hbm>> -> memref<125x80xi32, #tpu.memory_space<hbm>>
    tpu.wait_dma2 semaphore(%arg14 : memref<!tpu.dma_semaphore, #tpu.memory_space<semaphore_mem>>) src(%dma_wait3A_56 : memref<125x80xi32, #tpu.memory_space<hbm>>) dst(%arg7 : memref<125x80xi32, #tpu.memory_space<vmem>>)
    %barrier3A = arith.constant 0 : index
    tpu.barrier barrier_id(%barrier3A)
    %dma_start3A_57 = arith.constant 0 : i32
    %dma_start3A_58 = arith.constant 0 : i32
    %dma_start3A_59 = tpu.memref_slice %arg6[%dma_start3A_57, %dma_start3A_58] : memref<125x80xi32, #tpu.memory_space<vmem>> -> memref<1x80xi32, #tpu.memory_space<vmem>>
    %dma_start3A_60 = tpu.memref_squeeze %dma_start3A_59 : memref<1x80xi32, #tpu.memory_space<vmem>> -> memref<80xi32, #tpu.memory_space<vmem>>
    %dma_start3A_61 = arith.constant 0 : i32
    %dma_start3A_62 = arith.constant 0 : i32
    %dma_start3A_63 = tpu.memref_slice %arg2[%dma_start3A_61, %dma_start3A_62] : memref<10000x64xf32, #tpu.memory_space<hbm>> -> memref<10000x64xf32, #tpu.memory_space<hbm>>
    tpu.enqueue_indirect_dma source(%dma_start3A_63 : memref<10000x64xf32, #tpu.memory_space<hbm>>) target(%arg8 : memref<80x64xf32, #tpu.memory_space<vmem>>) offsets(%dma_start3A_60 : memref<80xi32, #tpu.memory_space<vmem>>) semaphore(%arg15 : memref<!tpu.dma_semaphore, #tpu.memory_space<semaphore_mem>>)
    %dma_start3A_64 = arith.constant 1 : i32
    %dma_start3A_65 = arith.constant 0 : i32
    %dma_start3A_66 = tpu.memref_slice %arg6[%dma_start3A_64, %dma_start3A_65] : memref<125x80xi32, #tpu.memory_space<vmem>> -> memref<1x80xi32, #tpu.memory_space<vmem>>
    %dma_start3A_67 = tpu.memref_squeeze %dma_start3A_66 : memref<1x80xi32, #tpu.memory_space<vmem>> -> memref<80xi32, #tpu.memory_space<vmem>>
    %dma_start3A_68 = arith.constant 0 : i32
    %dma_start3A_69 = arith.constant 0 : i32
    %dma_start3A_70 = tpu.memref_slice %arg2[%dma_start3A_68, %dma_start3A_69] : memref<10000x64xf32, #tpu.memory_space<hbm>> -> memref<10000x64xf32, #tpu.memory_space<hbm>>
    tpu.enqueue_indirect_dma source(%dma_start3A_70 : memref<10000x64xf32, #tpu.memory_space<hbm>>) target(%arg9 : memref<80x64xf32, #tpu.memory_space<vmem>>) offsets(%dma_start3A_67 : memref<80xi32, #tpu.memory_space<vmem>>) semaphore(%arg16 : memref<!tpu.dma_semaphore, #tpu.memory_space<semaphore_mem>>)
    %dma_start3A_71 = arith.constant 2 : i32
    %dma_start3A_72 = arith.constant 0 : i32
    %dma_start3A_73 = tpu.memref_slice %arg6[%dma_start3A_71, %dma_start3A_72] : memref<125x80xi32, #tpu.memory_space<vmem>> -> memref<1x80xi32, #tpu.memory_space<vmem>>
    %dma_start3A_74 = tpu.memref_squeeze %dma_start3A_73 : memref<1x80xi32, #tpu.memory_space<vmem>> -> memref<80xi32, #tpu.memory_space<vmem>>
    %dma_start3A_75 = arith.constant 0 : i32
    %dma_start3A_76 = arith.constant 0 : i32
    %dma_start3A_77 = tpu.memref_slice %arg2[%dma_start3A_75, %dma_start3A_76] : memref<10000x64xf32, #tpu.memory_space<hbm>> -> memref<10000x64xf32, #tpu.memory_space<hbm>>
    tpu.enqueue_indirect_dma source(%dma_start3A_77 : memref<10000x64xf32, #tpu.memory_space<hbm>>) target(%arg10 : memref<80x64xf32, #tpu.memory_space<vmem>>) offsets(%dma_start3A_74 : memref<80xi32, #tpu.memory_space<vmem>>) semaphore(%arg17 : memref<!tpu.dma_semaphore, #tpu.memory_space<semaphore_mem>>)
    %dma_start3A_78 = arith.constant 3 : i32
    %dma_start3A_79 = arith.constant 0 : i32
    %dma_start3A_80 = tpu.memref_slice %arg6[%dma_start3A_78, %dma_start3A_79] : memref<125x80xi32, #tpu.memory_space<vmem>> -> memref<1x80xi32, #tpu.memory_space<vmem>>
    %dma_start3A_81 = tpu.memref_squeeze %dma_start3A_80 : memref<1x80xi32, #tpu.memory_space<vmem>> -> memref<80xi32, #tpu.memory_space<vmem>>
    %dma_start3A_82 = arith.constant 0 : i32
    %dma_start3A_83 = arith.constant 0 : i32
    %dma_start3A_84 = tpu.memref_slice %arg2[%dma_start3A_82, %dma_start3A_83] : memref<10000x64xf32, #tpu.memory_space<hbm>> -> memref<10000x64xf32, #tpu.memory_space<hbm>>
    tpu.enqueue_indirect_dma source(%dma_start3A_84 : memref<10000x64xf32, #tpu.memory_space<hbm>>) target(%arg11 : memref<80x64xf32, #tpu.memory_space<vmem>>) offsets(%dma_start3A_81 : memref<80xi32, #tpu.memory_space<vmem>>) semaphore(%arg18 : memref<!tpu.dma_semaphore, #tpu.memory_space<semaphore_mem>>)
    %dma_start3A_85 = arith.constant 4 : i32
    %dma_start3A_86 = arith.constant 0 : i32
    %dma_start3A_87 = tpu.memref_slice %arg6[%dma_start3A_85, %dma_start3A_86] : memref<125x80xi32, #tpu.memory_space<vmem>> -> memref<1x80xi32, #tpu.memory_space<vmem>>
    %dma_start3A_88 = tpu.memref_squeeze %dma_start3A_87 : memref<1x80xi32, #tpu.memory_space<vmem>> -> memref<80xi32, #tpu.memory_space<vmem>>
    %dma_start3A_89 = arith.constant 0 : i32
    %dma_start3A_90 = arith.constant 0 : i32
    %dma_start3A_91 = tpu.memref_slice %arg2[%dma_start3A_89, %dma_start3A_90] : memref<10000x64xf32, #tpu.memory_space<hbm>> -> memref<10000x64xf32, #tpu.memory_space<hbm>>
    tpu.enqueue_indirect_dma source(%dma_start3A_91 : memref<10000x64xf32, #tpu.memory_space<hbm>>) target(%arg12 : memref<80x64xf32, #tpu.memory_space<vmem>>) offsets(%dma_start3A_88 : memref<80xi32, #tpu.memory_space<vmem>>) semaphore(%arg19 : memref<!tpu.dma_semaphore, #tpu.memory_space<semaphore_mem>>)
    %scan3A_92 = arith.constant 0 : i32
    %scan3A_93 = arith.constant 0 : i32
    %scan3A_94 = arith.constant 25 : i32
    %scan3A_95 = arith.addi %scan3A_93, %scan3A_94 : i32
    %scan3A_96 = arith.constant 1 : i32
    scf.for %scan3A_103 = %scan3A_93 to %scan3A_95 step %scan3A_96  : i32 {
      %mul3A_104 = arith.constant 5 : i32
      %mul3A_105 = arith.muli %scan3A_103, %mul3A_104 : i32
      %add3A_106 = arith.constant 0 : i32
      %add3A_107 = arith.addi %mul3A_105, %add3A_106 : i32
      %dma_wait3A_108 = arith.constant 0 : i32
      %dma_wait3A_109 = tpu.memref_slice %arg6[%add3A_107, %dma_wait3A_108] : memref<125x80xi32, #tpu.memory_space<vmem>> -> memref<1x80xi32, #tpu.memory_space<vmem>>
      %dma_wait3A_110 = tpu.memref_squeeze %dma_wait3A_109 : memref<1x80xi32, #tpu.memory_space<vmem>> -> memref<80xi32, #tpu.memory_space<vmem>>
      %dma_wait3A_111 = arith.constant 0 : i32
      %dma_wait3A_112 = arith.constant 0 : i32
      %dma_wait3A_113 = tpu.memref_slice %arg2[%dma_wait3A_111, %dma_wait3A_112] : memref<10000x64xf32, #tpu.memory_space<hbm>> -> memref<10000x64xf32, #tpu.memory_space<hbm>>
      tpu.wait_indirect_dma semaphore(%arg15 : memref<!tpu.dma_semaphore, #tpu.memory_space<semaphore_mem>>) src(%dma_wait3A_113 : memref<10000x64xf32, #tpu.memory_space<hbm>>) dst(%arg8 : memref<80x64xf32, #tpu.memory_space<vmem>>)
      "tpu.region"() ({
        %run_scoped3A = tpu.sem_alloc : memref<!tpu.dma_semaphore, #tpu.memory_space<semaphore_mem>>
        %dma_start3A_178 = arith.constant 0 : i32
        %dma_start3A_179 = tpu.memref_slice %arg7[%add3A_107, %dma_start3A_178] : memref<125x80xi32, #tpu.memory_space<vmem>> -> memref<1x80xi32, #tpu.memory_space<vmem>>
        %dma_start3A_180 = tpu.memref_squeeze %dma_start3A_179 : memref<1x80xi32, #tpu.memory_space<vmem>> -> memref<80xi32, #tpu.memory_space<vmem>>
        %dma_start3A_181 = arith.constant 0 : i32
        %dma_start3A_182 = arith.constant 0 : i32
        %dma_start3A_183 = tpu.memref_slice %arg13[%dma_start3A_181, %dma_start3A_182] : memref<10240x64xf32, #tpu.memory_space<vmem_shared>> -> memref<10240x64xf32, #tpu.memory_space<vmem_shared>>
        tpu.enqueue_indirect_dma source(%arg8 : memref<80x64xf32, #tpu.memory_space<vmem>>) target(%dma_start3A_183 : memref<10240x64xf32, #tpu.memory_space<vmem_shared>>) offsets(%dma_start3A_180 : memref<80xi32, #tpu.memory_space<vmem>>) semaphore(%run_scoped3A : memref<!tpu.dma_semaphore, #tpu.memory_space<semaphore_mem>>) {add = true}
        %dma_wait3A_184 = arith.constant 0 : i32
        %dma_wait3A_185 = tpu.memref_slice %arg7[%add3A_107, %dma_wait3A_184] : memref<125x80xi32, #tpu.memory_space<vmem>> -> memref<1x80xi32, #tpu.memory_space<vmem>>
        %dma_wait3A_186 = tpu.memref_squeeze %dma_wait3A_185 : memref<1x80xi32, #tpu.memory_space<vmem>> -> memref<80xi32, #tpu.memory_space<vmem>>
        %dma_wait3A_187 = arith.constant 0 : i32
        %dma_wait3A_188 = arith.constant 0 : i32
        %dma_wait3A_189 = tpu.memref_slice %arg13[%dma_wait3A_187, %dma_wait3A_188] : memref<10240x64xf32, #tpu.memory_space<vmem_shared>> -> memref<10240x64xf32, #tpu.memory_space<vmem_shared>>
        tpu.wait_indirect_dma semaphore(%run_scoped3A : memref<!tpu.dma_semaphore, #tpu.memory_space<semaphore_mem>>) src(%arg8 : memref<80x64xf32, #tpu.memory_space<vmem>>) dst(%dma_wait3A_189 : memref<10240x64xf32, #tpu.memory_space<vmem_shared>>)
        tpu.yield
      }) : () -> ()
      %add3A_114 = arith.constant 5 : i32
      %add3A_115 = arith.addi %add3A_107, %add3A_114 : i32
      %lt3A = arith.constant 125 : i32
      %lt3A_116 = arith.cmpi slt, %add3A_115, %lt3A : i32
      %convert_element_type3A = arith.extui %lt3A_116 : i1 to i32
      %cond3A = arith.constant 0 : i32
      %cond3A_117 = arith.cmpi ne, %convert_element_type3A, %cond3A : i32
      scf.if %cond3A_117 {
        %add3A_178 = arith.constant 5 : i32
        %add3A_179 = arith.addi %add3A_107, %add3A_178 : i32
        %dma_start3A_180 = arith.constant 0 : i32
        %dma_start3A_181 = tpu.memref_slice %arg6[%add3A_179, %dma_start3A_180] : memref<125x80xi32, #tpu.memory_space<vmem>> -> memref<1x80xi32, #tpu.memory_space<vmem>>
        %dma_start3A_182 = tpu.memref_squeeze %dma_start3A_181 : memref<1x80xi32, #tpu.memory_space<vmem>> -> memref<80xi32, #tpu.memory_space<vmem>>
        %dma_start3A_183 = arith.constant 0 : i32
        %dma_start3A_184 = arith.constant 0 : i32
        %dma_start3A_185 = tpu.memref_slice %arg2[%dma_start3A_183, %dma_start3A_184] : memref<10000x64xf32, #tpu.memory_space<hbm>> -> memref<10000x64xf32, #tpu.memory_space<hbm>>
        tpu.enqueue_indirect_dma source(%dma_start3A_185 : memref<10000x64xf32, #tpu.memory_space<hbm>>) target(%arg8 : memref<80x64xf32, #tpu.memory_space<vmem>>) offsets(%dma_start3A_182 : memref<80xi32, #tpu.memory_space<vmem>>) semaphore(%arg15 : memref<!tpu.dma_semaphore, #tpu.memory_space<semaphore_mem>>)
      } else {
      }
      %add3A_118 = arith.constant 1 : i32
      %add3A_119 = arith.addi %mul3A_105, %add3A_118 : i32
      %dma_wait3A_120 = arith.constant 0 : i32
      %dma_wait3A_121 = tpu.memref_slice %arg6[%add3A_119, %dma_wait3A_120] : memref<125x80xi32, #tpu.memory_space<vmem>> -> memref<1x80xi32, #tpu.memory_space<vmem>>
      %dma_wait3A_122 = tpu.memref_squeeze %dma_wait3A_121 : memref<1x80xi32, #tpu.memory_space<vmem>> -> memref<80xi32, #tpu.memory_space<vmem>>
      %dma_wait3A_123 = arith.constant 0 : i32
      %dma_wait3A_124 = arith.constant 0 : i32
      %dma_wait3A_125 = tpu.memref_slice %arg2[%dma_wait3A_123, %dma_wait3A_124] : memref<10000x64xf32, #tpu.memory_space<hbm>> -> memref<10000x64xf32, #tpu.memory_space<hbm>>
      tpu.wait_indirect_dma semaphore(%arg16 : memref<!tpu.dma_semaphore, #tpu.memory_space<semaphore_mem>>) src(%dma_wait3A_125 : memref<10000x64xf32, #tpu.memory_space<hbm>>) dst(%arg9 : memref<80x64xf32, #tpu.memory_space<vmem>>)
      "tpu.region"() ({
        %run_scoped3A = tpu.sem_alloc : memref<!tpu.dma_semaphore, #tpu.memory_space<semaphore_mem>>
        %dma_start3A_178 = arith.constant 0 : i32
        %dma_start3A_179 = tpu.memref_slice %arg7[%add3A_119, %dma_start3A_178] : memref<125x80xi32, #tpu.memory_space<vmem>> -> memref<1x80xi32, #tpu.memory_space<vmem>>
        %dma_start3A_180 = tpu.memref_squeeze %dma_start3A_179 : memref<1x80xi32, #tpu.memory_space<vmem>> -> memref<80xi32, #tpu.memory_space<vmem>>
        %dma_start3A_181 = arith.constant 0 : i32
        %dma_start3A_182 = arith.constant 0 : i32
        %dma_start3A_183 = tpu.memref_slice %arg13[%dma_start3A_181, %dma_start3A_182] : memref<10240x64xf32, #tpu.memory_space<vmem_shared>> -> memref<10240x64xf32, #tpu.memory_space<vmem_shared>>
        tpu.enqueue_indirect_dma source(%arg9 : memref<80x64xf32, #tpu.memory_space<vmem>>) target(%dma_start3A_183 : memref<10240x64xf32, #tpu.memory_space<vmem_shared>>) offsets(%dma_start3A_180 : memref<80xi32, #tpu.memory_space<vmem>>) semaphore(%run_scoped3A : memref<!tpu.dma_semaphore, #tpu.memory_space<semaphore_mem>>) {add = true}
        %dma_wait3A_184 = arith.constant 0 : i32
        %dma_wait3A_185 = tpu.memref_slice %arg7[%add3A_119, %dma_wait3A_184] : memref<125x80xi32, #tpu.memory_space<vmem>> -> memref<1x80xi32, #tpu.memory_space<vmem>>
        %dma_wait3A_186 = tpu.memref_squeeze %dma_wait3A_185 : memref<1x80xi32, #tpu.memory_space<vmem>> -> memref<80xi32, #tpu.memory_space<vmem>>
        %dma_wait3A_187 = arith.constant 0 : i32
        %dma_wait3A_188 = arith.constant 0 : i32
        %dma_wait3A_189 = tpu.memref_slice %arg13[%dma_wait3A_187, %dma_wait3A_188] : memref<10240x64xf32, #tpu.memory_space<vmem_shared>> -> memref<10240x64xf32, #tpu.memory_space<vmem_shared>>
        tpu.wait_indirect_dma semaphore(%run_scoped3A : memref<!tpu.dma_semaphore, #tpu.memory_space<semaphore_mem>>) src(%arg9 : memref<80x64xf32, #tpu.memory_space<vmem>>) dst(%dma_wait3A_189 : memref<10240x64xf32, #tpu.memory_space<vmem_shared>>)
        tpu.yield
      }) : () -> ()
      %add3A_126 = arith.constant 5 : i32
      %add3A_127 = arith.addi %add3A_119, %add3A_126 : i32
      %lt3A_128 = arith.constant 125 : i32
      %lt3A_129 = arith.cmpi slt, %add3A_127, %lt3A_128 : i32
      %convert_element_type3A_130 = arith.extui %lt3A_129 : i1 to i32
      %cond3A_131 = arith.constant 0 : i32
      %cond3A_132 = arith.cmpi ne, %convert_element_type3A_130, %cond3A_131 : i32
      scf.if %cond3A_132 {
        %add3A_178 = arith.constant 5 : i32
        %add3A_179 = arith.addi %add3A_119, %add3A_178 : i32
        %dma_start3A_180 = arith.constant 0 : i32
        %dma_start3A_181 = tpu.memref_slice %arg6[%add3A_179, %dma_start3A_180] : memref<125x80xi32, #tpu.memory_space<vmem>> -> memref<1x80xi32, #tpu.memory_space<vmem>>
        %dma_start3A_182 = tpu.memref_squeeze %dma_start3A_181 : memref<1x80xi32, #tpu.memory_space<vmem>> -> memref<80xi32, #tpu.memory_space<vmem>>
        %dma_start3A_183 = arith.constant 0 : i32
        %dma_start3A_184 = arith.constant 0 : i32
        %dma_start3A_185 = tpu.memref_slice %arg2[%dma_start3A_183, %dma_start3A_184] : memref<10000x64xf32, #tpu.memory_space<hbm>> -> memref<10000x64xf32, #tpu.memory_space<hbm>>
        tpu.enqueue_indirect_dma source(%dma_start3A_185 : memref<10000x64xf32, #tpu.memory_space<hbm>>) target(%arg9 : memref<80x64xf32, #tpu.memory_space<vmem>>) offsets(%dma_start3A_182 : memref<80xi32, #tpu.memory_space<vmem>>) semaphore(%arg16 : memref<!tpu.dma_semaphore, #tpu.memory_space<semaphore_mem>>)
      } else {
      }
      %add3A_133 = arith.constant 2 : i32
      %add3A_134 = arith.addi %mul3A_105, %add3A_133 : i32
      %dma_wait3A_135 = arith.constant 0 : i32
      %dma_wait3A_136 = tpu.memref_slice %arg6[%add3A_134, %dma_wait3A_135] : memref<125x80xi32, #tpu.memory_space<vmem>> -> memref<1x80xi32, #tpu.memory_space<vmem>>
      %dma_wait3A_137 = tpu.memref_squeeze %dma_wait3A_136 : memref<1x80xi32, #tpu.memory_space<vmem>> -> memref<80xi32, #tpu.memory_space<vmem>>
      %dma_wait3A_138 = arith.constant 0 : i32
      %dma_wait3A_139 = arith.constant 0 : i32
      %dma_wait3A_140 = tpu.memref_slice %arg2[%dma_wait3A_138, %dma_wait3A_139] : memref<10000x64xf32, #tpu.memory_space<hbm>> -> memref<10000x64xf32, #tpu.memory_space<hbm>>
      tpu.wait_indirect_dma semaphore(%arg17 : memref<!tpu.dma_semaphore, #tpu.memory_space<semaphore_mem>>) src(%dma_wait3A_140 : memref<10000x64xf32, #tpu.memory_space<hbm>>) dst(%arg10 : memref<80x64xf32, #tpu.memory_space<vmem>>)
      "tpu.region"() ({
        %run_scoped3A = tpu.sem_alloc : memref<!tpu.dma_semaphore, #tpu.memory_space<semaphore_mem>>
        %dma_start3A_178 = arith.constant 0 : i32
        %dma_start3A_179 = tpu.memref_slice %arg7[%add3A_134, %dma_start3A_178] : memref<125x80xi32, #tpu.memory_space<vmem>> -> memref<1x80xi32, #tpu.memory_space<vmem>>
        %dma_start3A_180 = tpu.memref_squeeze %dma_start3A_179 : memref<1x80xi32, #tpu.memory_space<vmem>> -> memref<80xi32, #tpu.memory_space<vmem>>
        %dma_start3A_181 = arith.constant 0 : i32
        %dma_start3A_182 = arith.constant 0 : i32
        %dma_start3A_183 = tpu.memref_slice %arg13[%dma_start3A_181, %dma_start3A_182] : memref<10240x64xf32, #tpu.memory_space<vmem_shared>> -> memref<10240x64xf32, #tpu.memory_space<vmem_shared>>
        tpu.enqueue_indirect_dma source(%arg10 : memref<80x64xf32, #tpu.memory_space<vmem>>) target(%dma_start3A_183 : memref<10240x64xf32, #tpu.memory_space<vmem_shared>>) offsets(%dma_start3A_180 : memref<80xi32, #tpu.memory_space<vmem>>) semaphore(%run_scoped3A : memref<!tpu.dma_semaphore, #tpu.memory_space<semaphore_mem>>) {add = true}
        %dma_wait3A_184 = arith.constant 0 : i32
        %dma_wait3A_185 = tpu.memref_slice %arg7[%add3A_134, %dma_wait3A_184] : memref<125x80xi32, #tpu.memory_space<vmem>> -> memref<1x80xi32, #tpu.memory_space<vmem>>
        %dma_wait3A_186 = tpu.memref_squeeze %dma_wait3A_185 : memref<1x80xi32, #tpu.memory_space<vmem>> -> memref<80xi32, #tpu.memory_space<vmem>>
        %dma_wait3A_187 = arith.constant 0 : i32
        %dma_wait3A_188 = arith.constant 0 : i32
        %dma_wait3A_189 = tpu.memref_slice %arg13[%dma_wait3A_187, %dma_wait3A_188] : memref<10240x64xf32, #tpu.memory_space<vmem_shared>> -> memref<10240x64xf32, #tpu.memory_space<vmem_shared>>
        tpu.wait_indirect_dma semaphore(%run_scoped3A : memref<!tpu.dma_semaphore, #tpu.memory_space<semaphore_mem>>) src(%arg10 : memref<80x64xf32, #tpu.memory_space<vmem>>) dst(%dma_wait3A_189 : memref<10240x64xf32, #tpu.memory_space<vmem_shared>>)
        tpu.yield
      }) : () -> ()
      %add3A_141 = arith.constant 5 : i32
      %add3A_142 = arith.addi %add3A_134, %add3A_141 : i32
      %lt3A_143 = arith.constant 125 : i32
      %lt3A_144 = arith.cmpi slt, %add3A_142, %lt3A_143 : i32
      %convert_element_type3A_145 = arith.extui %lt3A_144 : i1 to i32
      %cond3A_146 = arith.constant 0 : i32
      %cond3A_147 = arith.cmpi ne, %convert_element_type3A_145, %cond3A_146 : i32
      scf.if %cond3A_147 {
        %add3A_178 = arith.constant 5 : i32
        %add3A_179 = arith.addi %add3A_134, %add3A_178 : i32
        %dma_start3A_180 = arith.constant 0 : i32
        %dma_start3A_181 = tpu.memref_slice %arg6[%add3A_179, %dma_start3A_180] : memref<125x80xi32, #tpu.memory_space<vmem>> -> memref<1x80xi32, #tpu.memory_space<vmem>>
        %dma_start3A_182 = tpu.memref_squeeze %dma_start3A_181 : memref<1x80xi32, #tpu.memory_space<vmem>> -> memref<80xi32, #tpu.memory_space<vmem>>
        %dma_start3A_183 = arith.constant 0 : i32
        %dma_start3A_184 = arith.constant 0 : i32
        %dma_start3A_185 = tpu.memref_slice %arg2[%dma_start3A_183, %dma_start3A_184] : memref<10000x64xf32, #tpu.memory_space<hbm>> -> memref<10000x64xf32, #tpu.memory_space<hbm>>
        tpu.enqueue_indirect_dma source(%dma_start3A_185 : memref<10000x64xf32, #tpu.memory_space<hbm>>) target(%arg10 : memref<80x64xf32, #tpu.memory_space<vmem>>) offsets(%dma_start3A_182 : memref<80xi32, #tpu.memory_space<vmem>>) semaphore(%arg17 : memref<!tpu.dma_semaphore, #tpu.memory_space<semaphore_mem>>)
      } else {
      }
      %add3A_148 = arith.constant 3 : i32
      %add3A_149 = arith.addi %mul3A_105, %add3A_148 : i32
      %dma_wait3A_150 = arith.constant 0 : i32
      %dma_wait3A_151 = tpu.memref_slice %arg6[%add3A_149, %dma_wait3A_150] : memref<125x80xi32, #tpu.memory_space<vmem>> -> memref<1x80xi32, #tpu.memory_space<vmem>>
      %dma_wait3A_152 = tpu.memref_squeeze %dma_wait3A_151 : memref<1x80xi32, #tpu.memory_space<vmem>> -> memref<80xi32, #tpu.memory_space<vmem>>
      %dma_wait3A_153 = arith.constant 0 : i32
      %dma_wait3A_154 = arith.constant 0 : i32
      %dma_wait3A_155 = tpu.memref_slice %arg2[%dma_wait3A_153, %dma_wait3A_154] : memref<10000x64xf32, #tpu.memory_space<hbm>> -> memref<10000x64xf32, #tpu.memory_space<hbm>>
      tpu.wait_indirect_dma semaphore(%arg18 : memref<!tpu.dma_semaphore, #tpu.memory_space<semaphore_mem>>) src(%dma_wait3A_155 : memref<10000x64xf32, #tpu.memory_space<hbm>>) dst(%arg11 : memref<80x64xf32, #tpu.memory_space<vmem>>)
      "tpu.region"() ({
        %run_scoped3A = tpu.sem_alloc : memref<!tpu.dma_semaphore, #tpu.memory_space<semaphore_mem>>
        %dma_start3A_178 = arith.constant 0 : i32
        %dma_start3A_179 = tpu.memref_slice %arg7[%add3A_149, %dma_start3A_178] : memref<125x80xi32, #tpu.memory_space<vmem>> -> memref<1x80xi32, #tpu.memory_space<vmem>>
        %dma_start3A_180 = tpu.memref_squeeze %dma_start3A_179 : memref<1x80xi32, #tpu.memory_space<vmem>> -> memref<80xi32, #tpu.memory_space<vmem>>
        %dma_start3A_181 = arith.constant 0 : i32
        %dma_start3A_182 = arith.constant 0 : i32
        %dma_start3A_183 = tpu.memref_slice %arg13[%dma_start3A_181, %dma_start3A_182] : memref<10240x64xf32, #tpu.memory_space<vmem_shared>> -> memref<10240x64xf32, #tpu.memory_space<vmem_shared>>
        tpu.enqueue_indirect_dma source(%arg11 : memref<80x64xf32, #tpu.memory_space<vmem>>) target(%dma_start3A_183 : memref<10240x64xf32, #tpu.memory_space<vmem_shared>>) offsets(%dma_start3A_180 : memref<80xi32, #tpu.memory_space<vmem>>) semaphore(%run_scoped3A : memref<!tpu.dma_semaphore, #tpu.memory_space<semaphore_mem>>) {add = true}
        %dma_wait3A_184 = arith.constant 0 : i32
        %dma_wait3A_185 = tpu.memref_slice %arg7[%add3A_149, %dma_wait3A_184] : memref<125x80xi32, #tpu.memory_space<vmem>> -> memref<1x80xi32, #tpu.memory_space<vmem>>
        %dma_wait3A_186 = tpu.memref_squeeze %dma_wait3A_185 : memref<1x80xi32, #tpu.memory_space<vmem>> -> memref<80xi32, #tpu.memory_space<vmem>>
        %dma_wait3A_187 = arith.constant 0 : i32
        %dma_wait3A_188 = arith.constant 0 : i32
        %dma_wait3A_189 = tpu.memref_slice %arg13[%dma_wait3A_187, %dma_wait3A_188] : memref<10240x64xf32, #tpu.memory_space<vmem_shared>> -> memref<10240x64xf32, #tpu.memory_space<vmem_shared>>
        tpu.wait_indirect_dma semaphore(%run_scoped3A : memref<!tpu.dma_semaphore, #tpu.memory_space<semaphore_mem>>) src(%arg11 : memref<80x64xf32, #tpu.memory_space<vmem>>) dst(%dma_wait3A_189 : memref<10240x64xf32, #tpu.memory_space<vmem_shared>>)
        tpu.yield
      }) : () -> ()
      %add3A_156 = arith.constant 5 : i32
      %add3A_157 = arith.addi %add3A_149, %add3A_156 : i32
      %lt3A_158 = arith.constant 125 : i32
      %lt3A_159 = arith.cmpi slt, %add3A_157, %lt3A_158 : i32
      %convert_element_type3A_160 = arith.extui %lt3A_159 : i1 to i32
      %cond3A_161 = arith.constant 0 : i32
      %cond3A_162 = arith.cmpi ne, %convert_element_type3A_160, %cond3A_161 : i32
      scf.if %cond3A_162 {
        %add3A_178 = arith.constant 5 : i32
        %add3A_179 = arith.addi %add3A_149, %add3A_178 : i32
        %dma_start3A_180 = arith.constant 0 : i32
        %dma_start3A_181 = tpu.memref_slice %arg6[%add3A_179, %dma_start3A_180] : memref<125x80xi32, #tpu.memory_space<vmem>> -> memref<1x80xi32, #tpu.memory_space<vmem>>
        %dma_start3A_182 = tpu.memref_squeeze %dma_start3A_181 : memref<1x80xi32, #tpu.memory_space<vmem>> -> memref<80xi32, #tpu.memory_space<vmem>>
        %dma_start3A_183 = arith.constant 0 : i32
        %dma_start3A_184 = arith.constant 0 : i32
        %dma_start3A_185 = tpu.memref_slice %arg2[%dma_start3A_183, %dma_start3A_184] : memref<10000x64xf32, #tpu.memory_space<hbm>> -> memref<10000x64xf32, #tpu.memory_space<hbm>>
        tpu.enqueue_indirect_dma source(%dma_start3A_185 : memref<10000x64xf32, #tpu.memory_space<hbm>>) target(%arg11 : memref<80x64xf32, #tpu.memory_space<vmem>>) offsets(%dma_start3A_182 : memref<80xi32, #tpu.memory_space<vmem>>) semaphore(%arg18 : memref<!tpu.dma_semaphore, #tpu.memory_space<semaphore_mem>>)
      } else {
      }
      %add3A_163 = arith.constant 4 : i32
      %add3A_164 = arith.addi %mul3A_105, %add3A_163 : i32
      %dma_wait3A_165 = arith.constant 0 : i32
      %dma_wait3A_166 = tpu.memref_slice %arg6[%add3A_164, %dma_wait3A_165] : memref<125x80xi32, #tpu.memory_space<vmem>> -> memref<1x80xi32, #tpu.memory_space<vmem>>
      %dma_wait3A_167 = tpu.memref_squeeze %dma_wait3A_166 : memref<1x80xi32, #tpu.memory_space<vmem>> -> memref<80xi32, #tpu.memory_space<vmem>>
      %dma_wait3A_168 = arith.constant 0 : i32
      %dma_wait3A_169 = arith.constant 0 : i32
      %dma_wait3A_170 = tpu.memref_slice %arg2[%dma_wait3A_168, %dma_wait3A_169] : memref<10000x64xf32, #tpu.memory_space<hbm>> -> memref<10000x64xf32, #tpu.memory_space<hbm>>
      tpu.wait_indirect_dma semaphore(%arg19 : memref<!tpu.dma_semaphore, #tpu.memory_space<semaphore_mem>>) src(%dma_wait3A_170 : memref<10000x64xf32, #tpu.memory_space<hbm>>) dst(%arg12 : memref<80x64xf32, #tpu.memory_space<vmem>>)
      "tpu.region"() ({
        %run_scoped3A = tpu.sem_alloc : memref<!tpu.dma_semaphore, #tpu.memory_space<semaphore_mem>>
        %dma_start3A_178 = arith.constant 0 : i32
        %dma_start3A_179 = tpu.memref_slice %arg7[%add3A_164, %dma_start3A_178] : memref<125x80xi32, #tpu.memory_space<vmem>> -> memref<1x80xi32, #tpu.memory_space<vmem>>
        %dma_start3A_180 = tpu.memref_squeeze %dma_start3A_179 : memref<1x80xi32, #tpu.memory_space<vmem>> -> memref<80xi32, #tpu.memory_space<vmem>>
        %dma_start3A_181 = arith.constant 0 : i32
        %dma_start3A_182 = arith.constant 0 : i32
        %dma_start3A_183 = tpu.memref_slice %arg13[%dma_start3A_181, %dma_start3A_182] : memref<10240x64xf32, #tpu.memory_space<vmem_shared>> -> memref<10240x64xf32, #tpu.memory_space<vmem_shared>>
        tpu.enqueue_indirect_dma source(%arg12 : memref<80x64xf32, #tpu.memory_space<vmem>>) target(%dma_start3A_183 : memref<10240x64xf32, #tpu.memory_space<vmem_shared>>) offsets(%dma_start3A_180 : memref<80xi32, #tpu.memory_space<vmem>>) semaphore(%run_scoped3A : memref<!tpu.dma_semaphore, #tpu.memory_space<semaphore_mem>>) {add = true}
        %dma_wait3A_184 = arith.constant 0 : i32
        %dma_wait3A_185 = tpu.memref_slice %arg7[%add3A_164, %dma_wait3A_184] : memref<125x80xi32, #tpu.memory_space<vmem>> -> memref<1x80xi32, #tpu.memory_space<vmem>>
        %dma_wait3A_186 = tpu.memref_squeeze %dma_wait3A_185 : memref<1x80xi32, #tpu.memory_space<vmem>> -> memref<80xi32, #tpu.memory_space<vmem>>
        %dma_wait3A_187 = arith.constant 0 : i32
        %dma_wait3A_188 = arith.constant 0 : i32
        %dma_wait3A_189 = tpu.memref_slice %arg13[%dma_wait3A_187, %dma_wait3A_188] : memref<10240x64xf32, #tpu.memory_space<vmem_shared>> -> memref<10240x64xf32, #tpu.memory_space<vmem_shared>>
        tpu.wait_indirect_dma semaphore(%run_scoped3A : memref<!tpu.dma_semaphore, #tpu.memory_space<semaphore_mem>>) src(%arg12 : memref<80x64xf32, #tpu.memory_space<vmem>>) dst(%dma_wait3A_189 : memref<10240x64xf32, #tpu.memory_space<vmem_shared>>)
        tpu.yield
      }) : () -> ()
      %add3A_171 = arith.constant 5 : i32
      %add3A_172 = arith.addi %add3A_164, %add3A_171 : i32
      %lt3A_173 = arith.constant 125 : i32
      %lt3A_174 = arith.cmpi slt, %add3A_172, %lt3A_173 : i32
      %convert_element_type3A_175 = arith.extui %lt3A_174 : i1 to i32
      %cond3A_176 = arith.constant 0 : i32
      %cond3A_177 = arith.cmpi ne, %convert_element_type3A_175, %cond3A_176 : i32
      scf.if %cond3A_177 {
        %add3A_178 = arith.constant 5 : i32
        %add3A_179 = arith.addi %add3A_164, %add3A_178 : i32
        %dma_start3A_180 = arith.constant 0 : i32
        %dma_start3A_181 = tpu.memref_slice %arg6[%add3A_179, %dma_start3A_180] : memref<125x80xi32, #tpu.memory_space<vmem>> -> memref<1x80xi32, #tpu.memory_space<vmem>>
        %dma_start3A_182 = tpu.memref_squeeze %dma_start3A_181 : memref<1x80xi32, #tpu.memory_space<vmem>> -> memref<80xi32, #tpu.memory_space<vmem>>
        %dma_start3A_183 = arith.constant 0 : i32
        %dma_start3A_184 = arith.constant 0 : i32
        %dma_start3A_185 = tpu.memref_slice %arg2[%dma_start3A_183, %dma_start3A_184] : memref<10000x64xf32, #tpu.memory_space<hbm>> -> memref<10000x64xf32, #tpu.memory_space<hbm>>
        tpu.enqueue_indirect_dma source(%dma_start3A_185 : memref<10000x64xf32, #tpu.memory_space<hbm>>) target(%arg12 : memref<80x64xf32, #tpu.memory_space<vmem>>) offsets(%dma_start3A_182 : memref<80xi32, #tpu.memory_space<vmem>>) semaphore(%arg19 : memref<!tpu.dma_semaphore, #tpu.memory_space<semaphore_mem>>)
      } else {
      }
    }
    %scan3A_97 = arith.constant 25 : i32
    %barrier3A_98 = arith.constant 0 : index
    tpu.barrier barrier_id(%barrier3A_98)
    %mul3A_99 = arith.constant 640 : i32
    %mul3A_100 = arith.muli %arg1, %mul3A_99 : i32
    %mul3A_101 = arith.constant 640 : i32
    %mul3A_102 = arith.muli %arg1, %mul3A_101 : i32
    "tpu.region"() ({
      %run_scoped3A = tpu.sem_alloc : memref<!tpu.dma_semaphore, #tpu.memory_space<semaphore_mem>>
      %dma_start3A_103 = arith.constant 0 : i32
      %dma_start3A_104 = tpu.memref_slice %arg5[%arg0, %mul3A_102, %dma_start3A_103] : memref<2x10240x64xf32, #tpu.memory_space<hbm>> -> memref<1x640x64xf32, #tpu.memory_space<hbm>>
      %dma_start3A_105 = tpu.memref_squeeze %dma_start3A_104 : memref<1x640x64xf32, #tpu.memory_space<hbm>> -> memref<640x64xf32, #tpu.memory_space<hbm>>
      %dma_start3A_106 = arith.constant 0 : i32
      %dma_start3A_107 = tpu.memref_slice %arg13[%mul3A_100, %dma_start3A_106] : memref<10240x64xf32, #tpu.memory_space<vmem_shared>> -> memref<640x64xf32, #tpu.memory_space<vmem_shared>>
      tpu.enqueue_dma source(%dma_start3A_107 : memref<640x64xf32, #tpu.memory_space<vmem_shared>>) target(%dma_start3A_105 : memref<640x64xf32, #tpu.memory_space<hbm>>) target_semaphore(%run_scoped3A : memref<!tpu.dma_semaphore, #tpu.memory_space<semaphore_mem>>)
      %dma_wait3A_108 = arith.constant 0 : i32
      %dma_wait3A_109 = tpu.memref_slice %arg5[%arg0, %mul3A_102, %dma_wait3A_108] : memref<2x10240x64xf32, #tpu.memory_space<hbm>> -> memref<1x640x64xf32, #tpu.memory_space<hbm>>
      %dma_wait3A_110 = tpu.memref_squeeze %dma_wait3A_109 : memref<1x640x64xf32, #tpu.memory_space<hbm>> -> memref<640x64xf32, #tpu.memory_space<hbm>>
      %dma_wait3A_111 = arith.constant 0 : i32
      %dma_wait3A_112 = tpu.memref_slice %arg13[%mul3A_100, %dma_wait3A_111] : memref<10240x64xf32, #tpu.memory_space<vmem_shared>> -> memref<640x64xf32, #tpu.memory_space<vmem_shared>>
      tpu.wait_dma2 semaphore(%run_scoped3A : memref<!tpu.dma_semaphore, #tpu.memory_space<semaphore_mem>>) src(%dma_wait3A_112 : memref<640x64xf32, #tpu.memory_space<vmem_shared>>) dst(%dma_wait3A_110 : memref<640x64xf32, #tpu.memory_space<hbm>>)
      tpu.yield
    }) : () -> ()
    return
  }
}

#map = affine_map<(d0, d1) -> (0, 0)>
#map1 = affine_map<(d0, d1) -> (0, 0, 0)>
module attributes {stable_mosaic.version = 14 : i64} {
  func.func @_sc_agg(%arg0: i32, %arg1: i32, %arg2: memref<10000x64xf32, #tpu.memory_space<hbm>>, %arg3: memref<4000x80xi32, #tpu.memory_space<hbm>>, %arg4: memref<4000x80xi32, #tpu.memory_space<hbm>>, %arg5: memref<2x10240x64xf32, #tpu.memory_space<hbm>>, %arg6: memref<125x80xi32, #tpu.memory_space<vmem>>, %arg7: memref<125x80xi32, #tpu.memory_space<vmem>>, %arg8: memref<80x64xf32, #tpu.memory_space<vmem>>, %arg9: memref<80x64xf32, #tpu.memory_space<vmem>>, %arg10: memref<80x64xf32, #tpu.memory_space<vmem>>, %arg11: memref<80x64xf32, #tpu.memory_space<vmem>>, %arg12: memref<80x64xf32, #tpu.memory_space<vmem>>, %arg13: memref<10240x64xf32, #tpu.memory_space<vmem_shared>>, %arg14: memref<!tpu.dma_semaphore, #tpu.memory_space<semaphore_mem>>, %arg15: memref<!tpu.dma_semaphore, #tpu.memory_space<semaphore_mem>>, %arg16: memref<!tpu.dma_semaphore, #tpu.memory_space<semaphore_mem>>, %arg17: memref<!tpu.dma_semaphore, #tpu.memory_space<semaphore_mem>>, %arg18: memref<!tpu.dma_semaphore, #tpu.memory_space<semaphore_mem>>, %arg19: memref<!tpu.dma_semaphore, #tpu.memory_space<semaphore_mem>>) attributes {dimension_semantics = [#tpu.dimension_semantics<core_parallel>, #tpu.dimension_semantics<subcore_parallel>], iteration_bounds = array<i64: 2, 16>, scalar_prefetch = 0 : i64, scratch_operands = 14 : i64, tpu.core_type = #tpu.core_type<sc_vector_subcore>, window_params = [{transform_indices = #map}, {transform_indices = #map}, {transform_indices = #map}, {transform_indices = #map1}]} {
    %mul3A = arith.constant 2 : i32
    %mul3A_0 = arith.muli %arg1, %mul3A : i32
    %add3A = arith.addi %mul3A_0, %arg0 : i32
    %mul3A_1 = arith.constant 125 : i32
    %mul3A_2 = arith.muli %add3A, %mul3A_1 : i32
    %dma_start3A = arith.constant 0 : i32
    %dma_start3A_3 = tpu.memref_slice %arg3[%mul3A_2, %dma_start3A] : memref<4000x80xi32, #tpu.memory_space<hbm>> -> memref<125x80xi32, #tpu.memory_space<hbm>>
    %dma_start3A_4 = arith.constant 0 : i32
    %dma_start3A_5 = tpu.memref_slice %arg3[%mul3A_2, %dma_start3A_4] : memref<4000x80xi32, #tpu.memory_space<hbm>> -> memref<125x80xi32, #tpu.memory_space<hbm>>
    tpu.enqueue_dma source(%dma_start3A_5 : memref<125x80xi32, #tpu.memory_space<hbm>>) target(%arg6 : memref<125x80xi32, #tpu.memory_space<vmem>>) target_semaphore(%arg14 : memref<!tpu.dma_semaphore, #tpu.memory_space<semaphore_mem>>)
    %mul3A_6 = arith.constant 125 : i32
    %mul3A_7 = arith.muli %add3A, %mul3A_6 : i32
    %dma_start3A_8 = arith.constant 0 : i32
    %dma_start3A_9 = tpu.memref_slice %arg4[%mul3A_7, %dma_start3A_8] : memref<4000x80xi32, #tpu.memory_space<hbm>> -> memref<125x80xi32, #tpu.memory_space<hbm>>
    %dma_start3A_10 = arith.constant 0 : i32
    %dma_start3A_11 = tpu.memref_slice %arg4[%mul3A_7, %dma_start3A_10] : memref<4000x80xi32, #tpu.memory_space<hbm>> -> memref<125x80xi32, #tpu.memory_space<hbm>>
    tpu.enqueue_dma source(%dma_start3A_11 : memref<125x80xi32, #tpu.memory_space<hbm>>) target(%arg7 : memref<125x80xi32, #tpu.memory_space<vmem>>) target_semaphore(%arg14 : memref<!tpu.dma_semaphore, #tpu.memory_space<semaphore_mem>>)
    %broadcast_in_dim3A = arith.constant 0.000000e+00 : f32
    %broadcast_in_dim3A_12 = vector.broadcast %broadcast_in_dim3A : f32 to vector<16xf32>
    %scan3A = arith.constant 0 : i32
    %scan3A_13 = arith.constant 0 : i32
    %scan3A_14 = arith.constant 320 : i32
    %scan3A_15 = arith.addi %scan3A_13, %scan3A_14 : i32
    %scan3A_16 = arith.constant 1 : i32
    scf.for %scan3A_103 = %scan3A_13 to %scan3A_15 step %scan3A_16  : i32 {
      %jit3A = arith.constant 4 : i32
      %div3A = arith.divsi %scan3A_103, %jit3A : i32
      %sign3A = arith.constant 0 : i32
      %sign3A_104 = arith.cmpi sgt, %scan3A_103, %sign3A : i32
      %sign3A_105 = arith.extui %sign3A_104 : i1 to i32
      %sign3A_106 = arith.constant 0 : i32
      %sign3A_107 = arith.cmpi slt, %scan3A_103, %sign3A_106 : i32
      %sign3A_108 = arith.extui %sign3A_107 : i1 to i32
      %sign3A_109 = arith.subi %sign3A_105, %sign3A_108 : i32
      %sign3A_110 = arith.constant 0 : i32
      %sign3A_111 = arith.cmpi sgt, %jit3A, %sign3A_110 : i32
      %sign3A_112 = arith.extui %sign3A_111 : i1 to i32
      %sign3A_113 = arith.constant 0 : i32
      %sign3A_114 = arith.cmpi slt, %jit3A, %sign3A_113 : i32
      %sign3A_115 = arith.extui %sign3A_114 : i1 to i32
      %sign3A_116 = arith.subi %sign3A_112, %sign3A_115 : i32
      %ne3A = arith.cmpi ne, %sign3A_109, %sign3A_116 : i32
      %rem3A = arith.remsi %scan3A_103, %jit3A : i32
      %ne3A_117 = arith.constant 0 : i32
      %ne3A_118 = arith.cmpi ne, %rem3A, %ne3A_117 : i32
      %and3A = arith.andi %ne3A, %ne3A_118 : i1
      %sub3A = arith.constant 1 : i32
      %sub3A_119 = arith.subi %div3A, %sub3A : i32
      %select_n3A = arith.select %and3A, %sub3A_119, %div3A : i32
      %jit3A_120 = arith.constant 4 : i32
      %eq3A = arith.constant 0 : i32
      %eq3A_121 = arith.cmpi eq, %jit3A_120, %eq3A : i32
      %jit3A_122 = arith.constant 1 : i32
      %select_n3A_123 = arith.select %eq3A_121, %jit3A_122, %jit3A_120 : i32
      %rem3A_124 = arith.remsi %scan3A_103, %select_n3A_123 : i32
      %ne3A_125 = arith.constant 0 : i32
      %ne3A_126 = arith.cmpi ne, %rem3A_124, %ne3A_125 : i32
      %lt3A = arith.constant 0 : i32
      %lt3A_127 = arith.cmpi slt, %rem3A_124, %lt3A : i32
      %lt3A_128 = arith.constant 0 : i32
      %lt3A_129 = arith.cmpi slt, %select_n3A_123, %lt3A_128 : i32
      %ne3A_130 = arith.xori %lt3A_127, %lt3A_129 : i1
      %and3A_131 = arith.andi %ne3A_130, %ne3A_126 : i1
      %add3A_132 = arith.addi %rem3A_124, %select_n3A_123 : i32
      %select_n3A_133 = arith.select %and3A_131, %add3A_132, %rem3A_124 : i32
      %mul3A_134 = arith.constant 16 : i32
      %mul3A_135 = arith.muli %select_n3A_133, %mul3A_134 : i32
      %swap3A = arith.index_cast %select_n3A : i32 to index
      %swap3A_136 = arith.index_cast %mul3A_135 : i32 to index
      %swap3A_137 = tpu.vector_load %arg8[%swap3A, %swap3A_136] {strides = array<i32>} : memref<80x64xf32, #tpu.memory_space<vmem>>, vector<16xf32>,
      tpu.vector_store %arg8[%swap3A, %swap3A_136], %broadcast_in_dim3A_12 {strides = array<i32>} : memref<80x64xf32, #tpu.memory_space<vmem>>, vector<16xf32>,
    }
    %scan3A_17 = arith.constant 320 : i32
    %mul3A_18 = arith.constant 640 : i32
    %mul3A_19 = arith.muli %arg1, %mul3A_18 : i32
    %add3A_20 = arith.constant 0 : i32
    %add3A_21 = arith.addi %mul3A_19, %add3A_20 : i32
    "tpu.region"() ({
      %run_scoped3A = tpu.sem_alloc : memref<!tpu.dma_semaphore, #tpu.memory_space<semaphore_mem>>
      %dma_start3A_103 = arith.constant 0 : i32
      %dma_start3A_104 = tpu.memref_slice %arg13[%add3A_21, %dma_start3A_103] : memref<10240x64xf32, #tpu.memory_space<vmem_shared>> -> memref<80x64xf32, #tpu.memory_space<vmem_shared>>
      %dma_start3A_105 = arith.constant 0 : i32
      %dma_start3A_106 = tpu.memref_slice %arg13[%add3A_21, %dma_start3A_105] : memref<10240x64xf32, #tpu.memory_space<vmem_shared>> -> memref<80x64xf32, #tpu.memory_space<vmem_shared>>
      tpu.enqueue_dma source(%arg8 : memref<80x64xf32, #tpu.memory_space<vmem>>) target(%dma_start3A_106 : memref<80x64xf32, #tpu.memory_space<vmem_shared>>) target_semaphore(%run_scoped3A : memref<!tpu.dma_semaphore, #tpu.memory_space<semaphore_mem>>)
      %dma_wait3A_107 = arith.constant 0 : i32
      %dma_wait3A_108 = tpu.memref_slice %arg13[%add3A_21, %dma_wait3A_107] : memref<10240x64xf32, #tpu.memory_space<vmem_shared>> -> memref<80x64xf32, #tpu.memory_space<vmem_shared>>
      %dma_wait3A_109 = arith.constant 0 : i32
      %dma_wait3A_110 = tpu.memref_slice %arg13[%add3A_21, %dma_wait3A_109] : memref<10240x64xf32, #tpu.memory_space<vmem_shared>> -> memref<80x64xf32, #tpu.memory_space<vmem_shared>>
      tpu.wait_dma2 semaphore(%run_scoped3A : memref<!tpu.dma_semaphore, #tpu.memory_space<semaphore_mem>>) src(%arg8 : memref<80x64xf32, #tpu.memory_space<vmem>>) dst(%dma_wait3A_110 : memref<80x64xf32, #tpu.memory_space<vmem_shared>>)
      tpu.yield
    }) : () -> ()
    %mul3A_22 = arith.constant 640 : i32
    %mul3A_23 = arith.muli %arg1, %mul3A_22 : i32
    %add3A_24 = arith.constant 80 : i32
    %add3A_25 = arith.addi %mul3A_23, %add3A_24 : i32
    "tpu.region"() ({
      %run_scoped3A = tpu.sem_alloc : memref<!tpu.dma_semaphore, #tpu.memory_space<semaphore_mem>>
      %dma_start3A_103 = arith.constant 0 : i32
      %dma_start3A_104 = tpu.memref_slice %arg13[%add3A_25, %dma_start3A_103] : memref<10240x64xf32, #tpu.memory_space<vmem_shared>> -> memref<80x64xf32, #tpu.memory_space<vmem_shared>>
      %dma_start3A_105 = arith.constant 0 : i32
      %dma_start3A_106 = tpu.memref_slice %arg13[%add3A_25, %dma_start3A_105] : memref<10240x64xf32, #tpu.memory_space<vmem_shared>> -> memref<80x64xf32, #tpu.memory_space<vmem_shared>>
      tpu.enqueue_dma source(%arg8 : memref<80x64xf32, #tpu.memory_space<vmem>>) target(%dma_start3A_106 : memref<80x64xf32, #tpu.memory_space<vmem_shared>>) target_semaphore(%run_scoped3A : memref<!tpu.dma_semaphore, #tpu.memory_space<semaphore_mem>>)
      %dma_wait3A_107 = arith.constant 0 : i32
      %dma_wait3A_108 = tpu.memref_slice %arg13[%add3A_25, %dma_wait3A_107] : memref<10240x64xf32, #tpu.memory_space<vmem_shared>> -> memref<80x64xf32, #tpu.memory_space<vmem_shared>>
      %dma_wait3A_109 = arith.constant 0 : i32
      %dma_wait3A_110 = tpu.memref_slice %arg13[%add3A_25, %dma_wait3A_109] : memref<10240x64xf32, #tpu.memory_space<vmem_shared>> -> memref<80x64xf32, #tpu.memory_space<vmem_shared>>
      tpu.wait_dma2 semaphore(%run_scoped3A : memref<!tpu.dma_semaphore, #tpu.memory_space<semaphore_mem>>) src(%arg8 : memref<80x64xf32, #tpu.memory_space<vmem>>) dst(%dma_wait3A_110 : memref<80x64xf32, #tpu.memory_space<vmem_shared>>)
      tpu.yield
    }) : () -> ()
    %mul3A_26 = arith.constant 640 : i32
    %mul3A_27 = arith.muli %arg1, %mul3A_26 : i32
    %add3A_28 = arith.constant 160 : i32
    %add3A_29 = arith.addi %mul3A_27, %add3A_28 : i32
    "tpu.region"() ({
      %run_scoped3A = tpu.sem_alloc : memref<!tpu.dma_semaphore, #tpu.memory_space<semaphore_mem>>
      %dma_start3A_103 = arith.constant 0 : i32
      %dma_start3A_104 = tpu.memref_slice %arg13[%add3A_29, %dma_start3A_103] : memref<10240x64xf32, #tpu.memory_space<vmem_shared>> -> memref<80x64xf32, #tpu.memory_space<vmem_shared>>
      %dma_start3A_105 = arith.constant 0 : i32
      %dma_start3A_106 = tpu.memref_slice %arg13[%add3A_29, %dma_start3A_105] : memref<10240x64xf32, #tpu.memory_space<vmem_shared>> -> memref<80x64xf32, #tpu.memory_space<vmem_shared>>
      tpu.enqueue_dma source(%arg8 : memref<80x64xf32, #tpu.memory_space<vmem>>) target(%dma_start3A_106 : memref<80x64xf32, #tpu.memory_space<vmem_shared>>) target_semaphore(%run_scoped3A : memref<!tpu.dma_semaphore, #tpu.memory_space<semaphore_mem>>)
      %dma_wait3A_107 = arith.constant 0 : i32
      %dma_wait3A_108 = tpu.memref_slice %arg13[%add3A_29, %dma_wait3A_107] : memref<10240x64xf32, #tpu.memory_space<vmem_shared>> -> memref<80x64xf32, #tpu.memory_space<vmem_shared>>
      %dma_wait3A_109 = arith.constant 0 : i32
      %dma_wait3A_110 = tpu.memref_slice %arg13[%add3A_29, %dma_wait3A_109] : memref<10240x64xf32, #tpu.memory_space<vmem_shared>> -> memref<80x64xf32, #tpu.memory_space<vmem_shared>>
      tpu.wait_dma2 semaphore(%run_scoped3A : memref<!tpu.dma_semaphore, #tpu.memory_space<semaphore_mem>>) src(%arg8 : memref<80x64xf32, #tpu.memory_space<vmem>>) dst(%dma_wait3A_110 : memref<80x64xf32, #tpu.memory_space<vmem_shared>>)
      tpu.yield
    }) : () -> ()
    %mul3A_30 = arith.constant 640 : i32
    %mul3A_31 = arith.muli %arg1, %mul3A_30 : i32
    %add3A_32 = arith.constant 240 : i32
    %add3A_33 = arith.addi %mul3A_31, %add3A_32 : i32
    "tpu.region"() ({
      %run_scoped3A = tpu.sem_alloc : memref<!tpu.dma_semaphore, #tpu.memory_space<semaphore_mem>>
      %dma_start3A_103 = arith.constant 0 : i32
      %dma_start3A_104 = tpu.memref_slice %arg13[%add3A_33, %dma_start3A_103] : memref<10240x64xf32, #tpu.memory_space<vmem_shared>> -> memref<80x64xf32, #tpu.memory_space<vmem_shared>>
      %dma_start3A_105 = arith.constant 0 : i32
      %dma_start3A_106 = tpu.memref_slice %arg13[%add3A_33, %dma_start3A_105] : memref<10240x64xf32, #tpu.memory_space<vmem_shared>> -> memref<80x64xf32, #tpu.memory_space<vmem_shared>>
      tpu.enqueue_dma source(%arg8 : memref<80x64xf32, #tpu.memory_space<vmem>>) target(%dma_start3A_106 : memref<80x64xf32, #tpu.memory_space<vmem_shared>>) target_semaphore(%run_scoped3A : memref<!tpu.dma_semaphore, #tpu.memory_space<semaphore_mem>>)
      %dma_wait3A_107 = arith.constant 0 : i32
      %dma_wait3A_108 = tpu.memref_slice %arg13[%add3A_33, %dma_wait3A_107] : memref<10240x64xf32, #tpu.memory_space<vmem_shared>> -> memref<80x64xf32, #tpu.memory_space<vmem_shared>>
      %dma_wait3A_109 = arith.constant 0 : i32
      %dma_wait3A_110 = tpu.memref_slice %arg13[%add3A_33, %dma_wait3A_109] : memref<10240x64xf32, #tpu.memory_space<vmem_shared>> -> memref<80x64xf32, #tpu.memory_space<vmem_shared>>
      tpu.wait_dma2 semaphore(%run_scoped3A : memref<!tpu.dma_semaphore, #tpu.memory_space<semaphore_mem>>) src(%arg8 : memref<80x64xf32, #tpu.memory_space<vmem>>) dst(%dma_wait3A_110 : memref<80x64xf32, #tpu.memory_space<vmem_shared>>)
      tpu.yield
    }) : () -> ()
    %mul3A_34 = arith.constant 640 : i32
    %mul3A_35 = arith.muli %arg1, %mul3A_34 : i32
    %add3A_36 = arith.constant 320 : i32
    %add3A_37 = arith.addi %mul3A_35, %add3A_36 : i32
    "tpu.region"() ({
      %run_scoped3A = tpu.sem_alloc : memref<!tpu.dma_semaphore, #tpu.memory_space<semaphore_mem>>
      %dma_start3A_103 = arith.constant 0 : i32
      %dma_start3A_104 = tpu.memref_slice %arg13[%add3A_37, %dma_start3A_103] : memref<10240x64xf32, #tpu.memory_space<vmem_shared>> -> memref<80x64xf32, #tpu.memory_space<vmem_shared>>
      %dma_start3A_105 = arith.constant 0 : i32
      %dma_start3A_106 = tpu.memref_slice %arg13[%add3A_37, %dma_start3A_105] : memref<10240x64xf32, #tpu.memory_space<vmem_shared>> -> memref<80x64xf32, #tpu.memory_space<vmem_shared>>
      tpu.enqueue_dma source(%arg8 : memref<80x64xf32, #tpu.memory_space<vmem>>) target(%dma_start3A_106 : memref<80x64xf32, #tpu.memory_space<vmem_shared>>) target_semaphore(%run_scoped3A : memref<!tpu.dma_semaphore, #tpu.memory_space<semaphore_mem>>)
      %dma_wait3A_107 = arith.constant 0 : i32
      %dma_wait3A_108 = tpu.memref_slice %arg13[%add3A_37, %dma_wait3A_107] : memref<10240x64xf32, #tpu.memory_space<vmem_shared>> -> memref<80x64xf32, #tpu.memory_space<vmem_shared>>
      %dma_wait3A_109 = arith.constant 0 : i32
      %dma_wait3A_110 = tpu.memref_slice %arg13[%add3A_37, %dma_wait3A_109] : memref<10240x64xf32, #tpu.memory_space<vmem_shared>> -> memref<80x64xf32, #tpu.memory_space<vmem_shared>>
      tpu.wait_dma2 semaphore(%run_scoped3A : memref<!tpu.dma_semaphore, #tpu.memory_space<semaphore_mem>>) src(%arg8 : memref<80x64xf32, #tpu.memory_space<vmem>>) dst(%dma_wait3A_110 : memref<80x64xf32, #tpu.memory_space<vmem_shared>>)
      tpu.yield
    }) : () -> ()
    %mul3A_38 = arith.constant 640 : i32
    %mul3A_39 = arith.muli %arg1, %mul3A_38 : i32
    %add3A_40 = arith.constant 400 : i32
    %add3A_41 = arith.addi %mul3A_39, %add3A_40 : i32
    "tpu.region"() ({
      %run_scoped3A = tpu.sem_alloc : memref<!tpu.dma_semaphore, #tpu.memory_space<semaphore_mem>>
      %dma_start3A_103 = arith.constant 0 : i32
      %dma_start3A_104 = tpu.memref_slice %arg13[%add3A_41, %dma_start3A_103] : memref<10240x64xf32, #tpu.memory_space<vmem_shared>> -> memref<80x64xf32, #tpu.memory_space<vmem_shared>>
      %dma_start3A_105 = arith.constant 0 : i32
      %dma_start3A_106 = tpu.memref_slice %arg13[%add3A_41, %dma_start3A_105] : memref<10240x64xf32, #tpu.memory_space<vmem_shared>> -> memref<80x64xf32, #tpu.memory_space<vmem_shared>>
      tpu.enqueue_dma source(%arg8 : memref<80x64xf32, #tpu.memory_space<vmem>>) target(%dma_start3A_106 : memref<80x64xf32, #tpu.memory_space<vmem_shared>>) target_semaphore(%run_scoped3A : memref<!tpu.dma_semaphore, #tpu.memory_space<semaphore_mem>>)
      %dma_wait3A_107 = arith.constant 0 : i32
      %dma_wait3A_108 = tpu.memref_slice %arg13[%add3A_41, %dma_wait3A_107] : memref<10240x64xf32, #tpu.memory_space<vmem_shared>> -> memref<80x64xf32, #tpu.memory_space<vmem_shared>>
      %dma_wait3A_109 = arith.constant 0 : i32
      %dma_wait3A_110 = tpu.memref_slice %arg13[%add3A_41, %dma_wait3A_109] : memref<10240x64xf32, #tpu.memory_space<vmem_shared>> -> memref<80x64xf32, #tpu.memory_space<vmem_shared>>
      tpu.wait_dma2 semaphore(%run_scoped3A : memref<!tpu.dma_semaphore, #tpu.memory_space<semaphore_mem>>) src(%arg8 : memref<80x64xf32, #tpu.memory_space<vmem>>) dst(%dma_wait3A_110 : memref<80x64xf32, #tpu.memory_space<vmem_shared>>)
      tpu.yield
    }) : () -> ()
    %mul3A_42 = arith.constant 640 : i32
    %mul3A_43 = arith.muli %arg1, %mul3A_42 : i32
    %add3A_44 = arith.constant 480 : i32
    %add3A_45 = arith.addi %mul3A_43, %add3A_44 : i32
    "tpu.region"() ({
      %run_scoped3A = tpu.sem_alloc : memref<!tpu.dma_semaphore, #tpu.memory_space<semaphore_mem>>
      %dma_start3A_103 = arith.constant 0 : i32
      %dma_start3A_104 = tpu.memref_slice %arg13[%add3A_45, %dma_start3A_103] : memref<10240x64xf32, #tpu.memory_space<vmem_shared>> -> memref<80x64xf32, #tpu.memory_space<vmem_shared>>
      %dma_start3A_105 = arith.constant 0 : i32
      %dma_start3A_106 = tpu.memref_slice %arg13[%add3A_45, %dma_start3A_105] : memref<10240x64xf32, #tpu.memory_space<vmem_shared>> -> memref<80x64xf32, #tpu.memory_space<vmem_shared>>
      tpu.enqueue_dma source(%arg8 : memref<80x64xf32, #tpu.memory_space<vmem>>) target(%dma_start3A_106 : memref<80x64xf32, #tpu.memory_space<vmem_shared>>) target_semaphore(%run_scoped3A : memref<!tpu.dma_semaphore, #tpu.memory_space<semaphore_mem>>)
      %dma_wait3A_107 = arith.constant 0 : i32
      %dma_wait3A_108 = tpu.memref_slice %arg13[%add3A_45, %dma_wait3A_107] : memref<10240x64xf32, #tpu.memory_space<vmem_shared>> -> memref<80x64xf32, #tpu.memory_space<vmem_shared>>
      %dma_wait3A_109 = arith.constant 0 : i32
      %dma_wait3A_110 = tpu.memref_slice %arg13[%add3A_45, %dma_wait3A_109] : memref<10240x64xf32, #tpu.memory_space<vmem_shared>> -> memref<80x64xf32, #tpu.memory_space<vmem_shared>>
      tpu.wait_dma2 semaphore(%run_scoped3A : memref<!tpu.dma_semaphore, #tpu.memory_space<semaphore_mem>>) src(%arg8 : memref<80x64xf32, #tpu.memory_space<vmem>>) dst(%dma_wait3A_110 : memref<80x64xf32, #tpu.memory_space<vmem_shared>>)
      tpu.yield
    }) : () -> ()
    %mul3A_46 = arith.constant 640 : i32
    %mul3A_47 = arith.muli %arg1, %mul3A_46 : i32
    %add3A_48 = arith.constant 560 : i32
    %add3A_49 = arith.addi %mul3A_47, %add3A_48 : i32
    "tpu.region"() ({
      %run_scoped3A = tpu.sem_alloc : memref<!tpu.dma_semaphore, #tpu.memory_space<semaphore_mem>>
      %dma_start3A_103 = arith.constant 0 : i32
      %dma_start3A_104 = tpu.memref_slice %arg13[%add3A_49, %dma_start3A_103] : memref<10240x64xf32, #tpu.memory_space<vmem_shared>> -> memref<80x64xf32, #tpu.memory_space<vmem_shared>>
      %dma_start3A_105 = arith.constant 0 : i32
      %dma_start3A_106 = tpu.memref_slice %arg13[%add3A_49, %dma_start3A_105] : memref<10240x64xf32, #tpu.memory_space<vmem_shared>> -> memref<80x64xf32, #tpu.memory_space<vmem_shared>>
      tpu.enqueue_dma source(%arg8 : memref<80x64xf32, #tpu.memory_space<vmem>>) target(%dma_start3A_106 : memref<80x64xf32, #tpu.memory_space<vmem_shared>>) target_semaphore(%run_scoped3A : memref<!tpu.dma_semaphore, #tpu.memory_space<semaphore_mem>>)
      %dma_wait3A_107 = arith.constant 0 : i32
      %dma_wait3A_108 = tpu.memref_slice %arg13[%add3A_49, %dma_wait3A_107] : memref<10240x64xf32, #tpu.memory_space<vmem_shared>> -> memref<80x64xf32, #tpu.memory_space<vmem_shared>>
      %dma_wait3A_109 = arith.constant 0 : i32
      %dma_wait3A_110 = tpu.memref_slice %arg13[%add3A_49, %dma_wait3A_109] : memref<10240x64xf32, #tpu.memory_space<vmem_shared>> -> memref<80x64xf32, #tpu.memory_space<vmem_shared>>
      tpu.wait_dma2 semaphore(%run_scoped3A : memref<!tpu.dma_semaphore, #tpu.memory_space<semaphore_mem>>) src(%arg8 : memref<80x64xf32, #tpu.memory_space<vmem>>) dst(%dma_wait3A_110 : memref<80x64xf32, #tpu.memory_space<vmem_shared>>)
      tpu.yield
    }) : () -> ()
    %dma_wait3A = arith.constant 0 : i32
    %dma_wait3A_50 = tpu.memref_slice %arg3[%mul3A_2, %dma_wait3A] : memref<4000x80xi32, #tpu.memory_space<hbm>> -> memref<125x80xi32, #tpu.memory_space<hbm>>
    %dma_wait3A_51 = arith.constant 0 : i32
    %dma_wait3A_52 = tpu.memref_slice %arg3[%mul3A_2, %dma_wait3A_51] : memref<4000x80xi32, #tpu.memory_space<hbm>> -> memref<125x80xi32, #tpu.memory_space<hbm>>
    tpu.wait_dma2 semaphore(%arg14 : memref<!tpu.dma_semaphore, #tpu.memory_space<semaphore_mem>>) src(%dma_wait3A_52 : memref<125x80xi32, #tpu.memory_space<hbm>>) dst(%arg6 : memref<125x80xi32, #tpu.memory_space<vmem>>)
    %dma_wait3A_53 = arith.constant 0 : i32
    %dma_wait3A_54 = tpu.memref_slice %arg4[%mul3A_7, %dma_wait3A_53] : memref<4000x80xi32, #tpu.memory_space<hbm>> -> memref<125x80xi32, #tpu.memory_space<hbm>>
    %dma_wait3A_55 = arith.constant 0 : i32
    %dma_wait3A_56 = tpu.memref_slice %arg4[%mul3A_7, %dma_wait3A_55] : memref<4000x80xi32, #tpu.memory_space<hbm>> -> memref<125x80xi32, #tpu.memory_space<hbm>>
    tpu.wait_dma2 semaphore(%arg14 : memref<!tpu.dma_semaphore, #tpu.memory_space<semaphore_mem>>) src(%dma_wait3A_56 : memref<125x80xi32, #tpu.memory_space<hbm>>) dst(%arg7 : memref<125x80xi32, #tpu.memory_space<vmem>>)
    %barrier3A = arith.constant 0 : index
    tpu.barrier barrier_id(%barrier3A)
    %dma_start3A_57 = arith.constant 0 : i32
    %dma_start3A_58 = arith.constant 0 : i32
    %dma_start3A_59 = tpu.memref_slice %arg6[%dma_start3A_57, %dma_start3A_58] : memref<125x80xi32, #tpu.memory_space<vmem>> -> memref<1x80xi32, #tpu.memory_space<vmem>>
    %dma_start3A_60 = tpu.memref_squeeze %dma_start3A_59 : memref<1x80xi32, #tpu.memory_space<vmem>> -> memref<80xi32, #tpu.memory_space<vmem>>
    %dma_start3A_61 = arith.constant 0 : i32
    %dma_start3A_62 = arith.constant 0 : i32
    %dma_start3A_63 = tpu.memref_slice %arg2[%dma_start3A_61, %dma_start3A_62] : memref<10000x64xf32, #tpu.memory_space<hbm>> -> memref<10000x64xf32, #tpu.memory_space<hbm>>
    tpu.enqueue_indirect_dma source(%dma_start3A_63 : memref<10000x64xf32, #tpu.memory_space<hbm>>) target(%arg8 : memref<80x64xf32, #tpu.memory_space<vmem>>) offsets(%dma_start3A_60 : memref<80xi32, #tpu.memory_space<vmem>>) semaphore(%arg15 : memref<!tpu.dma_semaphore, #tpu.memory_space<semaphore_mem>>)
    %dma_start3A_64 = arith.constant 1 : i32
    %dma_start3A_65 = arith.constant 0 : i32
    %dma_start3A_66 = tpu.memref_slice %arg6[%dma_start3A_64, %dma_start3A_65] : memref<125x80xi32, #tpu.memory_space<vmem>> -> memref<1x80xi32, #tpu.memory_space<vmem>>
    %dma_start3A_67 = tpu.memref_squeeze %dma_start3A_66 : memref<1x80xi32, #tpu.memory_space<vmem>> -> memref<80xi32, #tpu.memory_space<vmem>>
    %dma_start3A_68 = arith.constant 0 : i32
    %dma_start3A_69 = arith.constant 0 : i32
    %dma_start3A_70 = tpu.memref_slice %arg2[%dma_start3A_68, %dma_start3A_69] : memref<10000x64xf32, #tpu.memory_space<hbm>> -> memref<10000x64xf32, #tpu.memory_space<hbm>>
    tpu.enqueue_indirect_dma source(%dma_start3A_70 : memref<10000x64xf32, #tpu.memory_space<hbm>>) target(%arg9 : memref<80x64xf32, #tpu.memory_space<vmem>>) offsets(%dma_start3A_67 : memref<80xi32, #tpu.memory_space<vmem>>) semaphore(%arg16 : memref<!tpu.dma_semaphore, #tpu.memory_space<semaphore_mem>>)
    %dma_start3A_71 = arith.constant 2 : i32
    %dma_start3A_72 = arith.constant 0 : i32
    %dma_start3A_73 = tpu.memref_slice %arg6[%dma_start3A_71, %dma_start3A_72] : memref<125x80xi32, #tpu.memory_space<vmem>> -> memref<1x80xi32, #tpu.memory_space<vmem>>
    %dma_start3A_74 = tpu.memref_squeeze %dma_start3A_73 : memref<1x80xi32, #tpu.memory_space<vmem>> -> memref<80xi32, #tpu.memory_space<vmem>>
    %dma_start3A_75 = arith.constant 0 : i32
    %dma_start3A_76 = arith.constant 0 : i32
    %dma_start3A_77 = tpu.memref_slice %arg2[%dma_start3A_75, %dma_start3A_76] : memref<10000x64xf32, #tpu.memory_space<hbm>> -> memref<10000x64xf32, #tpu.memory_space<hbm>>
    tpu.enqueue_indirect_dma source(%dma_start3A_77 : memref<10000x64xf32, #tpu.memory_space<hbm>>) target(%arg10 : memref<80x64xf32, #tpu.memory_space<vmem>>) offsets(%dma_start3A_74 : memref<80xi32, #tpu.memory_space<vmem>>) semaphore(%arg17 : memref<!tpu.dma_semaphore, #tpu.memory_space<semaphore_mem>>)
    %dma_start3A_78 = arith.constant 3 : i32
    %dma_start3A_79 = arith.constant 0 : i32
    %dma_start3A_80 = tpu.memref_slice %arg6[%dma_start3A_78, %dma_start3A_79] : memref<125x80xi32, #tpu.memory_space<vmem>> -> memref<1x80xi32, #tpu.memory_space<vmem>>
    %dma_start3A_81 = tpu.memref_squeeze %dma_start3A_80 : memref<1x80xi32, #tpu.memory_space<vmem>> -> memref<80xi32, #tpu.memory_space<vmem>>
    %dma_start3A_82 = arith.constant 0 : i32
    %dma_start3A_83 = arith.constant 0 : i32
    %dma_start3A_84 = tpu.memref_slice %arg2[%dma_start3A_82, %dma_start3A_83] : memref<10000x64xf32, #tpu.memory_space<hbm>> -> memref<10000x64xf32, #tpu.memory_space<hbm>>
    tpu.enqueue_indirect_dma source(%dma_start3A_84 : memref<10000x64xf32, #tpu.memory_space<hbm>>) target(%arg11 : memref<80x64xf32, #tpu.memory_space<vmem>>) offsets(%dma_start3A_81 : memref<80xi32, #tpu.memory_space<vmem>>) semaphore(%arg18 : memref<!tpu.dma_semaphore, #tpu.memory_space<semaphore_mem>>)
    %dma_start3A_85 = arith.constant 4 : i32
    %dma_start3A_86 = arith.constant 0 : i32
    %dma_start3A_87 = tpu.memref_slice %arg6[%dma_start3A_85, %dma_start3A_86] : memref<125x80xi32, #tpu.memory_space<vmem>> -> memref<1x80xi32, #tpu.memory_space<vmem>>
    %dma_start3A_88 = tpu.memref_squeeze %dma_start3A_87 : memref<1x80xi32, #tpu.memory_space<vmem>> -> memref<80xi32, #tpu.memory_space<vmem>>
    %dma_start3A_89 = arith.constant 0 : i32
    %dma_start3A_90 = arith.constant 0 : i32
    %dma_start3A_91 = tpu.memref_slice %arg2[%dma_start3A_89, %dma_start3A_90] : memref<10000x64xf32, #tpu.memory_space<hbm>> -> memref<10000x64xf32, #tpu.memory_space<hbm>>
    tpu.enqueue_indirect_dma source(%dma_start3A_91 : memref<10000x64xf32, #tpu.memory_space<hbm>>) target(%arg12 : memref<80x64xf32, #tpu.memory_space<vmem>>) offsets(%dma_start3A_88 : memref<80xi32, #tpu.memory_space<vmem>>) semaphore(%arg19 : memref<!tpu.dma_semaphore, #tpu.memory_space<semaphore_mem>>)
    %scan3A_92 = arith.constant 0 : i32
    %scan3A_93 = arith.constant 0 : i32
    %scan3A_94 = arith.constant 25 : i32
    %scan3A_95 = arith.addi %scan3A_93, %scan3A_94 : i32
    %scan3A_96 = arith.constant 1 : i32
    scf.for %scan3A_103 = %scan3A_93 to %scan3A_95 step %scan3A_96  : i32 {
      %mul3A_104 = arith.constant 5 : i32
      %mul3A_105 = arith.muli %scan3A_103, %mul3A_104 : i32
      %add3A_106 = arith.constant 0 : i32
      %add3A_107 = arith.addi %mul3A_105, %add3A_106 : i32
      %dma_wait3A_108 = arith.constant 0 : i32
      %dma_wait3A_109 = tpu.memref_slice %arg6[%add3A_107, %dma_wait3A_108] : memref<125x80xi32, #tpu.memory_space<vmem>> -> memref<1x80xi32, #tpu.memory_space<vmem>>
      %dma_wait3A_110 = tpu.memref_squeeze %dma_wait3A_109 : memref<1x80xi32, #tpu.memory_space<vmem>> -> memref<80xi32, #tpu.memory_space<vmem>>
      %dma_wait3A_111 = arith.constant 0 : i32
      %dma_wait3A_112 = arith.constant 0 : i32
      %dma_wait3A_113 = tpu.memref_slice %arg2[%dma_wait3A_111, %dma_wait3A_112] : memref<10000x64xf32, #tpu.memory_space<hbm>> -> memref<10000x64xf32, #tpu.memory_space<hbm>>
      tpu.wait_indirect_dma semaphore(%arg15 : memref<!tpu.dma_semaphore, #tpu.memory_space<semaphore_mem>>) src(%dma_wait3A_113 : memref<10000x64xf32, #tpu.memory_space<hbm>>) dst(%arg8 : memref<80x64xf32, #tpu.memory_space<vmem>>)
      "tpu.region"() ({
        %run_scoped3A = tpu.sem_alloc : memref<!tpu.dma_semaphore, #tpu.memory_space<semaphore_mem>>
        %dma_start3A_178 = arith.constant 0 : i32
        %dma_start3A_179 = tpu.memref_slice %arg7[%add3A_107, %dma_start3A_178] : memref<125x80xi32, #tpu.memory_space<vmem>> -> memref<1x80xi32, #tpu.memory_space<vmem>>
        %dma_start3A_180 = tpu.memref_squeeze %dma_start3A_179 : memref<1x80xi32, #tpu.memory_space<vmem>> -> memref<80xi32, #tpu.memory_space<vmem>>
        %dma_start3A_181 = arith.constant 0 : i32
        %dma_start3A_182 = arith.constant 0 : i32
        %dma_start3A_183 = tpu.memref_slice %arg13[%dma_start3A_181, %dma_start3A_182] : memref<10240x64xf32, #tpu.memory_space<vmem_shared>> -> memref<10240x64xf32, #tpu.memory_space<vmem_shared>>
        tpu.enqueue_indirect_dma source(%arg8 : memref<80x64xf32, #tpu.memory_space<vmem>>) target(%dma_start3A_183 : memref<10240x64xf32, #tpu.memory_space<vmem_shared>>) offsets(%dma_start3A_180 : memref<80xi32, #tpu.memory_space<vmem>>) semaphore(%run_scoped3A : memref<!tpu.dma_semaphore, #tpu.memory_space<semaphore_mem>>) {add = true}
        %dma_wait3A_184 = arith.constant 0 : i32
        %dma_wait3A_185 = tpu.memref_slice %arg7[%add3A_107, %dma_wait3A_184] : memref<125x80xi32, #tpu.memory_space<vmem>> -> memref<1x80xi32, #tpu.memory_space<vmem>>
        %dma_wait3A_186 = tpu.memref_squeeze %dma_wait3A_185 : memref<1x80xi32, #tpu.memory_space<vmem>> -> memref<80xi32, #tpu.memory_space<vmem>>
        %dma_wait3A_187 = arith.constant 0 : i32
        %dma_wait3A_188 = arith.constant 0 : i32
        %dma_wait3A_189 = tpu.memref_slice %arg13[%dma_wait3A_187, %dma_wait3A_188] : memref<10240x64xf32, #tpu.memory_space<vmem_shared>> -> memref<10240x64xf32, #tpu.memory_space<vmem_shared>>
        tpu.wait_indirect_dma semaphore(%run_scoped3A : memref<!tpu.dma_semaphore, #tpu.memory_space<semaphore_mem>>) src(%arg8 : memref<80x64xf32, #tpu.memory_space<vmem>>) dst(%dma_wait3A_189 : memref<10240x64xf32, #tpu.memory_space<vmem_shared>>)
        tpu.yield
      }) : () -> ()
      %add3A_114 = arith.constant 5 : i32
      %add3A_115 = arith.addi %add3A_107, %add3A_114 : i32
      %lt3A = arith.constant 125 : i32
      %lt3A_116 = arith.cmpi slt, %add3A_115, %lt3A : i32
      %convert_element_type3A = arith.extui %lt3A_116 : i1 to i32
      %cond3A = arith.constant 0 : i32
      %cond3A_117 = arith.cmpi ne, %convert_element_type3A, %cond3A : i32
      scf.if %cond3A_117 {
        %add3A_178 = arith.constant 5 : i32
        %add3A_179 = arith.addi %add3A_107, %add3A_178 : i32
        %dma_start3A_180 = arith.constant 0 : i32
        %dma_start3A_181 = tpu.memref_slice %arg6[%add3A_179, %dma_start3A_180] : memref<125x80xi32, #tpu.memory_space<vmem>> -> memref<1x80xi32, #tpu.memory_space<vmem>>
        %dma_start3A_182 = tpu.memref_squeeze %dma_start3A_181 : memref<1x80xi32, #tpu.memory_space<vmem>> -> memref<80xi32, #tpu.memory_space<vmem>>
        %dma_start3A_183 = arith.constant 0 : i32
        %dma_start3A_184 = arith.constant 0 : i32
        %dma_start3A_185 = tpu.memref_slice %arg2[%dma_start3A_183, %dma_start3A_184] : memref<10000x64xf32, #tpu.memory_space<hbm>> -> memref<10000x64xf32, #tpu.memory_space<hbm>>
        tpu.enqueue_indirect_dma source(%dma_start3A_185 : memref<10000x64xf32, #tpu.memory_space<hbm>>) target(%arg8 : memref<80x64xf32, #tpu.memory_space<vmem>>) offsets(%dma_start3A_182 : memref<80xi32, #tpu.memory_space<vmem>>) semaphore(%arg15 : memref<!tpu.dma_semaphore, #tpu.memory_space<semaphore_mem>>)
      } else {
      }
      %add3A_118 = arith.constant 1 : i32
      %add3A_119 = arith.addi %mul3A_105, %add3A_118 : i32
      %dma_wait3A_120 = arith.constant 0 : i32
      %dma_wait3A_121 = tpu.memref_slice %arg6[%add3A_119, %dma_wait3A_120] : memref<125x80xi32, #tpu.memory_space<vmem>> -> memref<1x80xi32, #tpu.memory_space<vmem>>
      %dma_wait3A_122 = tpu.memref_squeeze %dma_wait3A_121 : memref<1x80xi32, #tpu.memory_space<vmem>> -> memref<80xi32, #tpu.memory_space<vmem>>
      %dma_wait3A_123 = arith.constant 0 : i32
      %dma_wait3A_124 = arith.constant 0 : i32
      %dma_wait3A_125 = tpu.memref_slice %arg2[%dma_wait3A_123, %dma_wait3A_124] : memref<10000x64xf32, #tpu.memory_space<hbm>> -> memref<10000x64xf32, #tpu.memory_space<hbm>>
      tpu.wait_indirect_dma semaphore(%arg16 : memref<!tpu.dma_semaphore, #tpu.memory_space<semaphore_mem>>) src(%dma_wait3A_125 : memref<10000x64xf32, #tpu.memory_space<hbm>>) dst(%arg9 : memref<80x64xf32, #tpu.memory_space<vmem>>)
      "tpu.region"() ({
        %run_scoped3A = tpu.sem_alloc : memref<!tpu.dma_semaphore, #tpu.memory_space<semaphore_mem>>
        %dma_start3A_178 = arith.constant 0 : i32
        %dma_start3A_179 = tpu.memref_slice %arg7[%add3A_119, %dma_start3A_178] : memref<125x80xi32, #tpu.memory_space<vmem>> -> memref<1x80xi32, #tpu.memory_space<vmem>>
        %dma_start3A_180 = tpu.memref_squeeze %dma_start3A_179 : memref<1x80xi32, #tpu.memory_space<vmem>> -> memref<80xi32, #tpu.memory_space<vmem>>
        %dma_start3A_181 = arith.constant 0 : i32
        %dma_start3A_182 = arith.constant 0 : i32
        %dma_start3A_183 = tpu.memref_slice %arg13[%dma_start3A_181, %dma_start3A_182] : memref<10240x64xf32, #tpu.memory_space<vmem_shared>> -> memref<10240x64xf32, #tpu.memory_space<vmem_shared>>
        tpu.enqueue_indirect_dma source(%arg9 : memref<80x64xf32, #tpu.memory_space<vmem>>) target(%dma_start3A_183 : memref<10240x64xf32, #tpu.memory_space<vmem_shared>>) offsets(%dma_start3A_180 : memref<80xi32, #tpu.memory_space<vmem>>) semaphore(%run_scoped3A : memref<!tpu.dma_semaphore, #tpu.memory_space<semaphore_mem>>) {add = true}
        %dma_wait3A_184 = arith.constant 0 : i32
        %dma_wait3A_185 = tpu.memref_slice %arg7[%add3A_119, %dma_wait3A_184] : memref<125x80xi32, #tpu.memory_space<vmem>> -> memref<1x80xi32, #tpu.memory_space<vmem>>
        %dma_wait3A_186 = tpu.memref_squeeze %dma_wait3A_185 : memref<1x80xi32, #tpu.memory_space<vmem>> -> memref<80xi32, #tpu.memory_space<vmem>>
        %dma_wait3A_187 = arith.constant 0 : i32
        %dma_wait3A_188 = arith.constant 0 : i32
        %dma_wait3A_189 = tpu.memref_slice %arg13[%dma_wait3A_187, %dma_wait3A_188] : memref<10240x64xf32, #tpu.memory_space<vmem_shared>> -> memref<10240x64xf32, #tpu.memory_space<vmem_shared>>
        tpu.wait_indirect_dma semaphore(%run_scoped3A : memref<!tpu.dma_semaphore, #tpu.memory_space<semaphore_mem>>) src(%arg9 : memref<80x64xf32, #tpu.memory_space<vmem>>) dst(%dma_wait3A_189 : memref<10240x64xf32, #tpu.memory_space<vmem_shared>>)
        tpu.yield
      }) : () -> ()
      %add3A_126 = arith.constant 5 : i32
      %add3A_127 = arith.addi %add3A_119, %add3A_126 : i32
      %lt3A_128 = arith.constant 125 : i32
      %lt3A_129 = arith.cmpi slt, %add3A_127, %lt3A_128 : i32
      %convert_element_type3A_130 = arith.extui %lt3A_129 : i1 to i32
      %cond3A_131 = arith.constant 0 : i32
      %cond3A_132 = arith.cmpi ne, %convert_element_type3A_130, %cond3A_131 : i32
      scf.if %cond3A_132 {
        %add3A_178 = arith.constant 5 : i32
        %add3A_179 = arith.addi %add3A_119, %add3A_178 : i32
        %dma_start3A_180 = arith.constant 0 : i32
        %dma_start3A_181 = tpu.memref_slice %arg6[%add3A_179, %dma_start3A_180] : memref<125x80xi32, #tpu.memory_space<vmem>> -> memref<1x80xi32, #tpu.memory_space<vmem>>
        %dma_start3A_182 = tpu.memref_squeeze %dma_start3A_181 : memref<1x80xi32, #tpu.memory_space<vmem>> -> memref<80xi32, #tpu.memory_space<vmem>>
        %dma_start3A_183 = arith.constant 0 : i32
        %dma_start3A_184 = arith.constant 0 : i32
        %dma_start3A_185 = tpu.memref_slice %arg2[%dma_start3A_183, %dma_start3A_184] : memref<10000x64xf32, #tpu.memory_space<hbm>> -> memref<10000x64xf32, #tpu.memory_space<hbm>>
        tpu.enqueue_indirect_dma source(%dma_start3A_185 : memref<10000x64xf32, #tpu.memory_space<hbm>>) target(%arg9 : memref<80x64xf32, #tpu.memory_space<vmem>>) offsets(%dma_start3A_182 : memref<80xi32, #tpu.memory_space<vmem>>) semaphore(%arg16 : memref<!tpu.dma_semaphore, #tpu.memory_space<semaphore_mem>>)
      } else {
      }
      %add3A_133 = arith.constant 2 : i32
      %add3A_134 = arith.addi %mul3A_105, %add3A_133 : i32
      %dma_wait3A_135 = arith.constant 0 : i32
      %dma_wait3A_136 = tpu.memref_slice %arg6[%add3A_134, %dma_wait3A_135] : memref<125x80xi32, #tpu.memory_space<vmem>> -> memref<1x80xi32, #tpu.memory_space<vmem>>
      %dma_wait3A_137 = tpu.memref_squeeze %dma_wait3A_136 : memref<1x80xi32, #tpu.memory_space<vmem>> -> memref<80xi32, #tpu.memory_space<vmem>>
      %dma_wait3A_138 = arith.constant 0 : i32
      %dma_wait3A_139 = arith.constant 0 : i32
      %dma_wait3A_140 = tpu.memref_slice %arg2[%dma_wait3A_138, %dma_wait3A_139] : memref<10000x64xf32, #tpu.memory_space<hbm>> -> memref<10000x64xf32, #tpu.memory_space<hbm>>
      tpu.wait_indirect_dma semaphore(%arg17 : memref<!tpu.dma_semaphore, #tpu.memory_space<semaphore_mem>>) src(%dma_wait3A_140 : memref<10000x64xf32, #tpu.memory_space<hbm>>) dst(%arg10 : memref<80x64xf32, #tpu.memory_space<vmem>>)
      "tpu.region"() ({
        %run_scoped3A = tpu.sem_alloc : memref<!tpu.dma_semaphore, #tpu.memory_space<semaphore_mem>>
        %dma_start3A_178 = arith.constant 0 : i32
        %dma_start3A_179 = tpu.memref_slice %arg7[%add3A_134, %dma_start3A_178] : memref<125x80xi32, #tpu.memory_space<vmem>> -> memref<1x80xi32, #tpu.memory_space<vmem>>
        %dma_start3A_180 = tpu.memref_squeeze %dma_start3A_179 : memref<1x80xi32, #tpu.memory_space<vmem>> -> memref<80xi32, #tpu.memory_space<vmem>>
        %dma_start3A_181 = arith.constant 0 : i32
        %dma_start3A_182 = arith.constant 0 : i32
        %dma_start3A_183 = tpu.memref_slice %arg13[%dma_start3A_181, %dma_start3A_182] : memref<10240x64xf32, #tpu.memory_space<vmem_shared>> -> memref<10240x64xf32, #tpu.memory_space<vmem_shared>>
        tpu.enqueue_indirect_dma source(%arg10 : memref<80x64xf32, #tpu.memory_space<vmem>>) target(%dma_start3A_183 : memref<10240x64xf32, #tpu.memory_space<vmem_shared>>) offsets(%dma_start3A_180 : memref<80xi32, #tpu.memory_space<vmem>>) semaphore(%run_scoped3A : memref<!tpu.dma_semaphore, #tpu.memory_space<semaphore_mem>>) {add = true}
        %dma_wait3A_184 = arith.constant 0 : i32
        %dma_wait3A_185 = tpu.memref_slice %arg7[%add3A_134, %dma_wait3A_184] : memref<125x80xi32, #tpu.memory_space<vmem>> -> memref<1x80xi32, #tpu.memory_space<vmem>>
        %dma_wait3A_186 = tpu.memref_squeeze %dma_wait3A_185 : memref<1x80xi32, #tpu.memory_space<vmem>> -> memref<80xi32, #tpu.memory_space<vmem>>
        %dma_wait3A_187 = arith.constant 0 : i32
        %dma_wait3A_188 = arith.constant 0 : i32
        %dma_wait3A_189 = tpu.memref_slice %arg13[%dma_wait3A_187, %dma_wait3A_188] : memref<10240x64xf32, #tpu.memory_space<vmem_shared>> -> memref<10240x64xf32, #tpu.memory_space<vmem_shared>>
        tpu.wait_indirect_dma semaphore(%run_scoped3A : memref<!tpu.dma_semaphore, #tpu.memory_space<semaphore_mem>>) src(%arg10 : memref<80x64xf32, #tpu.memory_space<vmem>>) dst(%dma_wait3A_189 : memref<10240x64xf32, #tpu.memory_space<vmem_shared>>)
        tpu.yield
      }) : () -> ()
      %add3A_141 = arith.constant 5 : i32
      %add3A_142 = arith.addi %add3A_134, %add3A_141 : i32
      %lt3A_143 = arith.constant 125 : i32
      %lt3A_144 = arith.cmpi slt, %add3A_142, %lt3A_143 : i32
      %convert_element_type3A_145 = arith.extui %lt3A_144 : i1 to i32
      %cond3A_146 = arith.constant 0 : i32
      %cond3A_147 = arith.cmpi ne, %convert_element_type3A_145, %cond3A_146 : i32
      scf.if %cond3A_147 {
        %add3A_178 = arith.constant 5 : i32
        %add3A_179 = arith.addi %add3A_134, %add3A_178 : i32
        %dma_start3A_180 = arith.constant 0 : i32
        %dma_start3A_181 = tpu.memref_slice %arg6[%add3A_179, %dma_start3A_180] : memref<125x80xi32, #tpu.memory_space<vmem>> -> memref<1x80xi32, #tpu.memory_space<vmem>>
        %dma_start3A_182 = tpu.memref_squeeze %dma_start3A_181 : memref<1x80xi32, #tpu.memory_space<vmem>> -> memref<80xi32, #tpu.memory_space<vmem>>
        %dma_start3A_183 = arith.constant 0 : i32
        %dma_start3A_184 = arith.constant 0 : i32
        %dma_start3A_185 = tpu.memref_slice %arg2[%dma_start3A_183, %dma_start3A_184] : memref<10000x64xf32, #tpu.memory_space<hbm>> -> memref<10000x64xf32, #tpu.memory_space<hbm>>
        tpu.enqueue_indirect_dma source(%dma_start3A_185 : memref<10000x64xf32, #tpu.memory_space<hbm>>) target(%arg10 : memref<80x64xf32, #tpu.memory_space<vmem>>) offsets(%dma_start3A_182 : memref<80xi32, #tpu.memory_space<vmem>>) semaphore(%arg17 : memref<!tpu.dma_semaphore, #tpu.memory_space<semaphore_mem>>)
      } else {
      }
      %add3A_148 = arith.constant 3 : i32
      %add3A_149 = arith.addi %mul3A_105, %add3A_148 : i32
      %dma_wait3A_150 = arith.constant 0 : i32
      %dma_wait3A_151 = tpu.memref_slice %arg6[%add3A_149, %dma_wait3A_150] : memref<125x80xi32, #tpu.memory_space<vmem>> -> memref<1x80xi32, #tpu.memory_space<vmem>>
      %dma_wait3A_152 = tpu.memref_squeeze %dma_wait3A_151 : memref<1x80xi32, #tpu.memory_space<vmem>> -> memref<80xi32, #tpu.memory_space<vmem>>
      %dma_wait3A_153 = arith.constant 0 : i32
      %dma_wait3A_154 = arith.constant 0 : i32
      %dma_wait3A_155 = tpu.memref_slice %arg2[%dma_wait3A_153, %dma_wait3A_154] : memref<10000x64xf32, #tpu.memory_space<hbm>> -> memref<10000x64xf32, #tpu.memory_space<hbm>>
      tpu.wait_indirect_dma semaphore(%arg18 : memref<!tpu.dma_semaphore, #tpu.memory_space<semaphore_mem>>) src(%dma_wait3A_155 : memref<10000x64xf32, #tpu.memory_space<hbm>>) dst(%arg11 : memref<80x64xf32, #tpu.memory_space<vmem>>)
      "tpu.region"() ({
        %run_scoped3A = tpu.sem_alloc : memref<!tpu.dma_semaphore, #tpu.memory_space<semaphore_mem>>
        %dma_start3A_178 = arith.constant 0 : i32
        %dma_start3A_179 = tpu.memref_slice %arg7[%add3A_149, %dma_start3A_178] : memref<125x80xi32, #tpu.memory_space<vmem>> -> memref<1x80xi32, #tpu.memory_space<vmem>>
        %dma_start3A_180 = tpu.memref_squeeze %dma_start3A_179 : memref<1x80xi32, #tpu.memory_space<vmem>> -> memref<80xi32, #tpu.memory_space<vmem>>
        %dma_start3A_181 = arith.constant 0 : i32
        %dma_start3A_182 = arith.constant 0 : i32
        %dma_start3A_183 = tpu.memref_slice %arg13[%dma_start3A_181, %dma_start3A_182] : memref<10240x64xf32, #tpu.memory_space<vmem_shared>> -> memref<10240x64xf32, #tpu.memory_space<vmem_shared>>
        tpu.enqueue_indirect_dma source(%arg11 : memref<80x64xf32, #tpu.memory_space<vmem>>) target(%dma_start3A_183 : memref<10240x64xf32, #tpu.memory_space<vmem_shared>>) offsets(%dma_start3A_180 : memref<80xi32, #tpu.memory_space<vmem>>) semaphore(%run_scoped3A : memref<!tpu.dma_semaphore, #tpu.memory_space<semaphore_mem>>) {add = true}
        %dma_wait3A_184 = arith.constant 0 : i32
        %dma_wait3A_185 = tpu.memref_slice %arg7[%add3A_149, %dma_wait3A_184] : memref<125x80xi32, #tpu.memory_space<vmem>> -> memref<1x80xi32, #tpu.memory_space<vmem>>
        %dma_wait3A_186 = tpu.memref_squeeze %dma_wait3A_185 : memref<1x80xi32, #tpu.memory_space<vmem>> -> memref<80xi32, #tpu.memory_space<vmem>>
        %dma_wait3A_187 = arith.constant 0 : i32
        %dma_wait3A_188 = arith.constant 0 : i32
        %dma_wait3A_189 = tpu.memref_slice %arg13[%dma_wait3A_187, %dma_wait3A_188] : memref<10240x64xf32, #tpu.memory_space<vmem_shared>> -> memref<10240x64xf32, #tpu.memory_space<vmem_shared>>
        tpu.wait_indirect_dma semaphore(%run_scoped3A : memref<!tpu.dma_semaphore, #tpu.memory_space<semaphore_mem>>) src(%arg11 : memref<80x64xf32, #tpu.memory_space<vmem>>) dst(%dma_wait3A_189 : memref<10240x64xf32, #tpu.memory_space<vmem_shared>>)
        tpu.yield
      }) : () -> ()
      %add3A_156 = arith.constant 5 : i32
      %add3A_157 = arith.addi %add3A_149, %add3A_156 : i32
      %lt3A_158 = arith.constant 125 : i32
      %lt3A_159 = arith.cmpi slt, %add3A_157, %lt3A_158 : i32
      %convert_element_type3A_160 = arith.extui %lt3A_159 : i1 to i32
      %cond3A_161 = arith.constant 0 : i32
      %cond3A_162 = arith.cmpi ne, %convert_element_type3A_160, %cond3A_161 : i32
      scf.if %cond3A_162 {
        %add3A_178 = arith.constant 5 : i32
        %add3A_179 = arith.addi %add3A_149, %add3A_178 : i32
        %dma_start3A_180 = arith.constant 0 : i32
        %dma_start3A_181 = tpu.memref_slice %arg6[%add3A_179, %dma_start3A_180] : memref<125x80xi32, #tpu.memory_space<vmem>> -> memref<1x80xi32, #tpu.memory_space<vmem>>
        %dma_start3A_182 = tpu.memref_squeeze %dma_start3A_181 : memref<1x80xi32, #tpu.memory_space<vmem>> -> memref<80xi32, #tpu.memory_space<vmem>>
        %dma_start3A_183 = arith.constant 0 : i32
        %dma_start3A_184 = arith.constant 0 : i32
        %dma_start3A_185 = tpu.memref_slice %arg2[%dma_start3A_183, %dma_start3A_184] : memref<10000x64xf32, #tpu.memory_space<hbm>> -> memref<10000x64xf32, #tpu.memory_space<hbm>>
        tpu.enqueue_indirect_dma source(%dma_start3A_185 : memref<10000x64xf32, #tpu.memory_space<hbm>>) target(%arg11 : memref<80x64xf32, #tpu.memory_space<vmem>>) offsets(%dma_start3A_182 : memref<80xi32, #tpu.memory_space<vmem>>) semaphore(%arg18 : memref<!tpu.dma_semaphore, #tpu.memory_space<semaphore_mem>>)
      } else {
      }
      %add3A_163 = arith.constant 4 : i32
      %add3A_164 = arith.addi %mul3A_105, %add3A_163 : i32
      %dma_wait3A_165 = arith.constant 0 : i32
      %dma_wait3A_166 = tpu.memref_slice %arg6[%add3A_164, %dma_wait3A_165] : memref<125x80xi32, #tpu.memory_space<vmem>> -> memref<1x80xi32, #tpu.memory_space<vmem>>
      %dma_wait3A_167 = tpu.memref_squeeze %dma_wait3A_166 : memref<1x80xi32, #tpu.memory_space<vmem>> -> memref<80xi32, #tpu.memory_space<vmem>>
      %dma_wait3A_168 = arith.constant 0 : i32
      %dma_wait3A_169 = arith.constant 0 : i32
      %dma_wait3A_170 = tpu.memref_slice %arg2[%dma_wait3A_168, %dma_wait3A_169] : memref<10000x64xf32, #tpu.memory_space<hbm>> -> memref<10000x64xf32, #tpu.memory_space<hbm>>
      tpu.wait_indirect_dma semaphore(%arg19 : memref<!tpu.dma_semaphore, #tpu.memory_space<semaphore_mem>>) src(%dma_wait3A_170 : memref<10000x64xf32, #tpu.memory_space<hbm>>) dst(%arg12 : memref<80x64xf32, #tpu.memory_space<vmem>>)
      "tpu.region"() ({
        %run_scoped3A = tpu.sem_alloc : memref<!tpu.dma_semaphore, #tpu.memory_space<semaphore_mem>>
        %dma_start3A_178 = arith.constant 0 : i32
        %dma_start3A_179 = tpu.memref_slice %arg7[%add3A_164, %dma_start3A_178] : memref<125x80xi32, #tpu.memory_space<vmem>> -> memref<1x80xi32, #tpu.memory_space<vmem>>
        %dma_start3A_180 = tpu.memref_squeeze %dma_start3A_179 : memref<1x80xi32, #tpu.memory_space<vmem>> -> memref<80xi32, #tpu.memory_space<vmem>>
        %dma_start3A_181 = arith.constant 0 : i32
        %dma_start3A_182 = arith.constant 0 : i32
        %dma_start3A_183 = tpu.memref_slice %arg13[%dma_start3A_181, %dma_start3A_182] : memref<10240x64xf32, #tpu.memory_space<vmem_shared>> -> memref<10240x64xf32, #tpu.memory_space<vmem_shared>>
        tpu.enqueue_indirect_dma source(%arg12 : memref<80x64xf32, #tpu.memory_space<vmem>>) target(%dma_start3A_183 : memref<10240x64xf32, #tpu.memory_space<vmem_shared>>) offsets(%dma_start3A_180 : memref<80xi32, #tpu.memory_space<vmem>>) semaphore(%run_scoped3A : memref<!tpu.dma_semaphore, #tpu.memory_space<semaphore_mem>>) {add = true}
        %dma_wait3A_184 = arith.constant 0 : i32
        %dma_wait3A_185 = tpu.memref_slice %arg7[%add3A_164, %dma_wait3A_184] : memref<125x80xi32, #tpu.memory_space<vmem>> -> memref<1x80xi32, #tpu.memory_space<vmem>>
        %dma_wait3A_186 = tpu.memref_squeeze %dma_wait3A_185 : memref<1x80xi32, #tpu.memory_space<vmem>> -> memref<80xi32, #tpu.memory_space<vmem>>
        %dma_wait3A_187 = arith.constant 0 : i32
        %dma_wait3A_188 = arith.constant 0 : i32
        %dma_wait3A_189 = tpu.memref_slice %arg13[%dma_wait3A_187, %dma_wait3A_188] : memref<10240x64xf32, #tpu.memory_space<vmem_shared>> -> memref<10240x64xf32, #tpu.memory_space<vmem_shared>>
        tpu.wait_indirect_dma semaphore(%run_scoped3A : memref<!tpu.dma_semaphore, #tpu.memory_space<semaphore_mem>>) src(%arg12 : memref<80x64xf32, #tpu.memory_space<vmem>>) dst(%dma_wait3A_189 : memref<10240x64xf32, #tpu.memory_space<vmem_shared>>)
        tpu.yield
      }) : () -> ()
      %add3A_171 = arith.constant 5 : i32
      %add3A_172 = arith.addi %add3A_164, %add3A_171 : i32
      %lt3A_173 = arith.constant 125 : i32
      %lt3A_174 = arith.cmpi slt, %add3A_172, %lt3A_173 : i32
      %convert_element_type3A_175 = arith.extui %lt3A_174 : i1 to i32
      %cond3A_176 = arith.constant 0 : i32
      %cond3A_177 = arith.cmpi ne, %convert_element_type3A_175, %cond3A_176 : i32
      scf.if %cond3A_177 {
        %add3A_178 = arith.constant 5 : i32
        %add3A_179 = arith.addi %add3A_164, %add3A_178 : i32
        %dma_start3A_180 = arith.constant 0 : i32
        %dma_start3A_181 = tpu.memref_slice %arg6[%add3A_179, %dma_start3A_180] : memref<125x80xi32, #tpu.memory_space<vmem>> -> memref<1x80xi32, #tpu.memory_space<vmem>>
        %dma_start3A_182 = tpu.memref_squeeze %dma_start3A_181 : memref<1x80xi32, #tpu.memory_space<vmem>> -> memref<80xi32, #tpu.memory_space<vmem>>
        %dma_start3A_183 = arith.constant 0 : i32
        %dma_start3A_184 = arith.constant 0 : i32
        %dma_start3A_185 = tpu.memref_slice %arg2[%dma_start3A_183, %dma_start3A_184] : memref<10000x64xf32, #tpu.memory_space<hbm>> -> memref<10000x64xf32, #tpu.memory_space<hbm>>
        tpu.enqueue_indirect_dma source(%dma_start3A_185 : memref<10000x64xf32, #tpu.memory_space<hbm>>) target(%arg12 : memref<80x64xf32, #tpu.memory_space<vmem>>) offsets(%dma_start3A_182 : memref<80xi32, #tpu.memory_space<vmem>>) semaphore(%arg19 : memref<!tpu.dma_semaphore, #tpu.memory_space<semaphore_mem>>)
      } else {
      }
    }
    %scan3A_97 = arith.constant 25 : i32
    %barrier3A_98 = arith.constant 0 : index
    tpu.barrier barrier_id(%barrier3A_98)
    %mul3A_99 = arith.constant 640 : i32
    %mul3A_100 = arith.muli %arg1, %mul3A_99 : i32
    %mul3A_101 = arith.constant 640 : i32
    %mul3A_102 = arith.muli %arg1, %mul3A_101 : i32
    "tpu.region"() ({
      %run_scoped3A = tpu.sem_alloc : memref<!tpu.dma_semaphore, #tpu.memory_space<semaphore_mem>>
      %dma_start3A_103 = arith.constant 0 : i32
      %dma_start3A_104 = tpu.memref_slice %arg5[%arg0, %mul3A_102, %dma_start3A_103] : memref<2x10240x64xf32, #tpu.memory_space<hbm>> -> memref<1x640x64xf32, #tpu.memory_space<hbm>>
      %dma_start3A_105 = tpu.memref_squeeze %dma_start3A_104 : memref<1x640x64xf32, #tpu.memory_space<hbm>> -> memref<640x64xf32, #tpu.memory_space<hbm>>
      %dma_start3A_106 = arith.constant 0 : i32
      %dma_start3A_107 = tpu.memref_slice %arg13[%mul3A_100, %dma_start3A_106] : memref<10240x64xf32, #tpu.memory_space<vmem_shared>> -> memref<640x64xf32, #tpu.memory_space<vmem_shared>>
      tpu.enqueue_dma source(%dma_start3A_107 : memref<640x64xf32, #tpu.memory_space<vmem_shared>>) target(%dma_start3A_105 : memref<640x64xf32, #tpu.memory_space<hbm>>) target_semaphore(%run_scoped3A : memref<!tpu.dma_semaphore, #tpu.memory_space<semaphore_mem>>)
      %dma_wait3A_108 = arith.constant 0 : i32
      %dma_wait3A_109 = tpu.memref_slice %arg5[%arg0, %mul3A_102, %dma_wait3A_108] : memref<2x10240x64xf32, #tpu.memory_space<hbm>> -> memref<1x640x64xf32, #tpu.memory_space<hbm>>
      %dma_wait3A_110 = tpu.memref_squeeze %dma_wait3A_109 : memref<1x640x64xf32, #tpu.memory_space<hbm>> -> memref<640x64xf32, #tpu.memory_space<hbm>>
      %dma_wait3A_111 = arith.constant 0 : i32
      %dma_wait3A_112 = tpu.memref_slice %arg13[%mul3A_100, %dma_wait3A_111] : memref<10240x64xf32, #tpu.memory_space<vmem_shared>> -> memref<640x64xf32, #tpu.memory_space<vmem_shared>>
      tpu.wait_dma2 semaphore(%run_scoped3A : memref<!tpu.dma_semaphore, #tpu.memory_space<semaphore_mem>>) src(%dma_wait3A_112 : memref<640x64xf32, #tpu.memory_space<vmem_shared>>) dst(%dma_wait3A_110 : memref<640x64xf32, #tpu.memory_space<hbm>>)
      tpu.yield
    }) : () -> ()
    return
  }
}

#map = affine_map<(d0, d1) -> (0, 0)>
#map1 = affine_map<(d0, d1) -> (0, 0, 0)>
module attributes {stable_mosaic.version = 14 : i64} {
  func.func @_sc_agg(%arg0: i32, %arg1: i32, %arg2: memref<10000x64xf32, #tpu.memory_space<hbm>>, %arg3: memref<4000x80xi32, #tpu.memory_space<hbm>>, %arg4: memref<4000x80xi32, #tpu.memory_space<hbm>>, %arg5: memref<2x10240x64xf32, #tpu.memory_space<hbm>>, %arg6: memref<125x80xi32, #tpu.memory_space<vmem>>, %arg7: memref<125x80xi32, #tpu.memory_space<vmem>>, %arg8: memref<80x64xf32, #tpu.memory_space<vmem>>, %arg9: memref<80x64xf32, #tpu.memory_space<vmem>>, %arg10: memref<80x64xf32, #tpu.memory_space<vmem>>, %arg11: memref<80x64xf32, #tpu.memory_space<vmem>>, %arg12: memref<80x64xf32, #tpu.memory_space<vmem>>, %arg13: memref<10240x64xf32, #tpu.memory_space<vmem_shared>>, %arg14: memref<!tpu.dma_semaphore, #tpu.memory_space<semaphore_mem>>, %arg15: memref<!tpu.dma_semaphore, #tpu.memory_space<semaphore_mem>>, %arg16: memref<!tpu.dma_semaphore, #tpu.memory_space<semaphore_mem>>, %arg17: memref<!tpu.dma_semaphore, #tpu.memory_space<semaphore_mem>>, %arg18: memref<!tpu.dma_semaphore, #tpu.memory_space<semaphore_mem>>, %arg19: memref<!tpu.dma_semaphore, #tpu.memory_space<semaphore_mem>>) attributes {dimension_semantics = [#tpu.dimension_semantics<core_parallel>, #tpu.dimension_semantics<subcore_parallel>], iteration_bounds = array<i64: 2, 16>, scalar_prefetch = 0 : i64, scratch_operands = 14 : i64, tpu.core_type = #tpu.core_type<sc_vector_subcore>, window_params = [{transform_indices = #map}, {transform_indices = #map}, {transform_indices = #map}, {transform_indices = #map1}]} {
    %mul3A = arith.constant 2 : i32
    %mul3A_0 = arith.muli %arg1, %mul3A : i32
    %add3A = arith.addi %mul3A_0, %arg0 : i32
    %mul3A_1 = arith.constant 125 : i32
    %mul3A_2 = arith.muli %add3A, %mul3A_1 : i32
    %dma_start3A = arith.constant 0 : i32
    %dma_start3A_3 = tpu.memref_slice %arg3[%mul3A_2, %dma_start3A] : memref<4000x80xi32, #tpu.memory_space<hbm>> -> memref<125x80xi32, #tpu.memory_space<hbm>>
    %dma_start3A_4 = arith.constant 0 : i32
    %dma_start3A_5 = tpu.memref_slice %arg3[%mul3A_2, %dma_start3A_4] : memref<4000x80xi32, #tpu.memory_space<hbm>> -> memref<125x80xi32, #tpu.memory_space<hbm>>
    tpu.enqueue_dma source(%dma_start3A_5 : memref<125x80xi32, #tpu.memory_space<hbm>>) target(%arg6 : memref<125x80xi32, #tpu.memory_space<vmem>>) target_semaphore(%arg14 : memref<!tpu.dma_semaphore, #tpu.memory_space<semaphore_mem>>)
    %mul3A_6 = arith.constant 125 : i32
    %mul3A_7 = arith.muli %add3A, %mul3A_6 : i32
    %dma_start3A_8 = arith.constant 0 : i32
    %dma_start3A_9 = tpu.memref_slice %arg4[%mul3A_7, %dma_start3A_8] : memref<4000x80xi32, #tpu.memory_space<hbm>> -> memref<125x80xi32, #tpu.memory_space<hbm>>
    %dma_start3A_10 = arith.constant 0 : i32
    %dma_start3A_11 = tpu.memref_slice %arg4[%mul3A_7, %dma_start3A_10] : memref<4000x80xi32, #tpu.memory_space<hbm>> -> memref<125x80xi32, #tpu.memory_space<hbm>>
    tpu.enqueue_dma source(%dma_start3A_11 : memref<125x80xi32, #tpu.memory_space<hbm>>) target(%arg7 : memref<125x80xi32, #tpu.memory_space<vmem>>) target_semaphore(%arg14 : memref<!tpu.dma_semaphore, #tpu.memory_space<semaphore_mem>>)
    %broadcast_in_dim3A = arith.constant 0.000000e+00 : f32
    %broadcast_in_dim3A_12 = vector.broadcast %broadcast_in_dim3A : f32 to vector<16xf32>
    %scan3A = arith.constant 0 : i32
    %scan3A_13 = arith.constant 0 : i32
    %scan3A_14 = arith.constant 320 : i32
    %scan3A_15 = arith.addi %scan3A_13, %scan3A_14 : i32
    %scan3A_16 = arith.constant 1 : i32
    scf.for %scan3A_103 = %scan3A_13 to %scan3A_15 step %scan3A_16  : i32 {
      %jit3A = arith.constant 4 : i32
      %div3A = arith.divsi %scan3A_103, %jit3A : i32
      %sign3A = arith.constant 0 : i32
      %sign3A_104 = arith.cmpi sgt, %scan3A_103, %sign3A : i32
      %sign3A_105 = arith.extui %sign3A_104 : i1 to i32
      %sign3A_106 = arith.constant 0 : i32
      %sign3A_107 = arith.cmpi slt, %scan3A_103, %sign3A_106 : i32
      %sign3A_108 = arith.extui %sign3A_107 : i1 to i32
      %sign3A_109 = arith.subi %sign3A_105, %sign3A_108 : i32
      %sign3A_110 = arith.constant 0 : i32
      %sign3A_111 = arith.cmpi sgt, %jit3A, %sign3A_110 : i32
      %sign3A_112 = arith.extui %sign3A_111 : i1 to i32
      %sign3A_113 = arith.constant 0 : i32
      %sign3A_114 = arith.cmpi slt, %jit3A, %sign3A_113 : i32
      %sign3A_115 = arith.extui %sign3A_114 : i1 to i32
      %sign3A_116 = arith.subi %sign3A_112, %sign3A_115 : i32
      %ne3A = arith.cmpi ne, %sign3A_109, %sign3A_116 : i32
      %rem3A = arith.remsi %scan3A_103, %jit3A : i32
      %ne3A_117 = arith.constant 0 : i32
      %ne3A_118 = arith.cmpi ne, %rem3A, %ne3A_117 : i32
      %and3A = arith.andi %ne3A, %ne3A_118 : i1
      %sub3A = arith.constant 1 : i32
      %sub3A_119 = arith.subi %div3A, %sub3A : i32
      %select_n3A = arith.select %and3A, %sub3A_119, %div3A : i32
      %jit3A_120 = arith.constant 4 : i32
      %eq3A = arith.constant 0 : i32
      %eq3A_121 = arith.cmpi eq, %jit3A_120, %eq3A : i32
      %jit3A_122 = arith.constant 1 : i32
      %select_n3A_123 = arith.select %eq3A_121, %jit3A_122, %jit3A_120 : i32
      %rem3A_124 = arith.remsi %scan3A_103, %select_n3A_123 : i32
      %ne3A_125 = arith.constant 0 : i32
      %ne3A_126 = arith.cmpi ne, %rem3A_124, %ne3A_125 : i32
      %lt3A = arith.constant 0 : i32
      %lt3A_127 = arith.cmpi slt, %rem3A_124, %lt3A : i32
      %lt3A_128 = arith.constant 0 : i32
      %lt3A_129 = arith.cmpi slt, %select_n3A_123, %lt3A_128 : i32
      %ne3A_130 = arith.xori %lt3A_127, %lt3A_129 : i1
      %and3A_131 = arith.andi %ne3A_130, %ne3A_126 : i1
      %add3A_132 = arith.addi %rem3A_124, %select_n3A_123 : i32
      %select_n3A_133 = arith.select %and3A_131, %add3A_132, %rem3A_124 : i32
      %mul3A_134 = arith.constant 16 : i32
      %mul3A_135 = arith.muli %select_n3A_133, %mul3A_134 : i32
      %swap3A = arith.index_cast %select_n3A : i32 to index
      %swap3A_136 = arith.index_cast %mul3A_135 : i32 to index
      %swap3A_137 = tpu.vector_load %arg8[%swap3A, %swap3A_136] {strides = array<i32>} : memref<80x64xf32, #tpu.memory_space<vmem>>, vector<16xf32>,
      tpu.vector_store %arg8[%swap3A, %swap3A_136], %broadcast_in_dim3A_12 {strides = array<i32>} : memref<80x64xf32, #tpu.memory_space<vmem>>, vector<16xf32>,
    }
    %scan3A_17 = arith.constant 320 : i32
    %mul3A_18 = arith.constant 640 : i32
    %mul3A_19 = arith.muli %arg1, %mul3A_18 : i32
    %add3A_20 = arith.constant 0 : i32
    %add3A_21 = arith.addi %mul3A_19, %add3A_20 : i32
    "tpu.region"() ({
      %run_scoped3A = tpu.sem_alloc : memref<!tpu.dma_semaphore, #tpu.memory_space<semaphore_mem>>
      %dma_start3A_103 = arith.constant 0 : i32
      %dma_start3A_104 = tpu.memref_slice %arg13[%add3A_21, %dma_start3A_103] : memref<10240x64xf32, #tpu.memory_space<vmem_shared>> -> memref<80x64xf32, #tpu.memory_space<vmem_shared>>
      %dma_start3A_105 = arith.constant 0 : i32
      %dma_start3A_106 = tpu.memref_slice %arg13[%add3A_21, %dma_start3A_105] : memref<10240x64xf32, #tpu.memory_space<vmem_shared>> -> memref<80x64xf32, #tpu.memory_space<vmem_shared>>
      tpu.enqueue_dma source(%arg8 : memref<80x64xf32, #tpu.memory_space<vmem>>) target(%dma_start3A_106 : memref<80x64xf32, #tpu.memory_space<vmem_shared>>) target_semaphore(%run_scoped3A : memref<!tpu.dma_semaphore, #tpu.memory_space<semaphore_mem>>)
      %dma_wait3A_107 = arith.constant 0 : i32
      %dma_wait3A_108 = tpu.memref_slice %arg13[%add3A_21, %dma_wait3A_107] : memref<10240x64xf32, #tpu.memory_space<vmem_shared>> -> memref<80x64xf32, #tpu.memory_space<vmem_shared>>
      %dma_wait3A_109 = arith.constant 0 : i32
      %dma_wait3A_110 = tpu.memref_slice %arg13[%add3A_21, %dma_wait3A_109] : memref<10240x64xf32, #tpu.memory_space<vmem_shared>> -> memref<80x64xf32, #tpu.memory_space<vmem_shared>>
      tpu.wait_dma2 semaphore(%run_scoped3A : memref<!tpu.dma_semaphore, #tpu.memory_space<semaphore_mem>>) src(%arg8 : memref<80x64xf32, #tpu.memory_space<vmem>>) dst(%dma_wait3A_110 : memref<80x64xf32, #tpu.memory_space<vmem_shared>>)
      tpu.yield
    }) : () -> ()
    %mul3A_22 = arith.constant 640 : i32
    %mul3A_23 = arith.muli %arg1, %mul3A_22 : i32
    %add3A_24 = arith.constant 80 : i32
    %add3A_25 = arith.addi %mul3A_23, %add3A_24 : i32
    "tpu.region"() ({
      %run_scoped3A = tpu.sem_alloc : memref<!tpu.dma_semaphore, #tpu.memory_space<semaphore_mem>>
      %dma_start3A_103 = arith.constant 0 : i32
      %dma_start3A_104 = tpu.memref_slice %arg13[%add3A_25, %dma_start3A_103] : memref<10240x64xf32, #tpu.memory_space<vmem_shared>> -> memref<80x64xf32, #tpu.memory_space<vmem_shared>>
      %dma_start3A_105 = arith.constant 0 : i32
      %dma_start3A_106 = tpu.memref_slice %arg13[%add3A_25, %dma_start3A_105] : memref<10240x64xf32, #tpu.memory_space<vmem_shared>> -> memref<80x64xf32, #tpu.memory_space<vmem_shared>>
      tpu.enqueue_dma source(%arg8 : memref<80x64xf32, #tpu.memory_space<vmem>>) target(%dma_start3A_106 : memref<80x64xf32, #tpu.memory_space<vmem_shared>>) target_semaphore(%run_scoped3A : memref<!tpu.dma_semaphore, #tpu.memory_space<semaphore_mem>>)
      %dma_wait3A_107 = arith.constant 0 : i32
      %dma_wait3A_108 = tpu.memref_slice %arg13[%add3A_25, %dma_wait3A_107] : memref<10240x64xf32, #tpu.memory_space<vmem_shared>> -> memref<80x64xf32, #tpu.memory_space<vmem_shared>>
      %dma_wait3A_109 = arith.constant 0 : i32
      %dma_wait3A_110 = tpu.memref_slice %arg13[%add3A_25, %dma_wait3A_109] : memref<10240x64xf32, #tpu.memory_space<vmem_shared>> -> memref<80x64xf32, #tpu.memory_space<vmem_shared>>
      tpu.wait_dma2 semaphore(%run_scoped3A : memref<!tpu.dma_semaphore, #tpu.memory_space<semaphore_mem>>) src(%arg8 : memref<80x64xf32, #tpu.memory_space<vmem>>) dst(%dma_wait3A_110 : memref<80x64xf32, #tpu.memory_space<vmem_shared>>)
      tpu.yield
    }) : () -> ()
    %mul3A_26 = arith.constant 640 : i32
    %mul3A_27 = arith.muli %arg1, %mul3A_26 : i32
    %add3A_28 = arith.constant 160 : i32
    %add3A_29 = arith.addi %mul3A_27, %add3A_28 : i32
    "tpu.region"() ({
      %run_scoped3A = tpu.sem_alloc : memref<!tpu.dma_semaphore, #tpu.memory_space<semaphore_mem>>
      %dma_start3A_103 = arith.constant 0 : i32
      %dma_start3A_104 = tpu.memref_slice %arg13[%add3A_29, %dma_start3A_103] : memref<10240x64xf32, #tpu.memory_space<vmem_shared>> -> memref<80x64xf32, #tpu.memory_space<vmem_shared>>
      %dma_start3A_105 = arith.constant 0 : i32
      %dma_start3A_106 = tpu.memref_slice %arg13[%add3A_29, %dma_start3A_105] : memref<10240x64xf32, #tpu.memory_space<vmem_shared>> -> memref<80x64xf32, #tpu.memory_space<vmem_shared>>
      tpu.enqueue_dma source(%arg8 : memref<80x64xf32, #tpu.memory_space<vmem>>) target(%dma_start3A_106 : memref<80x64xf32, #tpu.memory_space<vmem_shared>>) target_semaphore(%run_scoped3A : memref<!tpu.dma_semaphore, #tpu.memory_space<semaphore_mem>>)
      %dma_wait3A_107 = arith.constant 0 : i32
      %dma_wait3A_108 = tpu.memref_slice %arg13[%add3A_29, %dma_wait3A_107] : memref<10240x64xf32, #tpu.memory_space<vmem_shared>> -> memref<80x64xf32, #tpu.memory_space<vmem_shared>>
      %dma_wait3A_109 = arith.constant 0 : i32
      %dma_wait3A_110 = tpu.memref_slice %arg13[%add3A_29, %dma_wait3A_109] : memref<10240x64xf32, #tpu.memory_space<vmem_shared>> -> memref<80x64xf32, #tpu.memory_space<vmem_shared>>
      tpu.wait_dma2 semaphore(%run_scoped3A : memref<!tpu.dma_semaphore, #tpu.memory_space<semaphore_mem>>) src(%arg8 : memref<80x64xf32, #tpu.memory_space<vmem>>) dst(%dma_wait3A_110 : memref<80x64xf32, #tpu.memory_space<vmem_shared>>)
      tpu.yield
    }) : () -> ()
    %mul3A_30 = arith.constant 640 : i32
    %mul3A_31 = arith.muli %arg1, %mul3A_30 : i32
    %add3A_32 = arith.constant 240 : i32
    %add3A_33 = arith.addi %mul3A_31, %add3A_32 : i32
    "tpu.region"() ({
      %run_scoped3A = tpu.sem_alloc : memref<!tpu.dma_semaphore, #tpu.memory_space<semaphore_mem>>
      %dma_start3A_103 = arith.constant 0 : i32
      %dma_start3A_104 = tpu.memref_slice %arg13[%add3A_33, %dma_start3A_103] : memref<10240x64xf32, #tpu.memory_space<vmem_shared>> -> memref<80x64xf32, #tpu.memory_space<vmem_shared>>
      %dma_start3A_105 = arith.constant 0 : i32
      %dma_start3A_106 = tpu.memref_slice %arg13[%add3A_33, %dma_start3A_105] : memref<10240x64xf32, #tpu.memory_space<vmem_shared>> -> memref<80x64xf32, #tpu.memory_space<vmem_shared>>
      tpu.enqueue_dma source(%arg8 : memref<80x64xf32, #tpu.memory_space<vmem>>) target(%dma_start3A_106 : memref<80x64xf32, #tpu.memory_space<vmem_shared>>) target_semaphore(%run_scoped3A : memref<!tpu.dma_semaphore, #tpu.memory_space<semaphore_mem>>)
      %dma_wait3A_107 = arith.constant 0 : i32
      %dma_wait3A_108 = tpu.memref_slice %arg13[%add3A_33, %dma_wait3A_107] : memref<10240x64xf32, #tpu.memory_space<vmem_shared>> -> memref<80x64xf32, #tpu.memory_space<vmem_shared>>
      %dma_wait3A_109 = arith.constant 0 : i32
      %dma_wait3A_110 = tpu.memref_slice %arg13[%add3A_33, %dma_wait3A_109] : memref<10240x64xf32, #tpu.memory_space<vmem_shared>> -> memref<80x64xf32, #tpu.memory_space<vmem_shared>>
      tpu.wait_dma2 semaphore(%run_scoped3A : memref<!tpu.dma_semaphore, #tpu.memory_space<semaphore_mem>>) src(%arg8 : memref<80x64xf32, #tpu.memory_space<vmem>>) dst(%dma_wait3A_110 : memref<80x64xf32, #tpu.memory_space<vmem_shared>>)
      tpu.yield
    }) : () -> ()
    %mul3A_34 = arith.constant 640 : i32
    %mul3A_35 = arith.muli %arg1, %mul3A_34 : i32
    %add3A_36 = arith.constant 320 : i32
    %add3A_37 = arith.addi %mul3A_35, %add3A_36 : i32
    "tpu.region"() ({
      %run_scoped3A = tpu.sem_alloc : memref<!tpu.dma_semaphore, #tpu.memory_space<semaphore_mem>>
      %dma_start3A_103 = arith.constant 0 : i32
      %dma_start3A_104 = tpu.memref_slice %arg13[%add3A_37, %dma_start3A_103] : memref<10240x64xf32, #tpu.memory_space<vmem_shared>> -> memref<80x64xf32, #tpu.memory_space<vmem_shared>>
      %dma_start3A_105 = arith.constant 0 : i32
      %dma_start3A_106 = tpu.memref_slice %arg13[%add3A_37, %dma_start3A_105] : memref<10240x64xf32, #tpu.memory_space<vmem_shared>> -> memref<80x64xf32, #tpu.memory_space<vmem_shared>>
      tpu.enqueue_dma source(%arg8 : memref<80x64xf32, #tpu.memory_space<vmem>>) target(%dma_start3A_106 : memref<80x64xf32, #tpu.memory_space<vmem_shared>>) target_semaphore(%run_scoped3A : memref<!tpu.dma_semaphore, #tpu.memory_space<semaphore_mem>>)
      %dma_wait3A_107 = arith.constant 0 : i32
      %dma_wait3A_108 = tpu.memref_slice %arg13[%add3A_37, %dma_wait3A_107] : memref<10240x64xf32, #tpu.memory_space<vmem_shared>> -> memref<80x64xf32, #tpu.memory_space<vmem_shared>>
      %dma_wait3A_109 = arith.constant 0 : i32
      %dma_wait3A_110 = tpu.memref_slice %arg13[%add3A_37, %dma_wait3A_109] : memref<10240x64xf32, #tpu.memory_space<vmem_shared>> -> memref<80x64xf32, #tpu.memory_space<vmem_shared>>
      tpu.wait_dma2 semaphore(%run_scoped3A : memref<!tpu.dma_semaphore, #tpu.memory_space<semaphore_mem>>) src(%arg8 : memref<80x64xf32, #tpu.memory_space<vmem>>) dst(%dma_wait3A_110 : memref<80x64xf32, #tpu.memory_space<vmem_shared>>)
      tpu.yield
    }) : () -> ()
    %mul3A_38 = arith.constant 640 : i32
    %mul3A_39 = arith.muli %arg1, %mul3A_38 : i32
    %add3A_40 = arith.constant 400 : i32
    %add3A_41 = arith.addi %mul3A_39, %add3A_40 : i32
    "tpu.region"() ({
      %run_scoped3A = tpu.sem_alloc : memref<!tpu.dma_semaphore, #tpu.memory_space<semaphore_mem>>
      %dma_start3A_103 = arith.constant 0 : i32
      %dma_start3A_104 = tpu.memref_slice %arg13[%add3A_41, %dma_start3A_103] : memref<10240x64xf32, #tpu.memory_space<vmem_shared>> -> memref<80x64xf32, #tpu.memory_space<vmem_shared>>
      %dma_start3A_105 = arith.constant 0 : i32
      %dma_start3A_106 = tpu.memref_slice %arg13[%add3A_41, %dma_start3A_105] : memref<10240x64xf32, #tpu.memory_space<vmem_shared>> -> memref<80x64xf32, #tpu.memory_space<vmem_shared>>
      tpu.enqueue_dma source(%arg8 : memref<80x64xf32, #tpu.memory_space<vmem>>) target(%dma_start3A_106 : memref<80x64xf32, #tpu.memory_space<vmem_shared>>) target_semaphore(%run_scoped3A : memref<!tpu.dma_semaphore, #tpu.memory_space<semaphore_mem>>)
      %dma_wait3A_107 = arith.constant 0 : i32
      %dma_wait3A_108 = tpu.memref_slice %arg13[%add3A_41, %dma_wait3A_107] : memref<10240x64xf32, #tpu.memory_space<vmem_shared>> -> memref<80x64xf32, #tpu.memory_space<vmem_shared>>
      %dma_wait3A_109 = arith.constant 0 : i32
      %dma_wait3A_110 = tpu.memref_slice %arg13[%add3A_41, %dma_wait3A_109] : memref<10240x64xf32, #tpu.memory_space<vmem_shared>> -> memref<80x64xf32, #tpu.memory_space<vmem_shared>>
      tpu.wait_dma2 semaphore(%run_scoped3A : memref<!tpu.dma_semaphore, #tpu.memory_space<semaphore_mem>>) src(%arg8 : memref<80x64xf32, #tpu.memory_space<vmem>>) dst(%dma_wait3A_110 : memref<80x64xf32, #tpu.memory_space<vmem_shared>>)
      tpu.yield
    }) : () -> ()
    %mul3A_42 = arith.constant 640 : i32
    %mul3A_43 = arith.muli %arg1, %mul3A_42 : i32
    %add3A_44 = arith.constant 480 : i32
    %add3A_45 = arith.addi %mul3A_43, %add3A_44 : i32
    "tpu.region"() ({
      %run_scoped3A = tpu.sem_alloc : memref<!tpu.dma_semaphore, #tpu.memory_space<semaphore_mem>>
      %dma_start3A_103 = arith.constant 0 : i32
      %dma_start3A_104 = tpu.memref_slice %arg13[%add3A_45, %dma_start3A_103] : memref<10240x64xf32, #tpu.memory_space<vmem_shared>> -> memref<80x64xf32, #tpu.memory_space<vmem_shared>>
      %dma_start3A_105 = arith.constant 0 : i32
      %dma_start3A_106 = tpu.memref_slice %arg13[%add3A_45, %dma_start3A_105] : memref<10240x64xf32, #tpu.memory_space<vmem_shared>> -> memref<80x64xf32, #tpu.memory_space<vmem_shared>>
      tpu.enqueue_dma source(%arg8 : memref<80x64xf32, #tpu.memory_space<vmem>>) target(%dma_start3A_106 : memref<80x64xf32, #tpu.memory_space<vmem_shared>>) target_semaphore(%run_scoped3A : memref<!tpu.dma_semaphore, #tpu.memory_space<semaphore_mem>>)
      %dma_wait3A_107 = arith.constant 0 : i32
      %dma_wait3A_108 = tpu.memref_slice %arg13[%add3A_45, %dma_wait3A_107] : memref<10240x64xf32, #tpu.memory_space<vmem_shared>> -> memref<80x64xf32, #tpu.memory_space<vmem_shared>>
      %dma_wait3A_109 = arith.constant 0 : i32
      %dma_wait3A_110 = tpu.memref_slice %arg13[%add3A_45, %dma_wait3A_109] : memref<10240x64xf32, #tpu.memory_space<vmem_shared>> -> memref<80x64xf32, #tpu.memory_space<vmem_shared>>
      tpu.wait_dma2 semaphore(%run_scoped3A : memref<!tpu.dma_semaphore, #tpu.memory_space<semaphore_mem>>) src(%arg8 : memref<80x64xf32, #tpu.memory_space<vmem>>) dst(%dma_wait3A_110 : memref<80x64xf32, #tpu.memory_space<vmem_shared>>)
      tpu.yield
    }) : () -> ()
    %mul3A_46 = arith.constant 640 : i32
    %mul3A_47 = arith.muli %arg1, %mul3A_46 : i32
    %add3A_48 = arith.constant 560 : i32
    %add3A_49 = arith.addi %mul3A_47, %add3A_48 : i32
    "tpu.region"() ({
      %run_scoped3A = tpu.sem_alloc : memref<!tpu.dma_semaphore, #tpu.memory_space<semaphore_mem>>
      %dma_start3A_103 = arith.constant 0 : i32
      %dma_start3A_104 = tpu.memref_slice %arg13[%add3A_49, %dma_start3A_103] : memref<10240x64xf32, #tpu.memory_space<vmem_shared>> -> memref<80x64xf32, #tpu.memory_space<vmem_shared>>
      %dma_start3A_105 = arith.constant 0 : i32
      %dma_start3A_106 = tpu.memref_slice %arg13[%add3A_49, %dma_start3A_105] : memref<10240x64xf32, #tpu.memory_space<vmem_shared>> -> memref<80x64xf32, #tpu.memory_space<vmem_shared>>
      tpu.enqueue_dma source(%arg8 : memref<80x64xf32, #tpu.memory_space<vmem>>) target(%dma_start3A_106 : memref<80x64xf32, #tpu.memory_space<vmem_shared>>) target_semaphore(%run_scoped3A : memref<!tpu.dma_semaphore, #tpu.memory_space<semaphore_mem>>)
      %dma_wait3A_107 = arith.constant 0 : i32
      %dma_wait3A_108 = tpu.memref_slice %arg13[%add3A_49, %dma_wait3A_107] : memref<10240x64xf32, #tpu.memory_space<vmem_shared>> -> memref<80x64xf32, #tpu.memory_space<vmem_shared>>
      %dma_wait3A_109 = arith.constant 0 : i32
      %dma_wait3A_110 = tpu.memref_slice %arg13[%add3A_49, %dma_wait3A_109] : memref<10240x64xf32, #tpu.memory_space<vmem_shared>> -> memref<80x64xf32, #tpu.memory_space<vmem_shared>>
      tpu.wait_dma2 semaphore(%run_scoped3A : memref<!tpu.dma_semaphore, #tpu.memory_space<semaphore_mem>>) src(%arg8 : memref<80x64xf32, #tpu.memory_space<vmem>>) dst(%dma_wait3A_110 : memref<80x64xf32, #tpu.memory_space<vmem_shared>>)
      tpu.yield
    }) : () -> ()
    %dma_wait3A = arith.constant 0 : i32
    %dma_wait3A_50 = tpu.memref_slice %arg3[%mul3A_2, %dma_wait3A] : memref<4000x80xi32, #tpu.memory_space<hbm>> -> memref<125x80xi32, #tpu.memory_space<hbm>>
    %dma_wait3A_51 = arith.constant 0 : i32
    %dma_wait3A_52 = tpu.memref_slice %arg3[%mul3A_2, %dma_wait3A_51] : memref<4000x80xi32, #tpu.memory_space<hbm>> -> memref<125x80xi32, #tpu.memory_space<hbm>>
    tpu.wait_dma2 semaphore(%arg14 : memref<!tpu.dma_semaphore, #tpu.memory_space<semaphore_mem>>) src(%dma_wait3A_52 : memref<125x80xi32, #tpu.memory_space<hbm>>) dst(%arg6 : memref<125x80xi32, #tpu.memory_space<vmem>>)
    %dma_wait3A_53 = arith.constant 0 : i32
    %dma_wait3A_54 = tpu.memref_slice %arg4[%mul3A_7, %dma_wait3A_53] : memref<4000x80xi32, #tpu.memory_space<hbm>> -> memref<125x80xi32, #tpu.memory_space<hbm>>
    %dma_wait3A_55 = arith.constant 0 : i32
    %dma_wait3A_56 = tpu.memref_slice %arg4[%mul3A_7, %dma_wait3A_55] : memref<4000x80xi32, #tpu.memory_space<hbm>> -> memref<125x80xi32, #tpu.memory_space<hbm>>
    tpu.wait_dma2 semaphore(%arg14 : memref<!tpu.dma_semaphore, #tpu.memory_space<semaphore_mem>>) src(%dma_wait3A_56 : memref<125x80xi32, #tpu.memory_space<hbm>>) dst(%arg7 : memref<125x80xi32, #tpu.memory_space<vmem>>)
    %barrier3A = arith.constant 0 : index
    tpu.barrier barrier_id(%barrier3A)
    %dma_start3A_57 = arith.constant 0 : i32
    %dma_start3A_58 = arith.constant 0 : i32
    %dma_start3A_59 = tpu.memref_slice %arg6[%dma_start3A_57, %dma_start3A_58] : memref<125x80xi32, #tpu.memory_space<vmem>> -> memref<1x80xi32, #tpu.memory_space<vmem>>
    %dma_start3A_60 = tpu.memref_squeeze %dma_start3A_59 : memref<1x80xi32, #tpu.memory_space<vmem>> -> memref<80xi32, #tpu.memory_space<vmem>>
    %dma_start3A_61 = arith.constant 0 : i32
    %dma_start3A_62 = arith.constant 0 : i32
    %dma_start3A_63 = tpu.memref_slice %arg2[%dma_start3A_61, %dma_start3A_62] : memref<10000x64xf32, #tpu.memory_space<hbm>> -> memref<10000x64xf32, #tpu.memory_space<hbm>>
    tpu.enqueue_indirect_dma source(%dma_start3A_63 : memref<10000x64xf32, #tpu.memory_space<hbm>>) target(%arg8 : memref<80x64xf32, #tpu.memory_space<vmem>>) offsets(%dma_start3A_60 : memref<80xi32, #tpu.memory_space<vmem>>) semaphore(%arg15 : memref<!tpu.dma_semaphore, #tpu.memory_space<semaphore_mem>>)
    %dma_start3A_64 = arith.constant 1 : i32
    %dma_start3A_65 = arith.constant 0 : i32
    %dma_start3A_66 = tpu.memref_slice %arg6[%dma_start3A_64, %dma_start3A_65] : memref<125x80xi32, #tpu.memory_space<vmem>> -> memref<1x80xi32, #tpu.memory_space<vmem>>
    %dma_start3A_67 = tpu.memref_squeeze %dma_start3A_66 : memref<1x80xi32, #tpu.memory_space<vmem>> -> memref<80xi32, #tpu.memory_space<vmem>>
    %dma_start3A_68 = arith.constant 0 : i32
    %dma_start3A_69 = arith.constant 0 : i32
    %dma_start3A_70 = tpu.memref_slice %arg2[%dma_start3A_68, %dma_start3A_69] : memref<10000x64xf32, #tpu.memory_space<hbm>> -> memref<10000x64xf32, #tpu.memory_space<hbm>>
    tpu.enqueue_indirect_dma source(%dma_start3A_70 : memref<10000x64xf32, #tpu.memory_space<hbm>>) target(%arg9 : memref<80x64xf32, #tpu.memory_space<vmem>>) offsets(%dma_start3A_67 : memref<80xi32, #tpu.memory_space<vmem>>) semaphore(%arg16 : memref<!tpu.dma_semaphore, #tpu.memory_space<semaphore_mem>>)
    %dma_start3A_71 = arith.constant 2 : i32
    %dma_start3A_72 = arith.constant 0 : i32
    %dma_start3A_73 = tpu.memref_slice %arg6[%dma_start3A_71, %dma_start3A_72] : memref<125x80xi32, #tpu.memory_space<vmem>> -> memref<1x80xi32, #tpu.memory_space<vmem>>
    %dma_start3A_74 = tpu.memref_squeeze %dma_start3A_73 : memref<1x80xi32, #tpu.memory_space<vmem>> -> memref<80xi32, #tpu.memory_space<vmem>>
    %dma_start3A_75 = arith.constant 0 : i32
    %dma_start3A_76 = arith.constant 0 : i32
    %dma_start3A_77 = tpu.memref_slice %arg2[%dma_start3A_75, %dma_start3A_76] : memref<10000x64xf32, #tpu.memory_space<hbm>> -> memref<10000x64xf32, #tpu.memory_space<hbm>>
    tpu.enqueue_indirect_dma source(%dma_start3A_77 : memref<10000x64xf32, #tpu.memory_space<hbm>>) target(%arg10 : memref<80x64xf32, #tpu.memory_space<vmem>>) offsets(%dma_start3A_74 : memref<80xi32, #tpu.memory_space<vmem>>) semaphore(%arg17 : memref<!tpu.dma_semaphore, #tpu.memory_space<semaphore_mem>>)
    %dma_start3A_78 = arith.constant 3 : i32
    %dma_start3A_79 = arith.constant 0 : i32
    %dma_start3A_80 = tpu.memref_slice %arg6[%dma_start3A_78, %dma_start3A_79] : memref<125x80xi32, #tpu.memory_space<vmem>> -> memref<1x80xi32, #tpu.memory_space<vmem>>
    %dma_start3A_81 = tpu.memref_squeeze %dma_start3A_80 : memref<1x80xi32, #tpu.memory_space<vmem>> -> memref<80xi32, #tpu.memory_space<vmem>>
    %dma_start3A_82 = arith.constant 0 : i32
    %dma_start3A_83 = arith.constant 0 : i32
    %dma_start3A_84 = tpu.memref_slice %arg2[%dma_start3A_82, %dma_start3A_83] : memref<10000x64xf32, #tpu.memory_space<hbm>> -> memref<10000x64xf32, #tpu.memory_space<hbm>>
    tpu.enqueue_indirect_dma source(%dma_start3A_84 : memref<10000x64xf32, #tpu.memory_space<hbm>>) target(%arg11 : memref<80x64xf32, #tpu.memory_space<vmem>>) offsets(%dma_start3A_81 : memref<80xi32, #tpu.memory_space<vmem>>) semaphore(%arg18 : memref<!tpu.dma_semaphore, #tpu.memory_space<semaphore_mem>>)
    %dma_start3A_85 = arith.constant 4 : i32
    %dma_start3A_86 = arith.constant 0 : i32
    %dma_start3A_87 = tpu.memref_slice %arg6[%dma_start3A_85, %dma_start3A_86] : memref<125x80xi32, #tpu.memory_space<vmem>> -> memref<1x80xi32, #tpu.memory_space<vmem>>
    %dma_start3A_88 = tpu.memref_squeeze %dma_start3A_87 : memref<1x80xi32, #tpu.memory_space<vmem>> -> memref<80xi32, #tpu.memory_space<vmem>>
    %dma_start3A_89 = arith.constant 0 : i32
    %dma_start3A_90 = arith.constant 0 : i32
    %dma_start3A_91 = tpu.memref_slice %arg2[%dma_start3A_89, %dma_start3A_90] : memref<10000x64xf32, #tpu.memory_space<hbm>> -> memref<10000x64xf32, #tpu.memory_space<hbm>>
    tpu.enqueue_indirect_dma source(%dma_start3A_91 : memref<10000x64xf32, #tpu.memory_space<hbm>>) target(%arg12 : memref<80x64xf32, #tpu.memory_space<vmem>>) offsets(%dma_start3A_88 : memref<80xi32, #tpu.memory_space<vmem>>) semaphore(%arg19 : memref<!tpu.dma_semaphore, #tpu.memory_space<semaphore_mem>>)
    %scan3A_92 = arith.constant 0 : i32
    %scan3A_93 = arith.constant 0 : i32
    %scan3A_94 = arith.constant 25 : i32
    %scan3A_95 = arith.addi %scan3A_93, %scan3A_94 : i32
    %scan3A_96 = arith.constant 1 : i32
    scf.for %scan3A_103 = %scan3A_93 to %scan3A_95 step %scan3A_96  : i32 {
      %mul3A_104 = arith.constant 5 : i32
      %mul3A_105 = arith.muli %scan3A_103, %mul3A_104 : i32
      %add3A_106 = arith.constant 0 : i32
      %add3A_107 = arith.addi %mul3A_105, %add3A_106 : i32
      %dma_wait3A_108 = arith.constant 0 : i32
      %dma_wait3A_109 = tpu.memref_slice %arg6[%add3A_107, %dma_wait3A_108] : memref<125x80xi32, #tpu.memory_space<vmem>> -> memref<1x80xi32, #tpu.memory_space<vmem>>
      %dma_wait3A_110 = tpu.memref_squeeze %dma_wait3A_109 : memref<1x80xi32, #tpu.memory_space<vmem>> -> memref<80xi32, #tpu.memory_space<vmem>>
      %dma_wait3A_111 = arith.constant 0 : i32
      %dma_wait3A_112 = arith.constant 0 : i32
      %dma_wait3A_113 = tpu.memref_slice %arg2[%dma_wait3A_111, %dma_wait3A_112] : memref<10000x64xf32, #tpu.memory_space<hbm>> -> memref<10000x64xf32, #tpu.memory_space<hbm>>
      tpu.wait_indirect_dma semaphore(%arg15 : memref<!tpu.dma_semaphore, #tpu.memory_space<semaphore_mem>>) src(%dma_wait3A_113 : memref<10000x64xf32, #tpu.memory_space<hbm>>) dst(%arg8 : memref<80x64xf32, #tpu.memory_space<vmem>>)
      "tpu.region"() ({
        %run_scoped3A = tpu.sem_alloc : memref<!tpu.dma_semaphore, #tpu.memory_space<semaphore_mem>>
        %dma_start3A_178 = arith.constant 0 : i32
        %dma_start3A_179 = tpu.memref_slice %arg7[%add3A_107, %dma_start3A_178] : memref<125x80xi32, #tpu.memory_space<vmem>> -> memref<1x80xi32, #tpu.memory_space<vmem>>
        %dma_start3A_180 = tpu.memref_squeeze %dma_start3A_179 : memref<1x80xi32, #tpu.memory_space<vmem>> -> memref<80xi32, #tpu.memory_space<vmem>>
        %dma_start3A_181 = arith.constant 0 : i32
        %dma_start3A_182 = arith.constant 0 : i32
        %dma_start3A_183 = tpu.memref_slice %arg13[%dma_start3A_181, %dma_start3A_182] : memref<10240x64xf32, #tpu.memory_space<vmem_shared>> -> memref<10240x64xf32, #tpu.memory_space<vmem_shared>>
        tpu.enqueue_indirect_dma source(%arg8 : memref<80x64xf32, #tpu.memory_space<vmem>>) target(%dma_start3A_183 : memref<10240x64xf32, #tpu.memory_space<vmem_shared>>) offsets(%dma_start3A_180 : memref<80xi32, #tpu.memory_space<vmem>>) semaphore(%run_scoped3A : memref<!tpu.dma_semaphore, #tpu.memory_space<semaphore_mem>>) {add = true}
        %dma_wait3A_184 = arith.constant 0 : i32
        %dma_wait3A_185 = tpu.memref_slice %arg7[%add3A_107, %dma_wait3A_184] : memref<125x80xi32, #tpu.memory_space<vmem>> -> memref<1x80xi32, #tpu.memory_space<vmem>>
        %dma_wait3A_186 = tpu.memref_squeeze %dma_wait3A_185 : memref<1x80xi32, #tpu.memory_space<vmem>> -> memref<80xi32, #tpu.memory_space<vmem>>
        %dma_wait3A_187 = arith.constant 0 : i32
        %dma_wait3A_188 = arith.constant 0 : i32
        %dma_wait3A_189 = tpu.memref_slice %arg13[%dma_wait3A_187, %dma_wait3A_188] : memref<10240x64xf32, #tpu.memory_space<vmem_shared>> -> memref<10240x64xf32, #tpu.memory_space<vmem_shared>>
        tpu.wait_indirect_dma semaphore(%run_scoped3A : memref<!tpu.dma_semaphore, #tpu.memory_space<semaphore_mem>>) src(%arg8 : memref<80x64xf32, #tpu.memory_space<vmem>>) dst(%dma_wait3A_189 : memref<10240x64xf32, #tpu.memory_space<vmem_shared>>)
        tpu.yield
      }) : () -> ()
      %add3A_114 = arith.constant 5 : i32
      %add3A_115 = arith.addi %add3A_107, %add3A_114 : i32
      %lt3A = arith.constant 125 : i32
      %lt3A_116 = arith.cmpi slt, %add3A_115, %lt3A : i32
      %convert_element_type3A = arith.extui %lt3A_116 : i1 to i32
      %cond3A = arith.constant 0 : i32
      %cond3A_117 = arith.cmpi ne, %convert_element_type3A, %cond3A : i32
      scf.if %cond3A_117 {
        %add3A_178 = arith.constant 5 : i32
        %add3A_179 = arith.addi %add3A_107, %add3A_178 : i32
        %dma_start3A_180 = arith.constant 0 : i32
        %dma_start3A_181 = tpu.memref_slice %arg6[%add3A_179, %dma_start3A_180] : memref<125x80xi32, #tpu.memory_space<vmem>> -> memref<1x80xi32, #tpu.memory_space<vmem>>
        %dma_start3A_182 = tpu.memref_squeeze %dma_start3A_181 : memref<1x80xi32, #tpu.memory_space<vmem>> -> memref<80xi32, #tpu.memory_space<vmem>>
        %dma_start3A_183 = arith.constant 0 : i32
        %dma_start3A_184 = arith.constant 0 : i32
        %dma_start3A_185 = tpu.memref_slice %arg2[%dma_start3A_183, %dma_start3A_184] : memref<10000x64xf32, #tpu.memory_space<hbm>> -> memref<10000x64xf32, #tpu.memory_space<hbm>>
        tpu.enqueue_indirect_dma source(%dma_start3A_185 : memref<10000x64xf32, #tpu.memory_space<hbm>>) target(%arg8 : memref<80x64xf32, #tpu.memory_space<vmem>>) offsets(%dma_start3A_182 : memref<80xi32, #tpu.memory_space<vmem>>) semaphore(%arg15 : memref<!tpu.dma_semaphore, #tpu.memory_space<semaphore_mem>>)
      } else {
      }
      %add3A_118 = arith.constant 1 : i32
      %add3A_119 = arith.addi %mul3A_105, %add3A_118 : i32
      %dma_wait3A_120 = arith.constant 0 : i32
      %dma_wait3A_121 = tpu.memref_slice %arg6[%add3A_119, %dma_wait3A_120] : memref<125x80xi32, #tpu.memory_space<vmem>> -> memref<1x80xi32, #tpu.memory_space<vmem>>
      %dma_wait3A_122 = tpu.memref_squeeze %dma_wait3A_121 : memref<1x80xi32, #tpu.memory_space<vmem>> -> memref<80xi32, #tpu.memory_space<vmem>>
      %dma_wait3A_123 = arith.constant 0 : i32
      %dma_wait3A_124 = arith.constant 0 : i32
      %dma_wait3A_125 = tpu.memref_slice %arg2[%dma_wait3A_123, %dma_wait3A_124] : memref<10000x64xf32, #tpu.memory_space<hbm>> -> memref<10000x64xf32, #tpu.memory_space<hbm>>
      tpu.wait_indirect_dma semaphore(%arg16 : memref<!tpu.dma_semaphore, #tpu.memory_space<semaphore_mem>>) src(%dma_wait3A_125 : memref<10000x64xf32, #tpu.memory_space<hbm>>) dst(%arg9 : memref<80x64xf32, #tpu.memory_space<vmem>>)
      "tpu.region"() ({
        %run_scoped3A = tpu.sem_alloc : memref<!tpu.dma_semaphore, #tpu.memory_space<semaphore_mem>>
        %dma_start3A_178 = arith.constant 0 : i32
        %dma_start3A_179 = tpu.memref_slice %arg7[%add3A_119, %dma_start3A_178] : memref<125x80xi32, #tpu.memory_space<vmem>> -> memref<1x80xi32, #tpu.memory_space<vmem>>
        %dma_start3A_180 = tpu.memref_squeeze %dma_start3A_179 : memref<1x80xi32, #tpu.memory_space<vmem>> -> memref<80xi32, #tpu.memory_space<vmem>>
        %dma_start3A_181 = arith.constant 0 : i32
        %dma_start3A_182 = arith.constant 0 : i32
        %dma_start3A_183 = tpu.memref_slice %arg13[%dma_start3A_181, %dma_start3A_182] : memref<10240x64xf32, #tpu.memory_space<vmem_shared>> -> memref<10240x64xf32, #tpu.memory_space<vmem_shared>>
        tpu.enqueue_indirect_dma source(%arg9 : memref<80x64xf32, #tpu.memory_space<vmem>>) target(%dma_start3A_183 : memref<10240x64xf32, #tpu.memory_space<vmem_shared>>) offsets(%dma_start3A_180 : memref<80xi32, #tpu.memory_space<vmem>>) semaphore(%run_scoped3A : memref<!tpu.dma_semaphore, #tpu.memory_space<semaphore_mem>>) {add = true}
        %dma_wait3A_184 = arith.constant 0 : i32
        %dma_wait3A_185 = tpu.memref_slice %arg7[%add3A_119, %dma_wait3A_184] : memref<125x80xi32, #tpu.memory_space<vmem>> -> memref<1x80xi32, #tpu.memory_space<vmem>>
        %dma_wait3A_186 = tpu.memref_squeeze %dma_wait3A_185 : memref<1x80xi32, #tpu.memory_space<vmem>> -> memref<80xi32, #tpu.memory_space<vmem>>
        %dma_wait3A_187 = arith.constant 0 : i32
        %dma_wait3A_188 = arith.constant 0 : i32
        %dma_wait3A_189 = tpu.memref_slice %arg13[%dma_wait3A_187, %dma_wait3A_188] : memref<10240x64xf32, #tpu.memory_space<vmem_shared>> -> memref<10240x64xf32, #tpu.memory_space<vmem_shared>>
        tpu.wait_indirect_dma semaphore(%run_scoped3A : memref<!tpu.dma_semaphore, #tpu.memory_space<semaphore_mem>>) src(%arg9 : memref<80x64xf32, #tpu.memory_space<vmem>>) dst(%dma_wait3A_189 : memref<10240x64xf32, #tpu.memory_space<vmem_shared>>)
        tpu.yield
      }) : () -> ()
      %add3A_126 = arith.constant 5 : i32
      %add3A_127 = arith.addi %add3A_119, %add3A_126 : i32
      %lt3A_128 = arith.constant 125 : i32
      %lt3A_129 = arith.cmpi slt, %add3A_127, %lt3A_128 : i32
      %convert_element_type3A_130 = arith.extui %lt3A_129 : i1 to i32
      %cond3A_131 = arith.constant 0 : i32
      %cond3A_132 = arith.cmpi ne, %convert_element_type3A_130, %cond3A_131 : i32
      scf.if %cond3A_132 {
        %add3A_178 = arith.constant 5 : i32
        %add3A_179 = arith.addi %add3A_119, %add3A_178 : i32
        %dma_start3A_180 = arith.constant 0 : i32
        %dma_start3A_181 = tpu.memref_slice %arg6[%add3A_179, %dma_start3A_180] : memref<125x80xi32, #tpu.memory_space<vmem>> -> memref<1x80xi32, #tpu.memory_space<vmem>>
        %dma_start3A_182 = tpu.memref_squeeze %dma_start3A_181 : memref<1x80xi32, #tpu.memory_space<vmem>> -> memref<80xi32, #tpu.memory_space<vmem>>
        %dma_start3A_183 = arith.constant 0 : i32
        %dma_start3A_184 = arith.constant 0 : i32
        %dma_start3A_185 = tpu.memref_slice %arg2[%dma_start3A_183, %dma_start3A_184] : memref<10000x64xf32, #tpu.memory_space<hbm>> -> memref<10000x64xf32, #tpu.memory_space<hbm>>
        tpu.enqueue_indirect_dma source(%dma_start3A_185 : memref<10000x64xf32, #tpu.memory_space<hbm>>) target(%arg9 : memref<80x64xf32, #tpu.memory_space<vmem>>) offsets(%dma_start3A_182 : memref<80xi32, #tpu.memory_space<vmem>>) semaphore(%arg16 : memref<!tpu.dma_semaphore, #tpu.memory_space<semaphore_mem>>)
      } else {
      }
      %add3A_133 = arith.constant 2 : i32
      %add3A_134 = arith.addi %mul3A_105, %add3A_133 : i32
      %dma_wait3A_135 = arith.constant 0 : i32
      %dma_wait3A_136 = tpu.memref_slice %arg6[%add3A_134, %dma_wait3A_135] : memref<125x80xi32, #tpu.memory_space<vmem>> -> memref<1x80xi32, #tpu.memory_space<vmem>>
      %dma_wait3A_137 = tpu.memref_squeeze %dma_wait3A_136 : memref<1x80xi32, #tpu.memory_space<vmem>> -> memref<80xi32, #tpu.memory_space<vmem>>
      %dma_wait3A_138 = arith.constant 0 : i32
      %dma_wait3A_139 = arith.constant 0 : i32
      %dma_wait3A_140 = tpu.memref_slice %arg2[%dma_wait3A_138, %dma_wait3A_139] : memref<10000x64xf32, #tpu.memory_space<hbm>> -> memref<10000x64xf32, #tpu.memory_space<hbm>>
      tpu.wait_indirect_dma semaphore(%arg17 : memref<!tpu.dma_semaphore, #tpu.memory_space<semaphore_mem>>) src(%dma_wait3A_140 : memref<10000x64xf32, #tpu.memory_space<hbm>>) dst(%arg10 : memref<80x64xf32, #tpu.memory_space<vmem>>)
      "tpu.region"() ({
        %run_scoped3A = tpu.sem_alloc : memref<!tpu.dma_semaphore, #tpu.memory_space<semaphore_mem>>
        %dma_start3A_178 = arith.constant 0 : i32
        %dma_start3A_179 = tpu.memref_slice %arg7[%add3A_134, %dma_start3A_178] : memref<125x80xi32, #tpu.memory_space<vmem>> -> memref<1x80xi32, #tpu.memory_space<vmem>>
        %dma_start3A_180 = tpu.memref_squeeze %dma_start3A_179 : memref<1x80xi32, #tpu.memory_space<vmem>> -> memref<80xi32, #tpu.memory_space<vmem>>
        %dma_start3A_181 = arith.constant 0 : i32
        %dma_start3A_182 = arith.constant 0 : i32
        %dma_start3A_183 = tpu.memref_slice %arg13[%dma_start3A_181, %dma_start3A_182] : memref<10240x64xf32, #tpu.memory_space<vmem_shared>> -> memref<10240x64xf32, #tpu.memory_space<vmem_shared>>
        tpu.enqueue_indirect_dma source(%arg10 : memref<80x64xf32, #tpu.memory_space<vmem>>) target(%dma_start3A_183 : memref<10240x64xf32, #tpu.memory_space<vmem_shared>>) offsets(%dma_start3A_180 : memref<80xi32, #tpu.memory_space<vmem>>) semaphore(%run_scoped3A : memref<!tpu.dma_semaphore, #tpu.memory_space<semaphore_mem>>) {add = true}
        %dma_wait3A_184 = arith.constant 0 : i32
        %dma_wait3A_185 = tpu.memref_slice %arg7[%add3A_134, %dma_wait3A_184] : memref<125x80xi32, #tpu.memory_space<vmem>> -> memref<1x80xi32, #tpu.memory_space<vmem>>
        %dma_wait3A_186 = tpu.memref_squeeze %dma_wait3A_185 : memref<1x80xi32, #tpu.memory_space<vmem>> -> memref<80xi32, #tpu.memory_space<vmem>>
        %dma_wait3A_187 = arith.constant 0 : i32
        %dma_wait3A_188 = arith.constant 0 : i32
        %dma_wait3A_189 = tpu.memref_slice %arg13[%dma_wait3A_187, %dma_wait3A_188] : memref<10240x64xf32, #tpu.memory_space<vmem_shared>> -> memref<10240x64xf32, #tpu.memory_space<vmem_shared>>
        tpu.wait_indirect_dma semaphore(%run_scoped3A : memref<!tpu.dma_semaphore, #tpu.memory_space<semaphore_mem>>) src(%arg10 : memref<80x64xf32, #tpu.memory_space<vmem>>) dst(%dma_wait3A_189 : memref<10240x64xf32, #tpu.memory_space<vmem_shared>>)
        tpu.yield
      }) : () -> ()
      %add3A_141 = arith.constant 5 : i32
      %add3A_142 = arith.addi %add3A_134, %add3A_141 : i32
      %lt3A_143 = arith.constant 125 : i32
      %lt3A_144 = arith.cmpi slt, %add3A_142, %lt3A_143 : i32
      %convert_element_type3A_145 = arith.extui %lt3A_144 : i1 to i32
      %cond3A_146 = arith.constant 0 : i32
      %cond3A_147 = arith.cmpi ne, %convert_element_type3A_145, %cond3A_146 : i32
      scf.if %cond3A_147 {
        %add3A_178 = arith.constant 5 : i32
        %add3A_179 = arith.addi %add3A_134, %add3A_178 : i32
        %dma_start3A_180 = arith.constant 0 : i32
        %dma_start3A_181 = tpu.memref_slice %arg6[%add3A_179, %dma_start3A_180] : memref<125x80xi32, #tpu.memory_space<vmem>> -> memref<1x80xi32, #tpu.memory_space<vmem>>
        %dma_start3A_182 = tpu.memref_squeeze %dma_start3A_181 : memref<1x80xi32, #tpu.memory_space<vmem>> -> memref<80xi32, #tpu.memory_space<vmem>>
        %dma_start3A_183 = arith.constant 0 : i32
        %dma_start3A_184 = arith.constant 0 : i32
        %dma_start3A_185 = tpu.memref_slice %arg2[%dma_start3A_183, %dma_start3A_184] : memref<10000x64xf32, #tpu.memory_space<hbm>> -> memref<10000x64xf32, #tpu.memory_space<hbm>>
        tpu.enqueue_indirect_dma source(%dma_start3A_185 : memref<10000x64xf32, #tpu.memory_space<hbm>>) target(%arg10 : memref<80x64xf32, #tpu.memory_space<vmem>>) offsets(%dma_start3A_182 : memref<80xi32, #tpu.memory_space<vmem>>) semaphore(%arg17 : memref<!tpu.dma_semaphore, #tpu.memory_space<semaphore_mem>>)
      } else {
      }
      %add3A_148 = arith.constant 3 : i32
      %add3A_149 = arith.addi %mul3A_105, %add3A_148 : i32
      %dma_wait3A_150 = arith.constant 0 : i32
      %dma_wait3A_151 = tpu.memref_slice %arg6[%add3A_149, %dma_wait3A_150] : memref<125x80xi32, #tpu.memory_space<vmem>> -> memref<1x80xi32, #tpu.memory_space<vmem>>
      %dma_wait3A_152 = tpu.memref_squeeze %dma_wait3A_151 : memref<1x80xi32, #tpu.memory_space<vmem>> -> memref<80xi32, #tpu.memory_space<vmem>>
      %dma_wait3A_153 = arith.constant 0 : i32
      %dma_wait3A_154 = arith.constant 0 : i32
      %dma_wait3A_155 = tpu.memref_slice %arg2[%dma_wait3A_153, %dma_wait3A_154] : memref<10000x64xf32, #tpu.memory_space<hbm>> -> memref<10000x64xf32, #tpu.memory_space<hbm>>
      tpu.wait_indirect_dma semaphore(%arg18 : memref<!tpu.dma_semaphore, #tpu.memory_space<semaphore_mem>>) src(%dma_wait3A_155 : memref<10000x64xf32, #tpu.memory_space<hbm>>) dst(%arg11 : memref<80x64xf32, #tpu.memory_space<vmem>>)
      "tpu.region"() ({
        %run_scoped3A = tpu.sem_alloc : memref<!tpu.dma_semaphore, #tpu.memory_space<semaphore_mem>>
        %dma_start3A_178 = arith.constant 0 : i32
        %dma_start3A_179 = tpu.memref_slice %arg7[%add3A_149, %dma_start3A_178] : memref<125x80xi32, #tpu.memory_space<vmem>> -> memref<1x80xi32, #tpu.memory_space<vmem>>
        %dma_start3A_180 = tpu.memref_squeeze %dma_start3A_179 : memref<1x80xi32, #tpu.memory_space<vmem>> -> memref<80xi32, #tpu.memory_space<vmem>>
        %dma_start3A_181 = arith.constant 0 : i32
        %dma_start3A_182 = arith.constant 0 : i32
        %dma_start3A_183 = tpu.memref_slice %arg13[%dma_start3A_181, %dma_start3A_182] : memref<10240x64xf32, #tpu.memory_space<vmem_shared>> -> memref<10240x64xf32, #tpu.memory_space<vmem_shared>>
        tpu.enqueue_indirect_dma source(%arg11 : memref<80x64xf32, #tpu.memory_space<vmem>>) target(%dma_start3A_183 : memref<10240x64xf32, #tpu.memory_space<vmem_shared>>) offsets(%dma_start3A_180 : memref<80xi32, #tpu.memory_space<vmem>>) semaphore(%run_scoped3A : memref<!tpu.dma_semaphore, #tpu.memory_space<semaphore_mem>>) {add = true}
        %dma_wait3A_184 = arith.constant 0 : i32
        %dma_wait3A_185 = tpu.memref_slice %arg7[%add3A_149, %dma_wait3A_184] : memref<125x80xi32, #tpu.memory_space<vmem>> -> memref<1x80xi32, #tpu.memory_space<vmem>>
        %dma_wait3A_186 = tpu.memref_squeeze %dma_wait3A_185 : memref<1x80xi32, #tpu.memory_space<vmem>> -> memref<80xi32, #tpu.memory_space<vmem>>
        %dma_wait3A_187 = arith.constant 0 : i32
        %dma_wait3A_188 = arith.constant 0 : i32
        %dma_wait3A_189 = tpu.memref_slice %arg13[%dma_wait3A_187, %dma_wait3A_188] : memref<10240x64xf32, #tpu.memory_space<vmem_shared>> -> memref<10240x64xf32, #tpu.memory_space<vmem_shared>>
        tpu.wait_indirect_dma semaphore(%run_scoped3A : memref<!tpu.dma_semaphore, #tpu.memory_space<semaphore_mem>>) src(%arg11 : memref<80x64xf32, #tpu.memory_space<vmem>>) dst(%dma_wait3A_189 : memref<10240x64xf32, #tpu.memory_space<vmem_shared>>)
        tpu.yield
      }) : () -> ()
      %add3A_156 = arith.constant 5 : i32
      %add3A_157 = arith.addi %add3A_149, %add3A_156 : i32
      %lt3A_158 = arith.constant 125 : i32
      %lt3A_159 = arith.cmpi slt, %add3A_157, %lt3A_158 : i32
      %convert_element_type3A_160 = arith.extui %lt3A_159 : i1 to i32
      %cond3A_161 = arith.constant 0 : i32
      %cond3A_162 = arith.cmpi ne, %convert_element_type3A_160, %cond3A_161 : i32
      scf.if %cond3A_162 {
        %add3A_178 = arith.constant 5 : i32
        %add3A_179 = arith.addi %add3A_149, %add3A_178 : i32
        %dma_start3A_180 = arith.constant 0 : i32
        %dma_start3A_181 = tpu.memref_slice %arg6[%add3A_179, %dma_start3A_180] : memref<125x80xi32, #tpu.memory_space<vmem>> -> memref<1x80xi32, #tpu.memory_space<vmem>>
        %dma_start3A_182 = tpu.memref_squeeze %dma_start3A_181 : memref<1x80xi32, #tpu.memory_space<vmem>> -> memref<80xi32, #tpu.memory_space<vmem>>
        %dma_start3A_183 = arith.constant 0 : i32
        %dma_start3A_184 = arith.constant 0 : i32
        %dma_start3A_185 = tpu.memref_slice %arg2[%dma_start3A_183, %dma_start3A_184] : memref<10000x64xf32, #tpu.memory_space<hbm>> -> memref<10000x64xf32, #tpu.memory_space<hbm>>
        tpu.enqueue_indirect_dma source(%dma_start3A_185 : memref<10000x64xf32, #tpu.memory_space<hbm>>) target(%arg11 : memref<80x64xf32, #tpu.memory_space<vmem>>) offsets(%dma_start3A_182 : memref<80xi32, #tpu.memory_space<vmem>>) semaphore(%arg18 : memref<!tpu.dma_semaphore, #tpu.memory_space<semaphore_mem>>)
      } else {
      }
      %add3A_163 = arith.constant 4 : i32
      %add3A_164 = arith.addi %mul3A_105, %add3A_163 : i32
      %dma_wait3A_165 = arith.constant 0 : i32
      %dma_wait3A_166 = tpu.memref_slice %arg6[%add3A_164, %dma_wait3A_165] : memref<125x80xi32, #tpu.memory_space<vmem>> -> memref<1x80xi32, #tpu.memory_space<vmem>>
      %dma_wait3A_167 = tpu.memref_squeeze %dma_wait3A_166 : memref<1x80xi32, #tpu.memory_space<vmem>> -> memref<80xi32, #tpu.memory_space<vmem>>
      %dma_wait3A_168 = arith.constant 0 : i32
      %dma_wait3A_169 = arith.constant 0 : i32
      %dma_wait3A_170 = tpu.memref_slice %arg2[%dma_wait3A_168, %dma_wait3A_169] : memref<10000x64xf32, #tpu.memory_space<hbm>> -> memref<10000x64xf32, #tpu.memory_space<hbm>>
      tpu.wait_indirect_dma semaphore(%arg19 : memref<!tpu.dma_semaphore, #tpu.memory_space<semaphore_mem>>) src(%dma_wait3A_170 : memref<10000x64xf32, #tpu.memory_space<hbm>>) dst(%arg12 : memref<80x64xf32, #tpu.memory_space<vmem>>)
      "tpu.region"() ({
        %run_scoped3A = tpu.sem_alloc : memref<!tpu.dma_semaphore, #tpu.memory_space<semaphore_mem>>
        %dma_start3A_178 = arith.constant 0 : i32
        %dma_start3A_179 = tpu.memref_slice %arg7[%add3A_164, %dma_start3A_178] : memref<125x80xi32, #tpu.memory_space<vmem>> -> memref<1x80xi32, #tpu.memory_space<vmem>>
        %dma_start3A_180 = tpu.memref_squeeze %dma_start3A_179 : memref<1x80xi32, #tpu.memory_space<vmem>> -> memref<80xi32, #tpu.memory_space<vmem>>
        %dma_start3A_181 = arith.constant 0 : i32
        %dma_start3A_182 = arith.constant 0 : i32
        %dma_start3A_183 = tpu.memref_slice %arg13[%dma_start3A_181, %dma_start3A_182] : memref<10240x64xf32, #tpu.memory_space<vmem_shared>> -> memref<10240x64xf32, #tpu.memory_space<vmem_shared>>
        tpu.enqueue_indirect_dma source(%arg12 : memref<80x64xf32, #tpu.memory_space<vmem>>) target(%dma_start3A_183 : memref<10240x64xf32, #tpu.memory_space<vmem_shared>>) offsets(%dma_start3A_180 : memref<80xi32, #tpu.memory_space<vmem>>) semaphore(%run_scoped3A : memref<!tpu.dma_semaphore, #tpu.memory_space<semaphore_mem>>) {add = true}
        %dma_wait3A_184 = arith.constant 0 : i32
        %dma_wait3A_185 = tpu.memref_slice %arg7[%add3A_164, %dma_wait3A_184] : memref<125x80xi32, #tpu.memory_space<vmem>> -> memref<1x80xi32, #tpu.memory_space<vmem>>
        %dma_wait3A_186 = tpu.memref_squeeze %dma_wait3A_185 : memref<1x80xi32, #tpu.memory_space<vmem>> -> memref<80xi32, #tpu.memory_space<vmem>>
        %dma_wait3A_187 = arith.constant 0 : i32
        %dma_wait3A_188 = arith.constant 0 : i32
        %dma_wait3A_189 = tpu.memref_slice %arg13[%dma_wait3A_187, %dma_wait3A_188] : memref<10240x64xf32, #tpu.memory_space<vmem_shared>> -> memref<10240x64xf32, #tpu.memory_space<vmem_shared>>
        tpu.wait_indirect_dma semaphore(%run_scoped3A : memref<!tpu.dma_semaphore, #tpu.memory_space<semaphore_mem>>) src(%arg12 : memref<80x64xf32, #tpu.memory_space<vmem>>) dst(%dma_wait3A_189 : memref<10240x64xf32, #tpu.memory_space<vmem_shared>>)
        tpu.yield
      }) : () -> ()
      %add3A_171 = arith.constant 5 : i32
      %add3A_172 = arith.addi %add3A_164, %add3A_171 : i32
      %lt3A_173 = arith.constant 125 : i32
      %lt3A_174 = arith.cmpi slt, %add3A_172, %lt3A_173 : i32
      %convert_element_type3A_175 = arith.extui %lt3A_174 : i1 to i32
      %cond3A_176 = arith.constant 0 : i32
      %cond3A_177 = arith.cmpi ne, %convert_element_type3A_175, %cond3A_176 : i32
      scf.if %cond3A_177 {
        %add3A_178 = arith.constant 5 : i32
        %add3A_179 = arith.addi %add3A_164, %add3A_178 : i32
        %dma_start3A_180 = arith.constant 0 : i32
        %dma_start3A_181 = tpu.memref_slice %arg6[%add3A_179, %dma_start3A_180] : memref<125x80xi32, #tpu.memory_space<vmem>> -> memref<1x80xi32, #tpu.memory_space<vmem>>
        %dma_start3A_182 = tpu.memref_squeeze %dma_start3A_181 : memref<1x80xi32, #tpu.memory_space<vmem>> -> memref<80xi32, #tpu.memory_space<vmem>>
        %dma_start3A_183 = arith.constant 0 : i32
        %dma_start3A_184 = arith.constant 0 : i32
        %dma_start3A_185 = tpu.memref_slice %arg2[%dma_start3A_183, %dma_start3A_184] : memref<10000x64xf32, #tpu.memory_space<hbm>> -> memref<10000x64xf32, #tpu.memory_space<hbm>>
        tpu.enqueue_indirect_dma source(%dma_start3A_185 : memref<10000x64xf32, #tpu.memory_space<hbm>>) target(%arg12 : memref<80x64xf32, #tpu.memory_space<vmem>>) offsets(%dma_start3A_182 : memref<80xi32, #tpu.memory_space<vmem>>) semaphore(%arg19 : memref<!tpu.dma_semaphore, #tpu.memory_space<semaphore_mem>>)
      } else {
      }
    }
    %scan3A_97 = arith.constant 25 : i32
    %barrier3A_98 = arith.constant 0 : index
    tpu.barrier barrier_id(%barrier3A_98)
    %mul3A_99 = arith.constant 640 : i32
    %mul3A_100 = arith.muli %arg1, %mul3A_99 : i32
    %mul3A_101 = arith.constant 640 : i32
    %mul3A_102 = arith.muli %arg1, %mul3A_101 : i32
    "tpu.region"() ({
      %run_scoped3A = tpu.sem_alloc : memref<!tpu.dma_semaphore, #tpu.memory_space<semaphore_mem>>
      %dma_start3A_103 = arith.constant 0 : i32
      %dma_start3A_104 = tpu.memref_slice %arg5[%arg0, %mul3A_102, %dma_start3A_103] : memref<2x10240x64xf32, #tpu.memory_space<hbm>> -> memref<1x640x64xf32, #tpu.memory_space<hbm>>
      %dma_start3A_105 = tpu.memref_squeeze %dma_start3A_104 : memref<1x640x64xf32, #tpu.memory_space<hbm>> -> memref<640x64xf32, #tpu.memory_space<hbm>>
      %dma_start3A_106 = arith.constant 0 : i32
      %dma_start3A_107 = tpu.memref_slice %arg13[%mul3A_100, %dma_start3A_106] : memref<10240x64xf32, #tpu.memory_space<vmem_shared>> -> memref<640x64xf32, #tpu.memory_space<vmem_shared>>
      tpu.enqueue_dma source(%dma_start3A_107 : memref<640x64xf32, #tpu.memory_space<vmem_shared>>) target(%dma_start3A_105 : memref<640x64xf32, #tpu.memory_space<hbm>>) target_semaphore(%run_scoped3A : memref<!tpu.dma_semaphore, #tpu.memory_space<semaphore_mem>>)
      %dma_wait3A_108 = arith.constant 0 : i32
      %dma_wait3A_109 = tpu.memref_slice %arg5[%arg0, %mul3A_102, %dma_wait3A_108] : memref<2x10240x64xf32, #tpu.memory_space<hbm>> -> memref<1x640x64xf32, #tpu.memory_space<hbm>>
      %dma_wait3A_110 = tpu.memref_squeeze %dma_wait3A_109 : memref<1x640x64xf32, #tpu.memory_space<hbm>> -> memref<640x64xf32, #tpu.memory_space<hbm>>
      %dma_wait3A_111 = arith.constant 0 : i32
      %dma_wait3A_112 = tpu.memref_slice %arg13[%mul3A_100, %dma_wait3A_111] : memref<10240x64xf32, #tpu.memory_space<vmem_shared>> -> memref<640x64xf32, #tpu.memory_space<vmem_shared>>
      tpu.wait_dma2 semaphore(%run_scoped3A : memref<!tpu.dma_semaphore, #tpu.memory_space<semaphore_mem>>) src(%dma_wait3A_112 : memref<640x64xf32, #tpu.memory_space<vmem_shared>>) dst(%dma_wait3A_110 : memref<640x64xf32, #tpu.memory_space<hbm>>)
      tpu.yield
    }) : () -> ()
    return
  }
}

module attributes {stable_mosaic.version = 14 : i64} {
  func.func @_tc_dinv_body(%arg0: i32, %arg1: memref<2560x128xf32, #tpu.memory_space<vmem>>, %arg2: memref<80x128xf32, #tpu.memory_space<vmem>>) attributes {dimension_semantics = [#tpu.dimension_semantics<arbitrary>], iteration_bounds = array<i64: 1>, scalar_prefetch = 0 : i64, scratch_operands = 0 : i64, tpu.core_type = #tpu.core_type<tc>, window_params = [{pipeline_mode = #tpu.pipeline_mode<synchronous>, transform_indices = @transform_0, window_bounds = array<i64: 2560, 128>}, {pipeline_mode = #tpu.pipeline_mode<synchronous>, transform_indices = @transform_1, window_bounds = array<i64: 80, 128>}]} {
    %get3A = arith.constant 0 : index
    %get3A_0 = arith.constant 0 : index
    %get3A_1 = vector.load %arg1[%get3A, %get3A_0] : memref<2560x128xf32, #tpu.memory_space<vmem>>, vector<2560x128xf32>
    %reshape3A = vector.shape_cast %get3A_1 : vector<2560x128xf32> to vector<32x80x128xf32>
    %reduce_sum3A = arith.constant dense<0.000000e+00> : vector<80x128xf32>
    %reduce_sum3A_2 = vector.multi_reduction <add>, %reshape3A, %reduce_sum3A [0] : vector<32x80x128xf32> to vector<80x128xf32>
    %add3A = arith.constant 1.000000e+00 : f32
    %add3A_3 = vector.broadcast %add3A : f32 to vector<80x128xf32>
    %add3A_4 = arith.addf %reduce_sum3A_2, %add3A_3 : vector<80x128xf32>
    %rsqrt3A = math.rsqrt %add3A_4 : vector<80x128xf32>
    %swap3A = arith.constant 0 : index
    %swap3A_5 = arith.constant 0 : index
    %swap3A_6 = vector.load %arg2[%swap3A, %swap3A_5] : memref<80x128xf32, #tpu.memory_space<vmem>>, vector<80x128xf32>
    tpu.vector_store %arg2[%swap3A, %swap3A_5], %rsqrt3A {strides = array<i32>} : memref<80x128xf32, #tpu.memory_space<vmem>>, vector<80x128xf32>,
    return
  }
  func.func @transform_0(%arg0: i32) -> (i32, i32) {
    %c0_i32 = arith.constant 0 : i32
    %c0_i32_0 = arith.constant 0 : i32
    %c0_i32_1 = arith.constant 0 : i32
    return %c0_i32, %c0_i32_0 : i32, i32
  }
  func.func @transform_1(%arg0: i32) -> (i32, i32) {
    %c0_i32 = arith.constant 0 : i32
    %c0_i32_0 = arith.constant 0 : i32
    %c0_i32_1 = arith.constant 0 : i32
    return %c0_i32, %c0_i32_0 : i32, i32
  }
}

module attributes {stable_mosaic.version = 14 : i64} {
  func.func @_tc_first_body(%arg0: i32, %arg1: memref<1000x256xf32, #tpu.memory_space<vmem>>, %arg2: memref<256x128xf32, #tpu.memory_space<vmem>>, %arg3: memref<1000x2xf32, #tpu.memory_space<vmem>>, %arg4: memref<1000x128xf32, #tpu.memory_space<vmem>>) attributes {dimension_semantics = [#tpu.dimension_semantics<arbitrary>], iteration_bounds = array<i64: 5>, scalar_prefetch = 0 : i64, scratch_operands = 0 : i64, tpu.core_type = #tpu.core_type<tc>, window_params = [{transform_indices = @transform_0, window_bounds = array<i64: 1000, 256>}, {pipeline_mode = #tpu.pipeline_mode<synchronous>, transform_indices = @transform_1, window_bounds = array<i64: 256, 128>}, {transform_indices = @transform_2, window_bounds = array<i64: 1000, 2>}, {transform_indices = @transform_3, window_bounds = array<i64: 1000, 128>}]} {
    %get3A = arith.constant 0 : index
    %get3A_0 = arith.constant 0 : index
    %get3A_1 = vector.load %arg3[%get3A, %get3A_0] : memref<1000x2xf32, #tpu.memory_space<vmem>>, vector<1000x2xf32>
    %iota3A = tpu.iota {dimensions = array<i32: 0>} : vector<2x128xi32>
    %iota3A_2 = tpu.iota {dimensions = array<i32: 1>} : vector<2x128xi32>
    %jit3A = arith.constant 64 : i32
    %div3A = vector.broadcast %jit3A : i32 to vector<2x128xi32>
    %div3A_3 = arith.divsi %iota3A_2, %div3A : vector<2x128xi32>
    %sign3A = arith.constant 0 : i32
    %sign3A_4 = vector.broadcast %sign3A : i32 to vector<2x128xi32>
    %sign3A_5 = arith.cmpi sgt, %iota3A_2, %sign3A_4 : vector<2x128xi32>
    %sign3A_6 = arith.extui %sign3A_5 : vector<2x128xi1> to vector<2x128xi32>
    %sign3A_7 = arith.constant 0 : i32
    %sign3A_8 = vector.broadcast %sign3A_7 : i32 to vector<2x128xi32>
    %sign3A_9 = arith.cmpi slt, %iota3A_2, %sign3A_8 : vector<2x128xi32>
    %sign3A_10 = arith.extui %sign3A_9 : vector<2x128xi1> to vector<2x128xi32>
    %sign3A_11 = arith.subi %sign3A_6, %sign3A_10 : vector<2x128xi32>
    %sign3A_12 = arith.constant 0 : i32
    %sign3A_13 = arith.cmpi sgt, %jit3A, %sign3A_12 : i32
    %sign3A_14 = arith.extui %sign3A_13 : i1 to i32
    %sign3A_15 = arith.constant 0 : i32
    %sign3A_16 = arith.cmpi slt, %jit3A, %sign3A_15 : i32
    %sign3A_17 = arith.extui %sign3A_16 : i1 to i32
    %sign3A_18 = arith.subi %sign3A_14, %sign3A_17 : i32
    %ne3A = vector.broadcast %sign3A_18 : i32 to vector<2x128xi32>
    %ne3A_19 = arith.cmpi ne, %sign3A_11, %ne3A : vector<2x128xi32>
    %rem3A = vector.broadcast %jit3A : i32 to vector<2x128xi32>
    %rem3A_20 = arith.remsi %iota3A_2, %rem3A : vector<2x128xi32>
    %ne3A_21 = arith.constant 0 : i32
    %ne3A_22 = vector.broadcast %ne3A_21 : i32 to vector<2x128xi32>
    %ne3A_23 = arith.cmpi ne, %rem3A_20, %ne3A_22 : vector<2x128xi32>
    %and3A = arith.andi %ne3A_19, %ne3A_23 : vector<2x128xi1>
    %sub3A = arith.constant 1 : i32
    %sub3A_24 = vector.broadcast %sub3A : i32 to vector<2x128xi32>
    %sub3A_25 = arith.subi %div3A_3, %sub3A_24 : vector<2x128xi32>
    %select_n3A = arith.select %and3A, %sub3A_25, %div3A_3 : vector<2x128xi1>, vector<2x128xi32>
    %eq3A = arith.cmpi eq, %select_n3A, %iota3A : vector<2x128xi32>
    %convert_element_type3A = arith.extui %eq3A : vector<2x128xi1> to vector<2x128xi32>
    %convert_element_type3A_26 = arith.sitofp %convert_element_type3A : vector<2x128xi32> to vector<2x128xf32>
    %dot_general3A = arith.constant dense<0.000000e+00> : vector<1000x128xf32>
    %dot_general3A_27 = tpu.matmul %get3A_1, %convert_element_type3A_26, %dot_general3A {dimension_numbers = #tpu.dot_dimension_numbers<[1], [0], [0], [1], [0, 0, 1, 1], [], []>, transpose_lhs_hint = false} : vector<1000x2xf32>, vector<2x128xf32>, vector<1000x128xf32> -> vector<1000x128xf32>
    %get3A_28 = arith.constant 0 : index
    %get3A_29 = arith.constant 0 : index
    %get3A_30 = vector.load %arg1[%get3A_28, %get3A_29] : memref<1000x256xf32, #tpu.memory_space<vmem>>, vector<1000x256xf32>
    %get3A_31 = arith.constant 0 : index
    %get3A_32 = arith.constant 0 : index
    %get3A_33 = vector.load %arg2[%get3A_31, %get3A_32] : memref<256x128xf32, #tpu.memory_space<vmem>>, vector<256x128xf32>
    %dot_general3A_34 = arith.constant dense<0.000000e+00> : vector<1000x128xf32>
    %dot_general3A_35 = tpu.matmul %get3A_30, %get3A_33, %dot_general3A_34 {dimension_numbers = #tpu.dot_dimension_numbers<[1], [0], [0], [1], [0, 0, 1, 1], [], []>, transpose_lhs_hint = false} : vector<1000x256xf32>, vector<256x128xf32>, vector<1000x128xf32> -> vector<1000x128xf32>
    %mul3A = arith.mulf %dot_general3A_35, %dot_general3A_27 : vector<1000x128xf32>
    %swap3A = arith.constant 0 : index
    %swap3A_36 = arith.constant 0 : index
    %swap3A_37 = vector.load %arg4[%swap3A, %swap3A_36] : memref<1000x128xf32, #tpu.memory_space<vmem>>, vector<1000x128xf32>
    tpu.vector_store %arg4[%swap3A, %swap3A_36], %mul3A {strides = array<i32>} : memref<1000x128xf32, #tpu.memory_space<vmem>>, vector<1000x128xf32>,
    return
  }
  func.func @transform_0(%arg0: i32) -> (i32, i32) {
    %c0_i32 = arith.constant 0 : i32
    %c0_i32_0 = arith.constant 0 : i32
    return %arg0, %c0_i32 : i32, i32
  }
  func.func @transform_1(%arg0: i32) -> (i32, i32) {
    %c0_i32 = arith.constant 0 : i32
    %c0_i32_0 = arith.constant 0 : i32
    %c0_i32_1 = arith.constant 0 : i32
    return %c0_i32, %c0_i32_0 : i32, i32
  }
  func.func @transform_2(%arg0: i32) -> (i32, i32) {
    %c0_i32 = arith.constant 0 : i32
    %c0_i32_0 = arith.constant 0 : i32
    return %arg0, %c0_i32 : i32, i32
  }
  func.func @transform_3(%arg0: i32) -> (i32, i32) {
    %c0_i32 = arith.constant 0 : i32
    %c0_i32_0 = arith.constant 0 : i32
    return %arg0, %c0_i32 : i32, i32
  }
}

module attributes {stable_mosaic.version = 14 : i64} {
  func.func @_tc_mid_body(%arg0: i32, %arg1: memref<2x1000x128xf32, #tpu.memory_space<vmem>>, %arg2: memref<1000x128xf32, #tpu.memory_space<vmem>>, %arg3: memref<1000x2xf32, #tpu.memory_space<vmem>>, %arg4: memref<1x128xf32, #tpu.memory_space<vmem>>, %arg5: memref<128x128xf32, #tpu.memory_space<vmem>>, %arg6: memref<1000x128xf32, #tpu.memory_space<vmem>>) attributes {dimension_semantics = [#tpu.dimension_semantics<arbitrary>], iteration_bounds = array<i64: 5>, scalar_prefetch = 0 : i64, scratch_operands = 0 : i64, tpu.core_type = #tpu.core_type<tc>, window_params = [{transform_indices = @transform_0, window_bounds = array<i64: 2, 1000, 128>}, {transform_indices = @transform_1, window_bounds = array<i64: 1000, 128>}, {transform_indices = @transform_2, window_bounds = array<i64: 1000, 2>}, {pipeline_mode = #tpu.pipeline_mode<synchronous>, transform_indices = @transform_3, window_bounds = array<i64: 1, 128>}, {pipeline_mode = #tpu.pipeline_mode<synchronous>, transform_indices = @transform_4, window_bounds = array<i64: 128, 128>}, {transform_indices = @transform_5, window_bounds = array<i64: 1000, 128>}]} {
    %get3A = arith.constant 0 : index
    %get3A_0 = arith.constant 0 : index
    %get3A_1 = vector.load %arg3[%get3A, %get3A_0] : memref<1000x2xf32, #tpu.memory_space<vmem>>, vector<1000x2xf32>
    %iota3A = tpu.iota {dimensions = array<i32: 0>} : vector<2x128xi32>
    %iota3A_2 = tpu.iota {dimensions = array<i32: 1>} : vector<2x128xi32>
    %jit3A = arith.constant 64 : i32
    %div3A = vector.broadcast %jit3A : i32 to vector<2x128xi32>
    %div3A_3 = arith.divsi %iota3A_2, %div3A : vector<2x128xi32>
    %sign3A = arith.constant 0 : i32
    %sign3A_4 = vector.broadcast %sign3A : i32 to vector<2x128xi32>
    %sign3A_5 = arith.cmpi sgt, %iota3A_2, %sign3A_4 : vector<2x128xi32>
    %sign3A_6 = arith.extui %sign3A_5 : vector<2x128xi1> to vector<2x128xi32>
    %sign3A_7 = arith.constant 0 : i32
    %sign3A_8 = vector.broadcast %sign3A_7 : i32 to vector<2x128xi32>
    %sign3A_9 = arith.cmpi slt, %iota3A_2, %sign3A_8 : vector<2x128xi32>
    %sign3A_10 = arith.extui %sign3A_9 : vector<2x128xi1> to vector<2x128xi32>
    %sign3A_11 = arith.subi %sign3A_6, %sign3A_10 : vector<2x128xi32>
    %sign3A_12 = arith.constant 0 : i32
    %sign3A_13 = arith.cmpi sgt, %jit3A, %sign3A_12 : i32
    %sign3A_14 = arith.extui %sign3A_13 : i1 to i32
    %sign3A_15 = arith.constant 0 : i32
    %sign3A_16 = arith.cmpi slt, %jit3A, %sign3A_15 : i32
    %sign3A_17 = arith.extui %sign3A_16 : i1 to i32
    %sign3A_18 = arith.subi %sign3A_14, %sign3A_17 : i32
    %ne3A = vector.broadcast %sign3A_18 : i32 to vector<2x128xi32>
    %ne3A_19 = arith.cmpi ne, %sign3A_11, %ne3A : vector<2x128xi32>
    %rem3A = vector.broadcast %jit3A : i32 to vector<2x128xi32>
    %rem3A_20 = arith.remsi %iota3A_2, %rem3A : vector<2x128xi32>
    %ne3A_21 = arith.constant 0 : i32
    %ne3A_22 = vector.broadcast %ne3A_21 : i32 to vector<2x128xi32>
    %ne3A_23 = arith.cmpi ne, %rem3A_20, %ne3A_22 : vector<2x128xi32>
    %and3A = arith.andi %ne3A_19, %ne3A_23 : vector<2x128xi1>
    %sub3A = arith.constant 1 : i32
    %sub3A_24 = vector.broadcast %sub3A : i32 to vector<2x128xi32>
    %sub3A_25 = arith.subi %div3A_3, %sub3A_24 : vector<2x128xi32>
    %select_n3A = arith.select %and3A, %sub3A_25, %div3A_3 : vector<2x128xi1>, vector<2x128xi32>
    %eq3A = arith.cmpi eq, %select_n3A, %iota3A : vector<2x128xi32>
    %convert_element_type3A = arith.extui %eq3A : vector<2x128xi1> to vector<2x128xi32>
    %convert_element_type3A_26 = arith.sitofp %convert_element_type3A : vector<2x128xi32> to vector<2x128xf32>
    %dot_general3A = arith.constant dense<0.000000e+00> : vector<1000x128xf32>
    %dot_general3A_27 = tpu.matmul %get3A_1, %convert_element_type3A_26, %dot_general3A {dimension_numbers = #tpu.dot_dimension_numbers<[1], [0], [0], [1], [0, 0, 1, 1], [], []>, transpose_lhs_hint = false} : vector<1000x2xf32>, vector<2x128xf32>, vector<1000x128xf32> -> vector<1000x128xf32>
    %get3A_28 = arith.constant 0 : index
    %get3A_29 = arith.constant 0 : index
    %get3A_30 = arith.constant 0 : index
    %get3A_31 = vector.load %arg1[%get3A_28, %get3A_29, %get3A_30] : memref<2x1000x128xf32, #tpu.memory_space<vmem>>, vector<2x1000x128xf32>
    %slice3A = vector.extract_strided_slice %get3A_31 {offsets = [0, 0, 0], sizes = [1, 1000, 128], strides = [1, 1, 1]} : vector<2x1000x128xf32> to vector<1x1000x128xf32>
    %squeeze3A = vector.shape_cast %slice3A : vector<1x1000x128xf32> to vector<1000x128xf32>
    %slice3A_32 = vector.extract_strided_slice %get3A_31 {offsets = [1, 0, 0], sizes = [1, 1000, 128], strides = [1, 1, 1]} : vector<2x1000x128xf32> to vector<1x1000x128xf32>
    %squeeze3A_33 = vector.shape_cast %slice3A_32 : vector<1x1000x128xf32> to vector<1000x128xf32>
    %add3A = arith.addf %squeeze3A, %squeeze3A_33 : vector<1000x128xf32>
    %get3A_34 = arith.constant 0 : index
    %get3A_35 = arith.constant 0 : index
    %get3A_36 = vector.load %arg2[%get3A_34, %get3A_35] : memref<1000x128xf32, #tpu.memory_space<vmem>>, vector<1000x128xf32>
    %add3A_37 = arith.addf %add3A, %get3A_36 : vector<1000x128xf32>
    %mul3A = arith.mulf %add3A_37, %dot_general3A_27 : vector<1000x128xf32>
    %get3A_38 = arith.constant 0 : index
    %get3A_39 = arith.constant 0 : index
    %get3A_40 = vector.load %arg4[%get3A_38, %get3A_39] : memref<1x128xf32, #tpu.memory_space<vmem>>, vector<1x128xf32>
    %add3A_41 = vector.broadcast %get3A_40 : vector<1x128xf32> to vector<1000x128xf32>
    %add3A_42 = arith.addf %mul3A, %add3A_41 : vector<1000x128xf32>
    %max3A = arith.constant 0.000000e+00 : f32
    %max3A_43 = vector.broadcast %max3A : f32 to vector<1000x128xf32>
    %max3A_44 = arith.maximumf %add3A_42, %max3A_43 : vector<1000x128xf32>
    %get3A_45 = arith.constant 0 : index
    %get3A_46 = arith.constant 0 : index
    %get3A_47 = vector.load %arg5[%get3A_45, %get3A_46] : memref<128x128xf32, #tpu.memory_space<vmem>>, vector<128x128xf32>
    %dot_general3A_48 = arith.constant dense<0.000000e+00> : vector<1000x128xf32>
    %dot_general3A_49 = tpu.matmul %max3A_44, %get3A_47, %dot_general3A_48 {dimension_numbers = #tpu.dot_dimension_numbers<[1], [0], [0], [1], [0, 0, 1, 1], [], []>, transpose_lhs_hint = false} : vector<1000x128xf32>, vector<128x128xf32>, vector<1000x128xf32> -> vector<1000x128xf32>
    %mul3A_50 = arith.mulf %dot_general3A_49, %dot_general3A_27 : vector<1000x128xf32>
    %swap3A = arith.constant 0 : index
    %swap3A_51 = arith.constant 0 : index
    %swap3A_52 = vector.load %arg6[%swap3A, %swap3A_51] : memref<1000x128xf32, #tpu.memory_space<vmem>>, vector<1000x128xf32>
    tpu.vector_store %arg6[%swap3A, %swap3A_51], %mul3A_50 {strides = array<i32>} : memref<1000x128xf32, #tpu.memory_space<vmem>>, vector<1000x128xf32>,
    return
  }
  func.func @transform_0(%arg0: i32) -> (i32, i32, i32) {
    %c0_i32 = arith.constant 0 : i32
    %c0_i32_0 = arith.constant 0 : i32
    %c0_i32_1 = arith.constant 0 : i32
    return %c0_i32, %arg0, %c0_i32_0 : i32, i32, i32
  }
  func.func @transform_1(%arg0: i32) -> (i32, i32) {
    %c0_i32 = arith.constant 0 : i32
    %c0_i32_0 = arith.constant 0 : i32
    return %arg0, %c0_i32 : i32, i32
  }
  func.func @transform_2(%arg0: i32) -> (i32, i32) {
    %c0_i32 = arith.constant 0 : i32
    %c0_i32_0 = arith.constant 0 : i32
    return %arg0, %c0_i32 : i32, i32
  }
  func.func @transform_3(%arg0: i32) -> (i32, i32) {
    %c0_i32 = arith.constant 0 : i32
    %c0_i32_0 = arith.constant 0 : i32
    %c0_i32_1 = arith.constant 0 : i32
    return %c0_i32, %c0_i32_0 : i32, i32
  }
  func.func @transform_4(%arg0: i32) -> (i32, i32) {
    %c0_i32 = arith.constant 0 : i32
    %c0_i32_0 = arith.constant 0 : i32
    %c0_i32_1 = arith.constant 0 : i32
    return %c0_i32, %c0_i32_0 : i32, i32
  }
  func.func @transform_5(%arg0: i32) -> (i32, i32) {
    %c0_i32 = arith.constant 0 : i32
    %c0_i32_0 = arith.constant 0 : i32
    return %arg0, %c0_i32 : i32, i32
  }
}

module attributes {stable_mosaic.version = 14 : i64} {
  func.func @_tc_pool_body(%arg0: i32, %arg1: memref<2x1000x128xf32, #tpu.memory_space<vmem>>, %arg2: memref<1000x128xf32, #tpu.memory_space<vmem>>, %arg3: memref<1000x2xf32, #tpu.memory_space<vmem>>, %arg4: memref<1x128xf32, #tpu.memory_space<vmem>>, %arg5: memref<1000x2xi32, #tpu.memory_space<vmem>>, %arg6: memref<64x10xf32, #tpu.memory_space<vmem>>, %arg7: memref<1x10xf32, #tpu.memory_space<vmem>>, %arg8: memref<64x10xf32, #tpu.memory_space<vmem>>, %arg9: memref<64x65xf32, #tpu.memory_space<vmem>>) attributes {dimension_semantics = [#tpu.dimension_semantics<arbitrary>], iteration_bounds = array<i64: 5>, scalar_prefetch = 0 : i64, scratch_operands = 1 : i64, tpu.core_type = #tpu.core_type<tc>, window_params = [{transform_indices = @transform_0, window_bounds = array<i64: 2, 1000, 128>}, {transform_indices = @transform_1, window_bounds = array<i64: 1000, 128>}, {transform_indices = @transform_2, window_bounds = array<i64: 1000, 2>}, {pipeline_mode = #tpu.pipeline_mode<synchronous>, transform_indices = @transform_3, window_bounds = array<i64: 1, 128>}, {transform_indices = @transform_4, window_bounds = array<i64: 1000, 2>}, {pipeline_mode = #tpu.pipeline_mode<synchronous>, transform_indices = @transform_5, window_bounds = array<i64: 64, 10>}, {pipeline_mode = #tpu.pipeline_mode<synchronous>, transform_indices = @transform_6, window_bounds = array<i64: 1, 10>}, {pipeline_mode = #tpu.pipeline_mode<synchronous>, transform_indices = @transform_7, window_bounds = array<i64: 64, 10>}]} {
    %get3A = arith.constant 0 : index
    %get3A_0 = arith.constant 0 : index
    %get3A_1 = vector.load %arg3[%get3A, %get3A_0] : memref<1000x2xf32, #tpu.memory_space<vmem>>, vector<1000x2xf32>
    %iota3A = tpu.iota {dimensions = array<i32: 0>} : vector<2x128xi32>
    %iota3A_2 = tpu.iota {dimensions = array<i32: 1>} : vector<2x128xi32>
    %jit3A = arith.constant 64 : i32
    %div3A = vector.broadcast %jit3A : i32 to vector<2x128xi32>
    %div3A_3 = arith.divsi %iota3A_2, %div3A : vector<2x128xi32>
    %sign3A = arith.constant 0 : i32
    %sign3A_4 = vector.broadcast %sign3A : i32 to vector<2x128xi32>
    %sign3A_5 = arith.cmpi sgt, %iota3A_2, %sign3A_4 : vector<2x128xi32>
    %sign3A_6 = arith.extui %sign3A_5 : vector<2x128xi1> to vector<2x128xi32>
    %sign3A_7 = arith.constant 0 : i32
    %sign3A_8 = vector.broadcast %sign3A_7 : i32 to vector<2x128xi32>
    %sign3A_9 = arith.cmpi slt, %iota3A_2, %sign3A_8 : vector<2x128xi32>
    %sign3A_10 = arith.extui %sign3A_9 : vector<2x128xi1> to vector<2x128xi32>
    %sign3A_11 = arith.subi %sign3A_6, %sign3A_10 : vector<2x128xi32>
    %sign3A_12 = arith.constant 0 : i32
    %sign3A_13 = arith.cmpi sgt, %jit3A, %sign3A_12 : i32
    %sign3A_14 = arith.extui %sign3A_13 : i1 to i32
    %sign3A_15 = arith.constant 0 : i32
    %sign3A_16 = arith.cmpi slt, %jit3A, %sign3A_15 : i32
    %sign3A_17 = arith.extui %sign3A_16 : i1 to i32
    %sign3A_18 = arith.subi %sign3A_14, %sign3A_17 : i32
    %ne3A = vector.broadcast %sign3A_18 : i32 to vector<2x128xi32>
    %ne3A_19 = arith.cmpi ne, %sign3A_11, %ne3A : vector<2x128xi32>
    %rem3A = vector.broadcast %jit3A : i32 to vector<2x128xi32>
    %rem3A_20 = arith.remsi %iota3A_2, %rem3A : vector<2x128xi32>
    %ne3A_21 = arith.constant 0 : i32
    %ne3A_22 = vector.broadcast %ne3A_21 : i32 to vector<2x128xi32>
    %ne3A_23 = arith.cmpi ne, %rem3A_20, %ne3A_22 : vector<2x128xi32>
    %and3A = arith.andi %ne3A_19, %ne3A_23 : vector<2x128xi1>
    %sub3A = arith.constant 1 : i32
    %sub3A_24 = vector.broadcast %sub3A : i32 to vector<2x128xi32>
    %sub3A_25 = arith.subi %div3A_3, %sub3A_24 : vector<2x128xi32>
    %select_n3A = arith.select %and3A, %sub3A_25, %div3A_3 : vector<2x128xi1>, vector<2x128xi32>
    %eq3A = arith.cmpi eq, %select_n3A, %iota3A : vector<2x128xi32>
    %convert_element_type3A = arith.extui %eq3A : vector<2x128xi1> to vector<2x128xi32>
    %convert_element_type3A_26 = arith.sitofp %convert_element_type3A : vector<2x128xi32> to vector<2x128xf32>
    %dot_general3A = arith.constant dense<0.000000e+00> : vector<1000x128xf32>
    %dot_general3A_27 = tpu.matmul %get3A_1, %convert_element_type3A_26, %dot_general3A {dimension_numbers = #tpu.dot_dimension_numbers<[1], [0], [0], [1], [0, 0, 1, 1], [], []>, transpose_lhs_hint = false} : vector<1000x2xf32>, vector<2x128xf32>, vector<1000x128xf32> -> vector<1000x128xf32>
    %get3A_28 = arith.constant 0 : index
    %get3A_29 = arith.constant 0 : index
    %get3A_30 = arith.constant 0 : index
    %get3A_31 = vector.load %arg1[%get3A_28, %get3A_29, %get3A_30] : memref<2x1000x128xf32, #tpu.memory_space<vmem>>, vector<2x1000x128xf32>
    %slice3A = vector.extract_strided_slice %get3A_31 {offsets = [0, 0, 0], sizes = [1, 1000, 128], strides = [1, 1, 1]} : vector<2x1000x128xf32> to vector<1x1000x128xf32>
    %squeeze3A = vector.shape_cast %slice3A : vector<1x1000x128xf32> to vector<1000x128xf32>
    %slice3A_32 = vector.extract_strided_slice %get3A_31 {offsets = [1, 0, 0], sizes = [1, 1000, 128], strides = [1, 1, 1]} : vector<2x1000x128xf32> to vector<1x1000x128xf32>
    %squeeze3A_33 = vector.shape_cast %slice3A_32 : vector<1x1000x128xf32> to vector<1000x128xf32>
    %add3A = arith.addf %squeeze3A, %squeeze3A_33 : vector<1000x128xf32>
    %get3A_34 = arith.constant 0 : index
    %get3A_35 = arith.constant 0 : index
    %get3A_36 = vector.load %arg2[%get3A_34, %get3A_35] : memref<1000x128xf32, #tpu.memory_space<vmem>>, vector<1000x128xf32>
    %add3A_37 = arith.addf %add3A, %get3A_36 : vector<1000x128xf32>
    %mul3A = arith.mulf %add3A_37, %dot_general3A_27 : vector<1000x128xf32>
    %get3A_38 = arith.constant 0 : index
    %get3A_39 = arith.constant 0 : index
    %get3A_40 = vector.load %arg4[%get3A_38, %get3A_39] : memref<1x128xf32, #tpu.memory_space<vmem>>, vector<1x128xf32>
    %add3A_41 = vector.broadcast %get3A_40 : vector<1x128xf32> to vector<1000x128xf32>
    %add3A_42 = arith.addf %mul3A, %add3A_41 : vector<1000x128xf32>
    %get3A_43 = arith.constant 0 : index
    %get3A_44 = arith.constant 0 : index
    %get3A_45 = vector.load %arg5[%get3A_43, %get3A_44] : memref<1000x2xi32, #tpu.memory_space<vmem>>, vector<1000x2xi32>
    %iota3A_46 = tpu.iota {dimensions = array<i32: 1>} : vector<1000x64xi32>
    %slice3A_47 = vector.extract_strided_slice %get3A_45 {offsets = [0, 0], sizes = [1000, 1], strides = [1, 1]} : vector<1000x2xi32> to vector<1000x1xi32>
    %eq3A_48 = vector.broadcast %slice3A_47 : vector<1000x1xi32> to vector<1000x64xi32>
    %eq3A_49 = arith.cmpi eq, %iota3A_46, %eq3A_48 : vector<1000x64xi32>
    %convert_element_type3A_50 = arith.extui %eq3A_49 : vector<1000x64xi1> to vector<1000x64xi32>
    %convert_element_type3A_51 = arith.sitofp %convert_element_type3A_50 : vector<1000x64xi32> to vector<1000x64xf32>
    %slice3A_52 = vector.extract_strided_slice %get3A_45 {offsets = [0, 1], sizes = [1000, 1], strides = [1, 1]} : vector<1000x2xi32> to vector<1000x1xi32>
    %eq3A_53 = vector.broadcast %slice3A_52 : vector<1000x1xi32> to vector<1000x64xi32>
    %eq3A_54 = arith.cmpi eq, %iota3A_46, %eq3A_53 : vector<1000x64xi32>
    %convert_element_type3A_55 = arith.extui %eq3A_54 : vector<1000x64xi1> to vector<1000x64xi32>
    %convert_element_type3A_56 = arith.sitofp %convert_element_type3A_55 : vector<1000x64xi32> to vector<1000x64xf32>
    %broadcast_in_dim3A = arith.constant 1.000000e+00 : f32
    %broadcast_in_dim3A_57 = vector.broadcast %broadcast_in_dim3A : f32 to vector<1000x1xf32>
    %slice3A_58 = vector.extract_strided_slice %add3A_42 {offsets = [0, 0], sizes = [1000, 64], strides = [1, 1]} : vector<1000x128xf32> to vector<1000x64xf32>
    %concatenate3A = tpu.concatenate %slice3A_58, %broadcast_in_dim3A_57 in 1 : vector<1000x64xf32>, vector<1000x1xf32> -> vector<1000x65xf32>
    %slice3A_59 = vector.extract_strided_slice %add3A_42 {offsets = [0, 64], sizes = [1000, 64], strides = [1, 1]} : vector<1000x128xf32> to vector<1000x64xf32>
    %concatenate3A_60 = tpu.concatenate %slice3A_59, %broadcast_in_dim3A_57 in 1 : vector<1000x64xf32>, vector<1000x1xf32> -> vector<1000x65xf32>
    %dot_general3A_61 = arith.constant dense<0.000000e+00> : vector<64x65xf32>
    %dot_general3A_62 = tpu.matmul %convert_element_type3A_51, %concatenate3A, %dot_general3A_61 {dimension_numbers = #tpu.dot_dimension_numbers<[0], [0], [1], [1], [0, 1, 1, 1], [], []>, transpose_lhs_hint = false} : vector<1000x64xf32>, vector<1000x65xf32>, vector<64x65xf32> -> vector<64x65xf32>
    %dot_general3A_63 = arith.constant dense<0.000000e+00> : vector<64x65xf32>
    %dot_general3A_64 = tpu.matmul %convert_element_type3A_56, %concatenate3A_60, %dot_general3A_63 {dimension_numbers = #tpu.dot_dimension_numbers<[0], [0], [1], [1], [0, 1, 1, 1], [], []>, transpose_lhs_hint = false} : vector<1000x64xf32>, vector<1000x65xf32>, vector<64x65xf32> -> vector<64x65xf32>
    %add3A_65 = arith.addf %dot_general3A_62, %dot_general3A_64 : vector<64x65xf32>
    %eq3A_66 = arith.constant 0 : i32
    %eq3A_67 = arith.cmpi eq, %arg0, %eq3A_66 : i32
    %convert_element_type3A_68 = arith.extui %eq3A_67 : i1 to i32
    %cond3A = arith.constant 0 : i32
    %cond3A_69 = arith.cmpi ne, %convert_element_type3A_68, %cond3A : i32
    scf.if %cond3A_69 {
      %swap3A = arith.constant 0 : index
      %swap3A_79 = arith.constant 0 : index
      %swap3A_80 = vector.load %arg9[%swap3A, %swap3A_79] : memref<64x65xf32, #tpu.memory_space<vmem>>, vector<64x65xf32>
      tpu.vector_store %arg9[%swap3A, %swap3A_79], %add3A_65 {strides = array<i32>} : memref<64x65xf32, #tpu.memory_space<vmem>>, vector<64x65xf32>,
    } else {
    }
    %gt3A = arith.constant 0 : i32
    %gt3A_70 = arith.cmpi sgt, %arg0, %gt3A : i32
    %convert_element_type3A_71 = arith.extui %gt3A_70 : i1 to i32
    %cond3A_72 = arith.constant 0 : i32
    %cond3A_73 = arith.cmpi ne, %convert_element_type3A_71, %cond3A_72 : i32
    scf.if %cond3A_73 {
      %get3A_79 = arith.constant 0 : index
      %get3A_80 = arith.constant 0 : index
      %get3A_81 = vector.load %arg9[%get3A_79, %get3A_80] : memref<64x65xf32, #tpu.memory_space<vmem>>, vector<64x65xf32>
      %add3A_82 = arith.addf %get3A_81, %add3A_65 : vector<64x65xf32>
      %swap3A = arith.constant 0 : index
      %swap3A_83 = arith.constant 0 : index
      %swap3A_84 = vector.load %arg9[%swap3A, %swap3A_83] : memref<64x65xf32, #tpu.memory_space<vmem>>, vector<64x65xf32>
      tpu.vector_store %arg9[%swap3A, %swap3A_83], %add3A_82 {strides = array<i32>} : memref<64x65xf32, #tpu.memory_space<vmem>>, vector<64x65xf32>,
    } else {
    }
    %eq3A_74 = arith.constant 4 : i32
    %eq3A_75 = arith.cmpi eq, %arg0, %eq3A_74 : i32
    %convert_element_type3A_76 = arith.extui %eq3A_75 : i1 to i32
    %cond3A_77 = arith.constant 0 : i32
    %cond3A_78 = arith.cmpi ne, %convert_element_type3A_76, %cond3A_77 : i32
    scf.if %cond3A_78 {
      %get3A_79 = arith.constant 0 : index
      %get3A_80 = arith.constant 0 : index
      %get3A_81 = vector.load %arg9[%get3A_79, %get3A_80] : memref<64x65xf32, #tpu.memory_space<vmem>>, vector<64x64xf32>
      %get3A_82 = arith.constant 0 : index
      %get3A_83 = arith.constant 64 : index
      %get3A_84 = vector.load %arg9[%get3A_82, %get3A_83] : memref<64x65xf32, #tpu.memory_space<vmem>>, vector<64x1xf32>
      %max3A = arith.constant 1.000000e+00 : f32
      %max3A_85 = vector.broadcast %max3A : f32 to vector<64x1xf32>
      %max3A_86 = arith.maximumf %get3A_84, %max3A_85 : vector<64x1xf32>
      %div3A_87 = vector.broadcast %max3A_86 : vector<64x1xf32> to vector<64x64xf32>
      %div3A_88 = arith.divf %get3A_81, %div3A_87 : vector<64x64xf32>
      %get3A_89 = arith.constant 0 : index
      %get3A_90 = arith.constant 0 : index
      %get3A_91 = vector.load %arg6[%get3A_89, %get3A_90] : memref<64x10xf32, #tpu.memory_space<vmem>>, vector<64x10xf32>
      %dot_general3A_92 = arith.constant dense<0.000000e+00> : vector<64x10xf32>
      %dot_general3A_93 = tpu.matmul %div3A_88, %get3A_91, %dot_general3A_92 {dimension_numbers = #tpu.dot_dimension_numbers<[1], [0], [0], [1], [0, 0, 1, 1], [], []>, transpose_lhs_hint = false} : vector<64x64xf32>, vector<64x10xf32>, vector<64x10xf32> -> vector<64x10xf32>
      %get3A_94 = arith.constant 0 : index
      %get3A_95 = arith.constant 0 : index
      %get3A_96 = vector.load %arg7[%get3A_94, %get3A_95] : memref<1x10xf32, #tpu.memory_space<vmem>>, vector<1x10xf32>
      %add3A_97 = vector.broadcast %get3A_96 : vector<1x10xf32> to vector<64x10xf32>
      %add3A_98 = arith.addf %dot_general3A_93, %add3A_97 : vector<64x10xf32>
      %swap3A = arith.constant 0 : index
      %swap3A_99 = arith.constant 0 : index
      %swap3A_100 = vector.load %arg8[%swap3A, %swap3A_99] : memref<64x10xf32, #tpu.memory_space<vmem>>, vector<64x10xf32>
      tpu.vector_store %arg8[%swap3A, %swap3A_99], %add3A_98 {strides = array<i32>} : memref<64x10xf32, #tpu.memory_space<vmem>>, vector<64x10xf32>,
    } else {
    }
    return
  }
  func.func @transform_0(%arg0: i32) -> (i32, i32, i32) {
    %c0_i32 = arith.constant 0 : i32
    %c0_i32_0 = arith.constant 0 : i32
    %c0_i32_1 = arith.constant 0 : i32
    return %c0_i32, %arg0, %c0_i32_0 : i32, i32, i32
  }
  func.func @transform_1(%arg0: i32) -> (i32, i32) {
    %c0_i32 = arith.constant 0 : i32
    %c0_i32_0 = arith.constant 0 : i32
    return %arg0, %c0_i32 : i32, i32
  }
  func.func @transform_2(%arg0: i32) -> (i32, i32) {
    %c0_i32 = arith.constant 0 : i32
    %c0_i32_0 = arith.constant 0 : i32
    return %arg0, %c0_i32 : i32, i32
  }
  func.func @transform_3(%arg0: i32) -> (i32, i32) {
    %c0_i32 = arith.constant 0 : i32
    %c0_i32_0 = arith.constant 0 : i32
    %c0_i32_1 = arith.constant 0 : i32
    return %c0_i32, %c0_i32_0 : i32, i32
  }
  func.func @transform_4(%arg0: i32) -> (i32, i32) {
    %c0_i32 = arith.constant 0 : i32
    %c0_i32_0 = arith.constant 0 : i32
    return %arg0, %c0_i32 : i32, i32
  }
  func.func @transform_5(%arg0: i32) -> (i32, i32) {
    %c0_i32 = arith.constant 0 : i32
    %c0_i32_0 = arith.constant 0 : i32
    %c0_i32_1 = arith.constant 0 : i32
    return %c0_i32, %c0_i32_0 : i32, i32
  }
  func.func @transform_6(%arg0: i32) -> (i32, i32) {
    %c0_i32 = arith.constant 0 : i32
    %c0_i32_0 = arith.constant 0 : i32
    %c0_i32_1 = arith.constant 0 : i32
    return %c0_i32, %c0_i32_0 : i32, i32
  }
  func.func @transform_7(%arg0: i32) -> (i32, i32) {
    %c0_i32 = arith.constant 0 : i32
    %c0_i32_0 = arith.constant 0 : i32
    %c0_i32_1 = arith.constant 0 : i32
    return %c0_i32, %c0_i32_0 : i32, i32
  }
}

</mosaic_0001>

<sc_bundles>
// kernel: kernel.11.cloned.1.call-start
scs
__scs_entry_jumppad:
0x0: {  	(pc) =	sbr.rel $0x88, $3  }
0x1: {  	(tag) =	ssettag $0x0;
	lr =	simm.s32 $0x1  }
0x2: {  	[smem:$0x3F96] =	sst lr;
	_ =	strace $0xD0000000  }
0x3: {  	_ = 	snop  }
0x4: {  	_ = 	snop  }
0x5: {  	_ = 	snop  }
0x6: {  	_ = 	snop  }
0x7: {  	_ = 	snop  }
__scs_overlays_trampoline_lowered:
0x8: {  	[smem:$0x3FA5] =	sst s0  }
0x9: {  	[smem:$0x3FA6] =	sst s1  }
0xa: {  	[smem:$0x3FA7] =	sst s2  }
0xb: {  	[smem:$0x3FA8] =	sst s3  }
0xc: {  	[smem:$0x3FA9] =	sst s4  }
0xd: {  	[smem:$0x3FAA] =	sst s5  }
0xe: {  	[smem:$0x3FAB] =	sst s6  }
0xf: {  	[smem:$0x3FAC] =	sst s7  }
0x10: {  	[smem:$0x3FAD] =	sst s8  }
0x11: {  	[smem:$0x3FAE] =	sst s9;
	s0 =	simm.s32 @!p0 $0x0  }
0x12: {  	s1 =	sld [smem:$0x3F94];
	s0 =	simm.s32 @p0 $0x1  }
0x13: {  	[smem:$0x3FAF] =	sst s0;
	s0 =	simm.s32 @!p1 $0x0  }
0x14: {  	s2 =	sld [smem:$0x3F93];
	s0 =	simm.s32 @p1 $0x1  }
0x15: {  	[smem:$0x3FB0] =	sst s0;
	s0 =	simm.s32 @!p2 $0x0  }
0x16: {  	s3 =	sld [smem:$0x3FDB];
	s0 =	simm.s32 @p2 $0x1  }
0x17: {  	s4 =	simm.s32 $0x1BF5;
	[smem:$0x3FB2] =	sst s0  }
0x18: {  	s0 =	sld [smem:$0x3F95];
	_ =	swait.ge [sflag:s4], $0x0  }
0x19: {  	s7 =	sld [smem:$0x3F96]  }
0x1a: {  	s8 =	sadd.s32 $0xFFFFE003, lr  }
0x1b: {  	s9 =	sadd.s32 $0xFFFFFEF7, lr;
	s5 =	simm.s32 $0xFFFFFFFF;
	p2 =	slt.u32 s8, $0xFFFFF086  }
0x1c: {  	p1 =	slt.u32 s9, $0xF7A;
	s5 =	simm.s32 @!p2 $0x0  }
0x1d: {  	s5 =	simm.s32 @p1 $0x1;
	p0 =	seq.s32 s7, s2  }
0x1e: {  	s7 =	smul.u32 @!p0 $0xF7A, s2;
	p2 =	seq.s32 @!p0 s5, $0x0  }
0x1f: {  	s9 =	smul.u32 $0xF7A, s1;
	s8 =	simm.s32 @!p0 $0x1BF5;
	p2 =	por !p2, p0  }
0x20: {  	[sflag:s8] =	ssyncset.s32 @!p0 $0xFFFFF086;
	s6 =	sadd.s32 @!p0 s3, s7;
	s7 =	simm.s32 @!p0 $0x108  }
0x21: {  	s3 =	sadd.s32 s3, s9;
	s6 =	sadd.s32 @!p0 $0x88, s6;
	s7 =	simm.s32 @p2 $0x1082  }
0x22: {  	[simem:s7], [sflag:s8] =	dma.local @!p0 [hbm:s6], $0xF7A  }
0x23: {  	s9 =	sor.u32 $0xD0000000, s2;
	s6 =	simm.s32 $0x108;
	_ =	swait.ge @!p0 [sflag:s8], $0x0  }
0x24: {  	s3 =	sadd.s32 $0x88, s3;
	s6 =	simm.s32 @!p1 $0x1082;
	[sflag:s4] =	ssyncset.s32 $0xFFFFF086  }
0x25: {  	[simem:s6], [sflag:s4] =	dma.local [hbm:s3], $0xF7A  }
0x26: {  	[smem:$0x3F96] =	sst s1;
	(tag) =	ssettag s2;
	_ =	strace s9  }
0x27: {  	s1 =	sld [smem:$0x3FA6]  }
0x28: {  	s2 =	sld [smem:$0x3FA7]  }
0x29: {  	s4 =	sld [smem:$0x3FA9]  }
0x2a: {  	p0 =	seq.s32 s5, $0x0;
	s5 =	sld [smem:$0x3FAA]  }
0x2b: {  	s6 =	sld [smem:$0x3FAB]  }
0x2c: {  	s7 =	sld [smem:$0x3FAC]  }
0x2d: {  	s3 =	simm.s32 $0x108;
	s8 =	sld [smem:$0x3FAD]  }
0x2e: {  	s3 =	simm.s32 @!p0 $0x1082;
	s9 =	sld [smem:$0x3FAE]  }
0x2f: {  	lr =	sadd.s32 s0, s3;
	s0 =	sld [smem:$0x3FA5]  }
0x30: {  	s3 =	sld [smem:$0x3FA8]  }
0x31: {  	[smem:$0x3FB1] =	sst s10  }
0x32: {  	s10 =	sld [smem:$0x3FAF];
	_ =	sdelay $0x3  }
0x33: {  	p0 =	seq.s32 s10, $0x1;
	s10 =	sld [smem:$0x3FB1];
	_ =	sdelay $0x3  }
0x34: {  	[smem:$0x3FB1] =	sst s10  }
0x35: {  	s10 =	sld [smem:$0x3FB0];
	_ =	sdelay $0x3  }
0x36: {  	p1 =	seq.s32 s10, $0x1;
	s10 =	sld [smem:$0x3FB1];
	_ =	sdelay $0x3  }
0x37: {  	[smem:$0x3FB1] =	sst s10  }
0x38: {  	s10 =	sld [smem:$0x3FB2]  }
0x39: {  	_ = 	snop;
	(pc) =	sbr.ind lr, $3  }
0x3a: {  	_ = 	snop  }
0x3b: {  	_ = 	snop  }
0x3c: {  	p2 =	seq.s32 s10, $0x1;
	s10 =	sld [smem:$0x3FB1]  }
0x3d: {  	_ =	shalt  }
0x3e: {  	_ =	shalt  }
0x3f: {  	_ =	shalt  }
0x40: {  	_ =	shalt  }
0x41: {  	_ =	shalt  }
0x42: {  	_ =	shalt  }
0x43: {  	_ =	shalt  }
0x44: {  	_ =	shalt  }
0x45: {  	_ =	shalt  }
0x46: {  	_ =	shalt  }
0x47: {  	_ =	shalt  }
0x48: {  	_ =	shalt  }
0x49: {  	_ =	shalt  }
0x4a: {  	_ =	shalt  }
0x4b: {  	_ =	shalt  }
0x4c: {  	_ =	shalt  }
0x4d: {  	_ =	shalt  }
0x4e: {  	_ =	shalt  }
0x4f: {  	_ =	shalt  }
0x50: {  	_ =	shalt  }
0x51: {  	_ =	shalt  }
0x52: {  	_ =	shalt  }
0x53: {  	_ =	shalt  }
0x54: {  	_ =	shalt  }
0x55: {  	_ =	shalt  }
0x56: {  	_ =	shalt  }
0x57: {  	_ =	shalt  }
0x58: {  	_ =	shalt  }
0x59: {  	_ =	shalt  }
0x5a: {  	_ =	shalt  }
0x5b: {  	_ =	shalt  }
0x5c: {  	_ =	shalt  }
0x5d: {  	_ =	shalt  }
0x5e: {  	_ =	shalt  }
0x5f: {  	_ =	shalt  }
0x60: {  	_ =	shalt  }
0x61: {  	_ =	shalt  }
0x62: {  	_ =	shalt  }
0x63: {  	_ =	shalt  }
0x64: {  	_ =	shalt  }
0x65: {  	_ =	shalt  }
0x66: {  	_ =	shalt  }
0x67: {  	_ =	shalt  }
0x68: {  	_ =	shalt  }
0x69: {  	_ =	shalt  }
0x6a: {  	_ =	shalt  }
0x6b: {  	_ =	shalt  }
0x6c: {  	_ =	shalt  }
0x6d: {  	_ =	shalt  }
0x6e: {  	_ =	shalt  }
0x6f: {  	_ =	shalt  }
0x70: {  	_ =	shalt  }
0x71: {  	_ =	shalt  }
0x72: {  	_ =	shalt  }
0x73: {  	_ =	shalt  }
0x74: {  	_ =	shalt  }
0x75: {  	_ =	shalt  }
0x76: {  	_ =	shalt  }
0x77: {  	_ =	shalt  }
0x78: {  	_ =	shalt  }
0x79: {  	_ =	shalt  }
0x7a: {  	_ =	shalt  }
0x7b: {  	_ =	shalt  }
0x7c: {  	_ =	shalt  }
0x7d: {  	_ =	shalt  }
0x7e: {  	_ =	shalt  }
0x7f: {  	_ =	shalt  }
0x80: {  	_ =	shalt  }
0x81: {  	_ =	shalt  }
0x82: {  	_ =	shalt  }
0x83: {  	_ =	shalt  }
0x84: {  	_ =	shalt  }
0x85: {  	_ =	shalt  }
0x86: {  	_ =	shalt  }
0x87: {  	_ =	shalt  }
.Lfunc_end0:
.L_simem_size_0:
called_computation_lowered:
.L_overlay_start_0:
0x88: {  	s2 =	sld [smem:$0x3FD9]  }
0x89: {  	s3 =	sld [smem:$0x3FFE];
	_ =	sdelay $0x1  }
0x8a: {  	s1 =	srdreg.scid  }
0x8b: {  	s0 =	sand.u32 $0x1, s1  }
0x8c: {  	s16 =	sshll.u32 s0, $0xA;
	s2 =	sadd.s32 s3, s2  }
0x8d: {  	s2 =	sadd.s32 s2, s16  }
0x8e: {  	[smem:$0x3FBD] =	sst s2  }
0x8f: {  	_ = 	snop  }
0x90: {  	(tm) =	ssettm $0x1  }
0x91: {  	s17 =	sld [smem:$0x3FFB];
	_ =	sdelay $0x3  }
0x92: {  	_ =	strace s17  }
0x93: {  	s2 =	sld [smem:$0x3FFC];
	_ =	sdelay $0x3  }
0x94: {  	_ =	strace s2  }
0x95: {  	s2 =	sld [smem:$0x3FFD];
	_ =	sdelay $0x3  }
0x96: {  	_ =	strace s2  }
0x97: {  	_ =	strace $0x8FFFFFFF  }
0x98: {  	s18 =	sld [smem:$0x3FDB];
	_ =	sdelay $0x1  }
0x99: {  	s19 =	simm.s32 $_scs_section_size  }
0x9a: {  	s4 =	simm.s32 $_size__tile_overlayer_lowered;
	s5 =	simm.s32 $_tile_overlayer_lowered  }
0x9b: {  	s22 =	simm.s32 $0x1BFF;
	s21 =	sshll.u32 s5, $0x1;
	s2 =	sadd.s32 s19, s18  }
0x9c: {  	s6 =	simm.s32 $0x0;
	s20 =	sshll.u32 s4, $0x1;
	s4 =	sadd.s32 s21, s2  }
0x9d: {  	[timem:s6], [sflag:s22] =	dma.local [hbm:s4], s20  }
0x9e: {  	_ =	swait.ge [sflag:s22], s20  }
0x9f: {  	s3 =	ssub.s32 $0x0, s20;
	[sflag:s22] =	ssyncset.done $0x0  }
0xa0: {  	[sflag:s22] =	ssyncadd.s32 s3;
	_ =	sdelay $0x1  }
0xa1: {  	s23 =	simm.s32 $0x1B8B  }
0xa2: {  	_ =	swait.ge [sflag:s23], $0x1  }
0xa3: {  	[sflag:s23] =	ssyncset.done $0x0  }
0xa4: {  	s25 =	simm.s32 $0x1B8E;
	s24 =	sld [smem:$0x3FFE];
	[sflag:s23] =	ssyncadd.s32 $0xFFFFFFFF  }
0xa5: {  	s26 =	simm.s32 $execute0_lowered;
	[smem:$0x3FD2] =	sst s25  }
0xa6: {  	s4 =	sshll.u32 s26, $0x1;
	_ =	strace $0x80000046;
	[dreg:$0x1] =	wrdreg $0xFFFFFFFF  }
0xa7: {  	s28 =	simm.s32 $_size_execute0_lowered;
	s2 =	sadd.s32 s2, s4;
	[dreg:$0x0] =	wrdreg $0x0  }
0xa8: {  	s4 =	sshll.u32 s28, $0x1;
	[dreg:$0x2] =	wrdreg s2  }
0xa9: {  	[dreg:$0x3] =	wrdreg s4  }
0xaa: {  	[dreg:$0x4] =	wrdreg $0xC0  }
0xab: {  	_ =	task [dreg:s6], $0x5FFFF  }
0xac: {  	[dreg:$0x1] =	wrdreg $0xFFFFFFFF  }
0xad: {  	[dreg:$0x0] =	wrdreg $0x60  }
0xae: {  	[dreg:$0x2] =	wrdreg s24  }
0xaf: {  	[dreg:$0x3] =	wrdreg $0x9  }
0xb0: {  	_ =	task.clear_ibuf [dreg:s6], $0x4FFFF;
	_ =	strace $0x90000046  }
0xb1: {  	s29 =	simm.s32 $0x9;
	_ =	strace $0x80000048  }
0xb2: {  	_ =	swait.ge [sflag:s29], $0x1  }
0xb3: {  	[sflag:s29] =	ssyncadd.s32 $0xFFFFFFFF  }
0xb4: {  	_ =	strace $0x90000048  }
0xb5: {  	_ =	sfence  }
0xb6: {  	s30 =	sld [smem:$0x0];
	_ =	sdelay $0x2  }
0xb7: {  	s31 =	sshll.u32 s1, $0xD;
	s1 =	sshrl.u32 s1, $0x2  }
0xb8: {  	s3 =	sand.u32 $0x4000, s31;
	s1 =	sadd.s32 s1, s30  }
0xb9: {  	s0 =	sor.u32 s3, s0;
	s1 =	sshll.u32 s1, $0x11  }
0xba: {  	s0 =	sor.u32 s1, s0  }
0xbb: {  	s0 =	sadd.s32 $0x8F2B, s0  }
0xbc: {  	[sflag:s0] =	ssyncadd.remote.s32 $0x1  }
0xbd: {  	_ =	sfence.sel $0xFFFF  }
0xbe: {  	[dreg:$0x0] =	wrdreg $0xFFFFFFFF;
	(pc) =	sbr.abs _section_cstart, $3  }
0xbf: {  	[dreg:$0x1] =	wrdreg $0xFFFFFFFF  }
0xc0: {  	_ =	task.clear_ibuf [dreg:s6], $0x2FFFF;
	_ =	strace $0x9FFFFFFF  }
0xc1: {  	(tm) =	ssettm $0x7FFFFFFF  }
tec
execute0_lowered:
.L_overlay_start_1:
0x0: {  	(tag) =	ssettag $0x1  }
0x1: {  	s1 =	srdreg.scid  }
0x2: {  	s0 =	stileid.u32;
	s4 =	rddreg [dreg:$0x0]  }
0x3: {  	s2 =	simm.s32 $0x0;
	s3 =	sand.u32 $0x1, s1;
	s30 =	sshll.u32 s0, $0x1  }
0x4: {  	s8 =	simm.s32 $0x2;
	s9 =	simm.s32 $0x0;
	s5 =	sor.u32 s3, s30  }
0x5: {  	s1 =	rddreg [dreg:$0x1];
	s3 =	ssub.s32 $0x2, s3;
	s6 =	smul.u32 $0x4E2, s5  }
0x6: {  	[smem:$0x7FF] =	sst s2;
	s5 =	smul.u32 $0x500, s5;
	s7 =	sshrl.u32 s3, $0x1  }
0x7: {  	_ =	strace $0x80000047;
	s31 =	ssub.s32 s3, s7;
	s7 =	simm.s32 $0x1  }
0x8: {  	s6 =	sadd.s32 s6, s4;
	s4 =	sadd.s32 s5, s4;
	s5 =	smax.u32 s31, $0x1  }
0x9: {  	v0 =	vimm.f32 $0.0e+00;
	v1 =	vimm.f32 $1.000000000e+00;
	s3 =	sadd.s32 $0xD400, s6;
	s4 =	sadd.s32 $0x17200, s4;
	s6 =	simm.s32 $0x2800  }
.LBB2_1:
0xa: {  	[tilespmem:s6], [sflag:$0x1] =	stream.linear.gather [hbm4b:s3+s2], $0x2710, $0x38;
	[tilespmem:$0x4F10] =	vst v63  }
0xb: {  	s10 =	simm.s32 $0x40;
	s11 =	simm.s32 $0x0  }
.LBB2_2:
0xc: {  	p0 =	sne.s32 s10, $0x9FC0;
	[tilespmem:s11+$0x0] =	vst v0;
	s11 =	smov.u32 s10;
	s10 =	sadd.s32 $0x40, s10  }
.Ltmp0:
0xd: {  	(pc) =	sbr.rel @p0 .LBB2_2-.Ltmp0, $2  }
0xe: {  	_ =	sdelay $0x2  }
0xf: {  	s11 =	sshra.s32 s11, $0x2  }
0x10: {  	[tilespmem:s11+$0x0] =	vst v0  }
0x11: {  	_ =	swait.ge [sflag:s7], $0x2710  }
0x12: {  	[sflag:s7] =	ssyncset.done $0x0  }
0x13: {  	s11 =	simm.s32 $0x0;
	s10 =	simm.s32 $0x40;
	[sflag:s7] =	ssyncadd.s32 $0xFFFFD8F0  }
.LBB2_4:
0x14: {  	p0 =	sne.s32 s10, $0x9C00;
	v2 =	vld [tilespmem:s11+$0x2800];
	_ =	sdelay $0x3  }
.Ltmp1:
0x15: {  	(pc) =	sbr.rel @p0 .LBB2_4-.Ltmp1, $2  }
0x16: {  	_ =	sdelay $0x2  }
0x17: {  	s11 =	sshra.s32 s10, $0x2;
	s10 =	sadd.s32 $0x40, s10;
	[tilespmem:v2+s2+$0x0] =	vst.idx.add.f32.msk $0xffff, v1  }
0x18: {  	v2 =	vld [tilespmem:s11+$0x2800];
	_ =	sdelay $0x5  }
0x19: {  	s9 =	sadd.s32 $0x1, s9  }
0x1a: {  	p0 =	sne.s32 s9, s5  }
.Ltmp2:
0x1b: {  	[tilespmem:v2+s2+$0x0] =	vst.idx.add.f32.msk $0xffff, v1;
	(pc) =	sbr.rel @p0 .LBB2_1-.Ltmp2, $4  }
0x1c: {  	[hbm4b:s4+s2] =	stream.linear.scatter [tilespmem:s2], [sflag:$0x2], $0x2800, $0x38;
	[tilespmem:$0x4F10] =	vst v63  }
0x1d: {  	_ =	swait.ge [sflag:s8], $0x2800  }
0x1e: {  	[sflag:s8] =	ssyncset.done $0x0  }
0x1f: {  	[sflag:s8] =	ssyncadd.s32 $0xFFFFD800  }
0x20: {  	_ =	sfence.sel $0x180000  }
0x21: {  	[bflag:$0x0] =	sbarrier.arrive $0xFFFF  }
0x22: {  	p0 =	sne.s32 s0, $0x0;
	_ =	strace $0x90000047  }
0x23: {  	s0 =	sadd.s32 @!p0 $0x100000, s1;
	[bflag:$0x2] =	sbarrier.arrive $0xFFFF  }
0x24: {  	[sflag:s0] =	ssyncadd.tile.s32 @!p0 $0x1;
	_ =	shalt  }
.Lfunc_end2:
_tile_overlayer_lowered:
.L_overlay_start_2:
0x25: {  	(tag) =	ssettag $0x2  }
0x26: {  	s0 =	rddreg [dreg:$0x0];
	s2 =	stileid.u32  }
0x27: {  	s1 =	rddreg [dreg:$0x1];
	p0 =	sne.s32 s2, $0x0  }
0x28: {  	s3 =	rddreg [dreg:$0x2];
	[bflag:$0x3] =	sbarrier.arrive $0xFFFF;
	s2 =	simm.s32 @!p0 $0x1C02  }
0x29: {  	[timem:s3], [sflag:s2] =	dma.local @!p0 [hbm:s0], s1  }
0x2a: {  	s0 =	simm.s32 @!p0 $0x2  }
0x2b: {  	_ =	swait.ge @!p0 [sflag:s0], s1  }
0x2c: {  	s1 =	ssub.s32 @!p0 $0x0, s1;
	[sflag:s0] =	ssyncset.done @!p0 $0x0  }
0x2d: {  	[sflag:s0] =	ssyncadd.s32 @!p0 s1  }
0x2e: {  	[bflag:$0x3] =	sbarrier.arrive $0xFFFF  }
0x2f: {  	_ =	shalt  }

// kernel: kernel.14.cloned.1.call-start
scs
__scs_entry_jumppad:
0x0: {  	(pc) =	sbr.rel $0x88, $3  }
0x1: {  	(tag) =	ssettag $0x0;
	lr =	simm.s32 $0x1  }
0x2: {  	[smem:$0x3F96] =	sst lr;
	_ =	strace $0xD0000000  }
0x3: {  	_ = 	snop  }
0x4: {  	_ = 	snop  }
0x5: {  	_ = 	snop  }
0x6: {  	_ = 	snop  }
0x7: {  	_ = 	snop  }
__scs_overlays_trampoline_lowered:
0x8: {  	[smem:$0x3FA5] =	sst s0  }
0x9: {  	[smem:$0x3FA6] =	sst s1  }
0xa: {  	[smem:$0x3FA7] =	sst s2  }
0xb: {  	[smem:$0x3FA8] =	sst s3  }
0xc: {  	[smem:$0x3FA9] =	sst s4  }
0xd: {  	[smem:$0x3FAA] =	sst s5  }
0xe: {  	[smem:$0x3FAB] =	sst s6  }
0xf: {  	[smem:$0x3FAC] =	sst s7  }
0x10: {  	[smem:$0x3FAD] =	sst s8  }
0x11: {  	[smem:$0x3FAE] =	sst s9;
	s0 =	simm.s32 @!p0 $0x0  }
0x12: {  	s1 =	sld [smem:$0x3F94];
	s0 =	simm.s32 @p0 $0x1  }
0x13: {  	[smem:$0x3FAF] =	sst s0;
	s0 =	simm.s32 @!p1 $0x0  }
0x14: {  	s2 =	sld [smem:$0x3F93];
	s0 =	simm.s32 @p1 $0x1  }
0x15: {  	[smem:$0x3FB0] =	sst s0;
	s0 =	simm.s32 @!p2 $0x0  }
0x16: {  	s3 =	sld [smem:$0x3FDB];
	s0 =	simm.s32 @p2 $0x1  }
0x17: {  	s4 =	simm.s32 $0x1BF5;
	[smem:$0x3FB2] =	sst s0  }
0x18: {  	s0 =	sld [smem:$0x3F95];
	_ =	swait.ge [sflag:s4], $0x0  }
0x19: {  	s7 =	sld [smem:$0x3F96]  }
0x1a: {  	s8 =	sadd.s32 $0xFFFFE003, lr  }
0x1b: {  	s9 =	sadd.s32 $0xFFFFFEF7, lr;
	s5 =	simm.s32 $0xFFFFFFFF;
	p2 =	slt.u32 s8, $0xFFFFF086  }
0x1c: {  	p1 =	slt.u32 s9, $0xF7A;
	s5 =	simm.s32 @!p2 $0x0  }
0x1d: {  	s5 =	simm.s32 @p1 $0x1;
	p0 =	seq.s32 s7, s2  }
0x1e: {  	s7 =	smul.u32 @!p0 $0xF7A, s2;
	p2 =	seq.s32 @!p0 s5, $0x0  }
0x1f: {  	s9 =	smul.u32 $0xF7A, s1;
	s8 =	simm.s32 @!p0 $0x1BF5;
	p2 =	por !p2, p0  }
0x20: {  	[sflag:s8] =	ssyncset.s32 @!p0 $0xFFFFF086;
	s6 =	sadd.s32 @!p0 s3, s7;
	s7 =	simm.s32 @!p0 $0x108  }
0x21: {  	s3 =	sadd.s32 s3, s9;
	s6 =	sadd.s32 @!p0 $0x88, s6;
	s7 =	simm.s32 @p2 $0x1082  }
0x22: {  	[simem:s7], [sflag:s8] =	dma.local @!p0 [hbm:s6], $0xF7A  }
0x23: {  	s9 =	sor.u32 $0xD0000000, s2;
	s6 =	simm.s32 $0x108;
	_ =	swait.ge @!p0 [sflag:s8], $0x0  }
0x24: {  	s3 =	sadd.s32 $0x88, s3;
	s6 =	simm.s32 @!p1 $0x1082;
	[sflag:s4] =	ssyncset.s32 $0xFFFFF086  }
0x25: {  	[simem:s6], [sflag:s4] =	dma.local [hbm:s3], $0xF7A  }
0x26: {  	[smem:$0x3F96] =	sst s1;
	(tag) =	ssettag s2;
	_ =	strace s9  }
0x27: {  	s1 =	sld [smem:$0x3FA6]  }
0x28: {  	s2 =	sld [smem:$0x3FA7]  }
0x29: {  	s4 =	sld [smem:$0x3FA9]  }
0x2a: {  	p0 =	seq.s32 s5, $0x0;
	s5 =	sld [smem:$0x3FAA]  }
0x2b: {  	s6 =	sld [smem:$0x3FAB]  }
0x2c: {  	s7 =	sld [smem:$0x3FAC]  }
0x2d: {  	s3 =	simm.s32 $0x108;
	s8 =	sld [smem:$0x3FAD]  }
0x2e: {  	s3 =	simm.s32 @!p0 $0x1082;
	s9 =	sld [smem:$0x3FAE]  }
0x2f: {  	lr =	sadd.s32 s0, s3;
	s0 =	sld [smem:$0x3FA5]  }
0x30: {  	s3 =	sld [smem:$0x3FA8]  }
0x31: {  	[smem:$0x3FB1] =	sst s10  }
0x32: {  	s10 =	sld [smem:$0x3FAF];
	_ =	sdelay $0x3  }
0x33: {  	p0 =	seq.s32 s10, $0x1;
	s10 =	sld [smem:$0x3FB1];
	_ =	sdelay $0x3  }
0x34: {  	[smem:$0x3FB1] =	sst s10  }
0x35: {  	s10 =	sld [smem:$0x3FB0];
	_ =	sdelay $0x3  }
0x36: {  	p1 =	seq.s32 s10, $0x1;
	s10 =	sld [smem:$0x3FB1];
	_ =	sdelay $0x3  }
0x37: {  	[smem:$0x3FB1] =	sst s10  }
0x38: {  	s10 =	sld [smem:$0x3FB2]  }
0x39: {  	_ = 	snop;
	(pc) =	sbr.ind lr, $3  }
0x3a: {  	_ = 	snop  }
0x3b: {  	_ = 	snop  }
0x3c: {  	p2 =	seq.s32 s10, $0x1;
	s10 =	sld [smem:$0x3FB1]  }
0x3d: {  	_ =	shalt  }
0x3e: {  	_ =	shalt  }
0x3f: {  	_ =	shalt  }
0x40: {  	_ =	shalt  }
0x41: {  	_ =	shalt  }
0x42: {  	_ =	shalt  }
0x43: {  	_ =	shalt  }
0x44: {  	_ =	shalt  }
0x45: {  	_ =	shalt  }
0x46: {  	_ =	shalt  }
0x47: {  	_ =	shalt  }
0x48: {  	_ =	shalt  }
0x49: {  	_ =	shalt  }
0x4a: {  	_ =	shalt  }
0x4b: {  	_ =	shalt  }
0x4c: {  	_ =	shalt  }
0x4d: {  	_ =	shalt  }
0x4e: {  	_ =	shalt  }
0x4f: {  	_ =	shalt  }
0x50: {  	_ =	shalt  }
0x51: {  	_ =	shalt  }
0x52: {  	_ =	shalt  }
0x53: {  	_ =	shalt  }
0x54: {  	_ =	shalt  }
0x55: {  	_ =	shalt  }
0x56: {  	_ =	shalt  }
0x57: {  	_ =	shalt  }
0x58: {  	_ =	shalt  }
0x59: {  	_ =	shalt  }
0x5a: {  	_ =	shalt  }
0x5b: {  	_ =	shalt  }
0x5c: {  	_ =	shalt  }
0x5d: {  	_ =	shalt  }
0x5e: {  	_ =	shalt  }
0x5f: {  	_ =	shalt  }
0x60: {  	_ =	shalt  }
0x61: {  	_ =	shalt  }
0x62: {  	_ =	shalt  }
0x63: {  	_ =	shalt  }
0x64: {  	_ =	shalt  }
0x65: {  	_ =	shalt  }
0x66: {  	_ =	shalt  }
0x67: {  	_ =	shalt  }
0x68: {  	_ =	shalt  }
0x69: {  	_ =	shalt  }
0x6a: {  	_ =	shalt  }
0x6b: {  	_ =	shalt  }
0x6c: {  	_ =	shalt  }
0x6d: {  	_ =	shalt  }
0x6e: {  	_ =	shalt  }
0x6f: {  	_ =	shalt  }
0x70: {  	_ =	shalt  }
0x71: {  	_ =	shalt  }
0x72: {  	_ =	shalt  }
0x73: {  	_ =	shalt  }
0x74: {  	_ =	shalt  }
0x75: {  	_ =	shalt  }
0x76: {  	_ =	shalt  }
0x77: {  	_ =	shalt  }
0x78: {  	_ =	shalt  }
0x79: {  	_ =	shalt  }
0x7a: {  	_ =	shalt  }
0x7b: {  	_ =	shalt  }
0x7c: {  	_ =	shalt  }
0x7d: {  	_ =	shalt  }
0x7e: {  	_ =	shalt  }
0x7f: {  	_ =	shalt  }
0x80: {  	_ =	shalt  }
0x81: {  	_ =	shalt  }
0x82: {  	_ =	shalt  }
0x83: {  	_ =	shalt  }
0x84: {  	_ =	shalt  }
0x85: {  	_ =	shalt  }
0x86: {  	_ =	shalt  }
0x87: {  	_ =	shalt  }
.Lfunc_end0:
.L_simem_size_0:
called_computation.1_lowered:
.L_overlay_start_0:
0x88: {  	s2 =	sld [smem:$0x3FD9]  }
0x89: {  	s3 =	sld [smem:$0x3FFE];
	_ =	sdelay $0x1  }
0x8a: {  	s1 =	srdreg.scid  }
0x8b: {  	s0 =	sand.u32 $0x1, s1  }
0x8c: {  	s16 =	sshll.u32 s0, $0xA;
	s2 =	sadd.s32 s3, s2  }
0x8d: {  	s2 =	sadd.s32 s2, s16  }
0x8e: {  	[smem:$0x3FBD] =	sst s2  }
0x8f: {  	_ = 	snop  }
0x90: {  	(tm) =	ssettm $0x1  }
0x91: {  	s17 =	sld [smem:$0x3FFB];
	_ =	sdelay $0x3  }
0x92: {  	_ =	strace s17  }
0x93: {  	s2 =	sld [smem:$0x3FFC];
	_ =	sdelay $0x3  }
0x94: {  	_ =	strace s2  }
0x95: {  	s2 =	sld [smem:$0x3FFD];
	_ =	sdelay $0x3  }
0x96: {  	_ =	strace s2  }
0x97: {  	_ =	strace $0x8FFFFFFF  }
0x98: {  	s18 =	sld [smem:$0x3FDB];
	_ =	sdelay $0x1  }
0x99: {  	s19 =	simm.s32 $_scs_section_size  }
0x9a: {  	s4 =	simm.s32 $_size__tile_overlayer_lowered;
	s5 =	simm.s32 $_tile_overlayer_lowered  }
0x9b: {  	s22 =	simm.s32 $0x1BFF;
	s21 =	sshll.u32 s5, $0x1;
	s2 =	sadd.s32 s19, s18  }
0x9c: {  	s6 =	simm.s32 $0x0;
	s20 =	sshll.u32 s4, $0x1;
	s4 =	sadd.s32 s21, s2  }
0x9d: {  	[timem:s6], [sflag:s22] =	dma.local [hbm:s4], s20  }
0x9e: {  	_ =	swait.ge [sflag:s22], s20  }
0x9f: {  	s3 =	ssub.s32 $0x0, s20;
	[sflag:s22] =	ssyncset.done $0x0  }
0xa0: {  	[sflag:s22] =	ssyncadd.s32 s3;
	_ =	sdelay $0x1  }
0xa1: {  	s23 =	simm.s32 $0x1B8B  }
0xa2: {  	_ =	swait.ge [sflag:s23], $0x1  }
0xa3: {  	[sflag:s23] =	ssyncset.done $0x0  }
0xa4: {  	s25 =	simm.s32 $0x1B8E;
	s24 =	sld [smem:$0x3FFE];
	[sflag:s23] =	ssyncadd.s32 $0xFFFFFFFF  }
0xa5: {  	s26 =	simm.s32 $execute0_lowered;
	[smem:$0x3FD2] =	sst s25  }
0xa6: {  	s4 =	sshll.u32 s26, $0x1;
	_ =	strace $0x80000049;
	[dreg:$0x1] =	wrdreg $0xFFFFFFFF  }
0xa7: {  	s28 =	simm.s32 $_size_execute0_lowered;
	s2 =	sadd.s32 s2, s4;
	[dreg:$0x0] =	wrdreg $0x0  }
0xa8: {  	s4 =	sshll.u32 s28, $0x1;
	[dreg:$0x2] =	wrdreg s2  }
0xa9: {  	[dreg:$0x3] =	wrdreg s4  }
0xaa: {  	[dreg:$0x4] =	wrdreg $0xC0  }
0xab: {  	_ =	task [dreg:s6], $0x5FFFF  }
0xac: {  	[dreg:$0x1] =	wrdreg $0xFFFFFFFF  }
0xad: {  	[dreg:$0x0] =	wrdreg $0x60  }
0xae: {  	[dreg:$0x2] =	wrdreg s24  }
0xaf: {  	[dreg:$0x3] =	wrdreg $0xB2200  }
0xb0: {  	[dreg:$0x4] =	wrdreg $0x9  }
0xb1: {  	_ =	task.clear_ibuf [dreg:s6], $0x5FFFF;
	_ =	strace $0x90000049  }
0xb2: {  	s29 =	simm.s32 $0x9;
	_ =	strace $0x8000004B  }
0xb3: {  	_ =	swait.ge [sflag:s29], $0x1  }
0xb4: {  	[sflag:s29] =	ssyncadd.s32 $0xFFFFFFFF  }
0xb5: {  	_ =	strace $0x9000004B  }
0xb6: {  	_ =	sfence  }
0xb7: {  	s30 =	sld [smem:$0x0];
	_ =	sdelay $0x2  }
0xb8: {  	s31 =	sshll.u32 s1, $0xD;
	s1 =	sshrl.u32 s1, $0x2  }
0xb9: {  	s3 =	sand.u32 $0x4000, s31;
	s1 =	sadd.s32 s1, s30  }
0xba: {  	s0 =	sor.u32 s3, s0;
	s1 =	sshll.u32 s1, $0x11  }
0xbb: {  	s0 =	sor.u32 s1, s0  }
0xbc: {  	s0 =	sadd.s32 $0x8F2B, s0  }
0xbd: {  	[sflag:s0] =	ssyncadd.remote.s32 $0x1  }
0xbe: {  	_ =	sfence.sel $0xFFFF  }
0xbf: {  	[dreg:$0x0] =	wrdreg $0xFFFFFFFF;
	(pc) =	sbr.abs _section_cstart, $3  }
0xc0: {  	[dreg:$0x1] =	wrdreg $0xFFFFFFFF  }
0xc1: {  	_ =	task.clear_ibuf [dreg:s6], $0x2FFFF;
	_ =	strace $0x9FFFFFFF  }
0xc2: {  	(tm) =	ssettm $0x7FFFFFFF  }
0xc3: {  	_ =	shalt  }
tec
execute0_lowered:
.L_overlay_start_1:
0x0: {  	(tag) =	ssettag $0x1  }
0x1: {  	s0 =	rddreg [dreg:$0x0]  }
0x2: {  	s2 =	rddreg [dreg:$0x1];
	s3 =	simm.s32 $0x0;
	s1 =	srdreg.scid  }
0x3: {  	s8 =	stileid.u32;
	s18 =	simm.s32 $0x4E20;
	s19 =	simm.s32 $0x7  }
0x4: {  	s20 =	simm.s32 $0x1;
	s21 =	simm.s32 $0x50;
	s22 =	simm.s32 $0x6220  }
0x5: {  	s24 =	simm.s32 $0x7620;
	s29 =	simm.s32 $0x9E20;
	s30 =	simm.s32 $0x2  }
0x6: {  	s31 =	simm.s32 $0x3;
	s17 =	simm.s32 $0x5;
	s28 =	simm.s32 $0x0  }
0x7: {  	s1 =	sand.u32 $0x1, s1;
	s4 =	sshll.u32 s8, $0x1;
	s5 =	smul.u32 $0xA000, s8  }
0x8: {  	[smem:$0x7FF] =	sst s3;
	s8 =	smul.u32 $0x28000, s8;
	s6 =	sor.u32 s1, s4  }
0x9: {  	s7 =	smul.u32 $0xA0000, s1;
	_ =	strace $0x8000004A;
	s1 =	ssub.s32 $0x2, s1  }
0xa: {  	s4 =	sadd.s32 $0x17200, s0;
	s6 =	smul.u32 $0x4E2, s6;
	s9 =	sshrl.u32 s1, $0x1  }
0xb: {  	s25 =	sshrl.u32 s8, $0x2;
	s7 =	sadd.s32 s5, s7;
	s1 =	ssub.s32 s1, s9  }
0xc: {  	s14 =	sadd.s32 s25, s2;
	s6 =	sadd.s32 s6, s0;
	s7 =	sshrl.u32 s7, $0x3  }
0xd: {  	s8 =	sadd.s32 $0x1400, s14;
	s9 =	sadd.s32 $0x2800, s14;
	s10 =	sadd.s32 $0x3C00, s14  }
0xe: {  	s11 =	sadd.s32 $0x5000, s14;
	s12 =	sadd.s32 $0x6400, s14;
	s13 =	sadd.s32 $0x7800, s14  }
0xf: {  	s14 =	sadd.s32 $0x8C00, s14;
	s16 =	smax.u32 s1, $0x1;
	s26 =	sadd.s32 $0x3600, s6  }
0x10: {  	s1 =	simm.s32 $0x6;
	s6 =	sadd.s32 $0xD400, s6;
	[dreg:$0x3] =	wrdreg s26  }
0x11: {  	s0 =	sadd.s32 s7, s0;
	s7 =	sadd.s32 s5, s2;
	[dreg:$0x4] =	wrdreg s6  }
0x12: {  	v0 =	vimm.f32 $0.0e+00;
	s15 =	sadd.s32 $0x2AC00, s0;
	s26 =	simm.s32 $0x8A20;
	s0 =	simm.s32 $0x4  }
.LBB2_1:
0x13: {  	s5 =	rddreg [dreg:$0x3]  }
0x14: {  	[tilespmem:s3], [sflag:$0x1] =	stream.linear.gather [hbm4b:s5+s3], $0x2710, $0x38;
	[tilespmem:$0x15220] =	vst v63  }
0x15: {  	s25 =	rddreg [dreg:$0x4];
	s6 =	simm.s32 $0x2710;
	s23 =	sand.u32 $0x7F00, s3  }
0x16: {  	[tilespmem:s6], [sflag:$0x1] =	stream.linear.gather [hbm4b:s25+s3], $0x2710, $0x38;
	[tilespmem:$0x15220] =	vst v63  }
0x17: {  	s5 =	sshrl.u32 s23, $0x2;
	s25 =	sand.u32 $0x30, s3  }
0x18: {  	s23 =	simm.s32 $0x40;
	s5 =	sor.u32 s25, s5;
	s25 =	simm.s32 $0x0  }
.LBB2_2:
0x19: {  	p0 =	sne.s32 s23, $0x4FC0  }
0x1a: {  	[tilespmem:s5+$0x4E20] =	vst v0;
	s25 =	sadd.s32 $0x10, s25;
	s5 =	smov.u32 s23;
	s23 =	sadd.s32 $0x40, s23  }
.Ltmp0:
0x1b: {  	(pc) =	sbr.rel @p0 .LBB2_2-.Ltmp0, $4  }
0x1c: {  	_ = 	snop  }
0x1d: {  	s5 =	sand.u32 $0x7F00, s5  }
0x1e: {  	s6 =	sand.u32 $0x30, s25;
	s5 =	sshrl.u32 s5, $0x2  }
0x1f: {  	s5 =	sor.u32 s6, s5  }
0x20: {  	[tilespmem:s5+$0x4E20] =	vst v0  }
0x21: {  	[spmem:s7] =	stream.linear.scatter [tilespmem:s18], [sflag:$0x7], $0x1400, $0x38;
	[tilespmem:$0x15220] =	vst v63  }
0x22: {  	_ =	swait.ge [sflag:s19], $0x1400  }
0x23: {  	[sflag:s19] =	ssyncset.done $0x0  }
0x24: {  	[sflag:s19] =	ssyncadd.s32 $0xFFFFEC00  }
0x25: {  	[spmem:s8] =	stream.linear.scatter [tilespmem:s18], [sflag:$0x7], $0x1400, $0x38;
	[tilespmem:$0x15220] =	vst v63  }
0x26: {  	_ =	swait.ge [sflag:s19], $0x1400  }
0x27: {  	[sflag:s19] =	ssyncset.done $0x0  }
0x28: {  	[sflag:s19] =	ssyncadd.s32 $0xFFFFEC00  }
0x29: {  	[spmem:s9] =	stream.linear.scatter [tilespmem:s18], [sflag:$0x7], $0x1400, $0x38;
	[tilespmem:$0x15220] =	vst v63  }
0x2a: {  	_ =	swait.ge [sflag:s19], $0x1400  }
0x2b: {  	[sflag:s19] =	ssyncset.done $0x0  }
0x2c: {  	[sflag:s19] =	ssyncadd.s32 $0xFFFFEC00  }
0x2d: {  	[spmem:s10] =	stream.linear.scatter [tilespmem:s18], [sflag:$0x7], $0x1400, $0x38;
	[tilespmem:$0x15220] =	vst v63  }
0x2e: {  	_ =	swait.ge [sflag:s19], $0x1400  }
0x2f: {  	[sflag:s19] =	ssyncset.done $0x0  }
0x30: {  	[sflag:s19] =	ssyncadd.s32 $0xFFFFEC00  }
0x31: {  	[spmem:s11] =	stream.linear.scatter [tilespmem:s18], [sflag:$0x7], $0x1400, $0x38;
	[tilespmem:$0x15220] =	vst v63  }
0x32: {  	_ =	swait.ge [sflag:s19], $0x1400  }
0x33: {  	[sflag:s19] =	ssyncset.done $0x0  }
0x34: {  	[sflag:s19] =	ssyncadd.s32 $0xFFFFEC00  }
0x35: {  	[spmem:s12] =	stream.linear.scatter [tilespmem:s18], [sflag:$0x7], $0x1400, $0x38;
	[tilespmem:$0x15220] =	vst v63  }
0x36: {  	_ =	swait.ge [sflag:s19], $0x1400  }
0x37: {  	[sflag:s19] =	ssyncset.done $0x0  }
0x38: {  	[sflag:s19] =	ssyncadd.s32 $0xFFFFEC00  }
0x39: {  	[spmem:s13] =	stream.linear.scatter [tilespmem:s18], [sflag:$0x7], $0x1400, $0x38;
	[tilespmem:$0x15220] =	vst v63  }
0x3a: {  	_ =	swait.ge [sflag:s19], $0x1400  }
0x3b: {  	[sflag:s19] =	ssyncset.done $0x0  }
0x3c: {  	[sflag:s19] =	ssyncadd.s32 $0xFFFFEC00  }
0x3d: {  	[spmem:s14] =	stream.linear.scatter [tilespmem:s18], [sflag:$0x7], $0x1400, $0x38;
	[tilespmem:$0x15220] =	vst v63  }
0x3e: {  	_ =	swait.ge [sflag:s19], $0x1400  }
0x3f: {  	[sflag:s19] =	ssyncset.done $0x0  }
0x40: {  	[sflag:s19] =	ssyncadd.s32 $0xFFFFEC00  }
0x41: {  	_ =	swait.ge [sflag:s20], $0x2710  }
0x42: {  	[sflag:s20] =	ssyncset.done $0x0  }
0x43: {  	[sflag:s20] =	ssyncadd.s32 $0xFFFFD8F0  }
0x44: {  	_ =	swait.ge [sflag:s20], $0x2710  }
0x45: {  	[sflag:s20] =	ssyncset.done $0x0  }
0x46: {  	[sflag:s20] =	ssyncadd.s32 $0xFFFFD8F0  }
0x47: {  	s25 =	simm.s32 $0x0;
	[bflag:$0x0] =	sbarrier.arrive $0xFFFF  }
0x48: {  	[tilespmem:s18], [sflag:$0x2] =	stream.indirect.gather [hbm4b:s4+s21], $0x40, s25, s21, $0xb8;
	[tilespmem:$0x15220] =	vst v63  }
0x49: {  	_ = 	snop  }
0x4a: {  	[tilespmem:s22], [sflag:$0x3] =	stream.indirect.gather [hbm4b:s4+s21], $0x40, s21, s21, $0xb8;
	[tilespmem:$0x15220] =	vst v63  }
0x4b: {  	s6 =	simm.s32 $0xA0  }
0x4c: {  	[tilespmem:s24], [sflag:$0x4] =	stream.indirect.gather [hbm4b:s4+s21], $0x40, s6, s21, $0xb8;
	[tilespmem:$0x15220] =	vst v63  }
0x4d: {  	s23 =	simm.s32 $0xF0  }
0x4e: {  	[tilespmem:s26], [sflag:$0x5] =	stream.indirect.gather [hbm4b:s4+s21], $0x40, s23, s21, $0xb8;
	[tilespmem:$0x15220] =	vst v63  }
0x4f: {  	s25 =	simm.s32 $0x140  }
0x50: {  	[tilespmem:s29], [sflag:$0x6] =	stream.indirect.gather [hbm4b:s4+s21], $0x40, s25, s21, $0xb8;
	[tilespmem:$0x15220] =	vst v63  }
0x51: {  	_ =	swait.ge [sflag:s30], $0x1400  }
0x52: {  	[sflag:s30] =	ssyncset.done $0x0  }
0x53: {  	s6 =	simm.s32 $0x2710;
	[sflag:s30] =	ssyncadd.s32 $0xFFFFEC00  }
0x54: {  	[spmem:s2] =	stream.indirect.scatter.add.f32 [tilespmem:s18], [sflag:$0x7], $0x40, s6, s21, $0xb8;
	[tilespmem:$0x15220] =	vst v63  }
0x55: {  	_ =	swait.ge [sflag:s19], $0x1400  }
0x56: {  	[sflag:s19] =	ssyncset.done $0x0  }
0x57: {  	s23 =	simm.s32 $0x190;
	[sflag:s19] =	ssyncadd.s32 $0xFFFFEC00  }
0x58: {  	[tilespmem:s18], [sflag:$0x2] =	stream.indirect.gather [hbm4b:s4+s21], $0x40, s23, s21, $0xb8;
	[tilespmem:$0x15220] =	vst v63  }
0x59: {  	_ =	swait.ge [sflag:s31], $0x1400  }
0x5a: {  	[sflag:s31] =	ssyncset.done $0x0  }
0x5b: {  	s25 =	simm.s32 $0x2760;
	[sflag:s31] =	ssyncadd.s32 $0xFFFFEC00  }
0x5c: {  	[spmem:s2] =	stream.indirect.scatter.add.f32 [tilespmem:s22], [sflag:$0x7], $0x40, s25, s21, $0xb8;
	[tilespmem:$0x15220] =	vst v63  }
0x5d: {  	_ =	swait.ge [sflag:s19], $0x1400  }
0x5e: {  	[sflag:s19] =	ssyncset.done $0x0  }
0x5f: {  	s6 =	simm.s32 $0x1E0;
	[sflag:s19] =	ssyncadd.s32 $0xFFFFEC00  }
0x60: {  	[tilespmem:s22], [sflag:$0x3] =	stream.indirect.gather [hbm4b:s4+s21], $0x40, s6, s21, $0xb8;
	[tilespmem:$0x15220] =	vst v63  }
0x61: {  	_ =	swait.ge [sflag:s0], $0x1400  }
0x62: {  	[sflag:s0] =	ssyncset.done $0x0  }
0x63: {  	s23 =	simm.s32 $0x27B0;
	[sflag:s0] =	ssyncadd.s32 $0xFFFFEC00  }
0x64: {  	[spmem:s2] =	stream.indirect.scatter.add.f32 [tilespmem:s24], [sflag:$0x7], $0x40, s23, s21, $0xb8;
	[tilespmem:$0x15220] =	vst v63  }
0x65: {  	_ =	swait.ge [sflag:s19], $0x1400  }
0x66: {  	[sflag:s19] =	ssyncset.done $0x0  }
0x67: {  	s25 =	simm.s32 $0x230;
	[sflag:s19] =	ssyncadd.s32 $0xFFFFEC00  }
0x68: {  	[tilespmem:s24], [sflag:$0x4] =	stream.indirect.gather [hbm4b:s4+s21], $0x40, s25, s21, $0xb8;
	[tilespmem:$0x15220] =	vst v63  }
0x69: {  	_ =	swait.ge [sflag:s17], $0x1400  }
0x6a: {  	[sflag:s17] =	ssyncset.done $0x0  }
0x6b: {  	s6 =	simm.s32 $0x2800;
	[sflag:s17] =	ssyncadd.s32 $0xFFFFEC00  }
0x6c: {  	[spmem:s2] =	stream.indirect.scatter.add.f32 [tilespmem:s26], [sflag:$0x7], $0x40, s6, s21, $0xb8;
	[tilespmem:$0x15220] =	vst v63  }
0x6d: {  	_ =	swait.ge [sflag:s19], $0x1400  }
0x6e: {  	[sflag:s19] =	ssyncset.done $0x0  }
0x6f: {  	s23 =	simm.s32 $0x280;
	[sflag:s19] =	ssyncadd.s32 $0xFFFFEC00  }
0x70: {  	[tilespmem:s26], [sflag:$0x5] =	stream.indirect.gather [hbm4b:s4+s21], $0x40, s23, s21, $0xb8;
	[tilespmem:$0x15220] =	vst v63  }
0x71: {  	_ =	swait.ge [sflag:s1], $0x1400  }
0x72: {  	[sflag:s1] =	ssyncset.done $0x0  }
0x73: {  	s25 =	simm.s32 $0x2850;
	[sflag:s1] =	ssyncadd.s32 $0xFFFFEC00  }
0x74: {  	[spmem:s2] =	stream.indirect.scatter.add.f32 [tilespmem:s29], [sflag:$0x7], $0x40, s25, s21, $0xb8;
	[tilespmem:$0x15220] =	vst v63  }
0x75: {  	_ =	swait.ge [sflag:s19], $0x1400  }
0x76: {  	[sflag:s19] =	ssyncset.done $0x0  }
0x77: {  	s5 =	simm.s32 $0x2D0;
	s23 =	simm.s32 $0x640;
	[sflag:s19] =	ssyncadd.s32 $0xFFFFEC00  }
.LBB2_4:
0x78: {  	[tilespmem:s29], [sflag:$0x6] =	stream.indirect.gather [hbm4b:s4+s21], $0x40, s5, s21, $0xb8;
	[tilespmem:$0x15220] =	vst v63  }
0x79: {  	s5 =	smov.u32 s23  }
0x7a: {  	p0 =	sne.s32 s23, $0x8FC0;
	s23 =	sadd.s32 $0x640, s23;
	_ =	swait.ge [sflag:s30], $0x1400  }
0x7b: {  	s25 =	sshra.s32 s5, $0x2;
	[sflag:s30] =	ssyncset.done $0x0  }
0x7c: {  	s5 =	sadd.s32 $0x2710, s25;
	[sflag:s30] =	ssyncadd.s32 $0xFFFFEC00  }
0x7d: {  	[spmem:s2] =	stream.indirect.scatter.add.f32 [tilespmem:s18], [sflag:$0x7], $0x40, s5, s21, $0xb8;
	[tilespmem:$0x15220] =	vst v63  }
0x7e: {  	_ =	swait.ge [sflag:s19], $0x1400  }
0x7f: {  	[sflag:s19] =	ssyncset.done $0x0  }
0x80: {  	s5 =	sadd.s32 $0x190, s25;
	[sflag:s19] =	ssyncadd.s32 $0xFFFFEC00  }
0x81: {  	[tilespmem:s18], [sflag:$0x2] =	stream.indirect.gather [hbm4b:s4+s21], $0x40, s5, s21, $0xb8;
	[tilespmem:$0x15220] =	vst v63  }
0x82: {  	_ =	swait.ge [sflag:s31], $0x1400  }
0x83: {  	[sflag:s31] =	ssyncset.done $0x0  }
0x84: {  	s5 =	sadd.s32 $0x2760, s25;
	[sflag:s31] =	ssyncadd.s32 $0xFFFFEC00  }
0x85: {  	[spmem:s2] =	stream.indirect.scatter.add.f32 [tilespmem:s22], [sflag:$0x7], $0x40, s5, s21, $0xb8;
	[tilespmem:$0x15220] =	vst v63  }
0x86: {  	_ =	swait.ge [sflag:s19], $0x1400  }
0x87: {  	[sflag:s19] =	ssyncset.done $0x0  }
0x88: {  	s5 =	sadd.s32 $0x1E0, s25;
	[sflag:s19] =	ssyncadd.s32 $0xFFFFEC00  }
0x89: {  	[tilespmem:s22], [sflag:$0x3] =	stream.indirect.gather [hbm4b:s4+s21], $0x40, s5, s21, $0xb8;
	[tilespmem:$0x15220] =	vst v63  }
0x8a: {  	_ =	swait.ge [sflag:s0], $0x1400  }
0x8b: {  	[sflag:s0] =	ssyncset.done $0x0  }
0x8c: {  	s5 =	sadd.s32 $0x27B0, s25;
	[sflag:s0] =	ssyncadd.s32 $0xFFFFEC00  }
0x8d: {  	[spmem:s2] =	stream.indirect.scatter.add.f32 [tilespmem:s24], [sflag:$0x7], $0x40, s5, s21, $0xb8;
	[tilespmem:$0x15220] =	vst v63  }
0x8e: {  	_ =	swait.ge [sflag:s19], $0x1400  }
0x8f: {  	[sflag:s19] =	ssyncset.done $0x0  }
0x90: {  	s5 =	sadd.s32 $0x230, s25;
	[sflag:s19] =	ssyncadd.s32 $0xFFFFEC00  }
0x91: {  	[tilespmem:s24], [sflag:$0x4] =	stream.indirect.gather [hbm4b:s4+s21], $0x40, s5, s21, $0xb8;
	[tilespmem:$0x15220] =	vst v63  }
0x92: {  	_ =	swait.ge [sflag:s17], $0x1400  }
0x93: {  	[sflag:s17] =	ssyncset.done $0x0  }
0x94: {  	s5 =	sadd.s32 $0x2800, s25;
	[sflag:s17] =	ssyncadd.s32 $0xFFFFEC00  }
0x95: {  	[spmem:s2] =	stream.indirect.scatter.add.f32 [tilespmem:s26], [sflag:$0x7], $0x40, s5, s21, $0xb8;
	[tilespmem:$0x15220] =	vst v63  }
0x96: {  	_ =	swait.ge [sflag:s19], $0x1400  }
0x97: {  	[sflag:s19] =	ssyncset.done $0x0  }
0x98: {  	s5 =	sadd.s32 $0x280, s25;
	[sflag:s19] =	ssyncadd.s32 $0xFFFFEC00  }
0x99: {  	[tilespmem:s26], [sflag:$0x5] =	stream.indirect.gather [hbm4b:s4+s21], $0x40, s5, s21, $0xb8;
	[tilespmem:$0x15220] =	vst v63  }
0x9a: {  	_ =	swait.ge [sflag:s1], $0x1400  }
0x9b: {  	[sflag:s1] =	ssyncset.done $0x0  }
.Ltmp1:
0x9c: {  	s5 =	sadd.s32 $0x2850, s25;
	[sflag:s1] =	ssyncadd.s32 $0xFFFFEC00;
	(pc) =	sbr.rel @p0 .LBB2_4-.Ltmp1, $4  }
0x9d: {  	[spmem:s2] =	stream.indirect.scatter.add.f32 [tilespmem:s29], [sflag:$0x7], $0x40, s5, s21, $0xb8;
	[tilespmem:$0x15220] =	vst v63  }
0x9e: {  	_ =	swait.ge [sflag:s19], $0x1400  }
0x9f: {  	[sflag:s19] =	ssyncset.done $0x0  }
0xa0: {  	s5 =	sadd.s32 $0x2D0, s25;
	[sflag:s19] =	ssyncadd.s32 $0xFFFFEC00  }
0xa1: {  	[tilespmem:s29], [sflag:$0x6] =	stream.indirect.gather [hbm4b:s4+s21], $0x40, s5, s21, $0xb8;
	[tilespmem:$0x15220] =	vst v63  }
0xa2: {  	_ =	swait.ge [sflag:s30], $0x1400  }
0xa3: {  	[sflag:s30] =	ssyncset.done $0x0  }
0xa4: {  	s6 =	simm.s32 $0x4C90;
	[sflag:s30] =	ssyncadd.s32 $0xFFFFEC00  }
0xa5: {  	[spmem:s2] =	stream.indirect.scatter.add.f32 [tilespmem:s18], [sflag:$0x7], $0x40, s6, s21, $0xb8;
	[tilespmem:$0x15220] =	vst v63  }
0xa6: {  	_ =	swait.ge [sflag:s19], $0x1400  }
0xa7: {  	[sflag:s19] =	ssyncset.done $0x0  }
0xa8: {  	[sflag:s19] =	ssyncadd.s32 $0xFFFFEC00  }
0xa9: {  	_ =	swait.ge [sflag:s31], $0x1400  }
0xaa: {  	[sflag:s31] =	ssyncset.done $0x0  }
0xab: {  	s23 =	simm.s32 $0x4CE0;
	[sflag:s31] =	ssyncadd.s32 $0xFFFFEC00  }
0xac: {  	[spmem:s2] =	stream.indirect.scatter.add.f32 [tilespmem:s22], [sflag:$0x7], $0x40, s23, s21, $0xb8;
	[tilespmem:$0x15220] =	vst v63  }
0xad: {  	_ =	swait.ge [sflag:s19], $0x1400  }
0xae: {  	[sflag:s19] =	ssyncset.done $0x0  }
0xaf: {  	[sflag:s19] =	ssyncadd.s32 $0xFFFFEC00  }
0xb0: {  	_ =	swait.ge [sflag:s0], $0x1400  }
0xb1: {  	[sflag:s0] =	ssyncset.done $0x0  }
0xb2: {  	s25 =	simm.s32 $0x4D30;
	[sflag:s0] =	ssyncadd.s32 $0xFFFFEC00  }
0xb3: {  	[spmem:s2] =	stream.indirect.scatter.add.f32 [tilespmem:s24], [sflag:$0x7], $0x40, s25, s21, $0xb8;
	[tilespmem:$0x15220] =	vst v63  }
0xb4: {  	_ =	swait.ge [sflag:s19], $0x1400  }
0xb5: {  	[sflag:s19] =	ssyncset.done $0x0  }
0xb6: {  	[sflag:s19] =	ssyncadd.s32 $0xFFFFEC00  }
0xb7: {  	_ =	swait.ge [sflag:s17], $0x1400  }
0xb8: {  	[sflag:s17] =	ssyncset.done $0x0  }
0xb9: {  	s6 =	simm.s32 $0x4D80;
	[sflag:s17] =	ssyncadd.s32 $0xFFFFEC00  }
0xba: {  	[spmem:s2] =	stream.indirect.scatter.add.f32 [tilespmem:s26], [sflag:$0x7], $0x40, s6, s21, $0xb8;
	[tilespmem:$0x15220] =	vst v63  }
0xbb: {  	_ =	swait.ge [sflag:s19], $0x1400  }
0xbc: {  	[sflag:s19] =	ssyncset.done $0x0  }
0xbd: {  	[sflag:s19] =	ssyncadd.s32 $0xFFFFEC00  }
0xbe: {  	_ =	swait.ge [sflag:s1], $0x1400  }
0xbf: {  	[sflag:s1] =	ssyncset.done $0x0  }
0xc0: {  	s23 =	simm.s32 $0x4DD0;
	[sflag:s1] =	ssyncadd.s32 $0xFFFFEC00  }
0xc1: {  	[spmem:s2] =	stream.indirect.scatter.add.f32 [tilespmem:s29], [sflag:$0x7], $0x40, s23, s21, $0xb8;
	[tilespmem:$0x15220] =	vst v63  }
0xc2: {  	s25 =	stileid.u32;
	_ =	swait.ge [sflag:s19], $0x1400  }
0xc3: {  	s28 =	sadd.s32 $0x1, s28;
	s5 =	sshll.u32 s25, $0x6;
	[sflag:s19] =	ssyncset.done $0x0  }
0xc4: {  	p0 =	sne.s32 s28, s16;
	s5 =	sor.u32 $0x1C07, s5;
	[sflag:s19] =	ssyncadd.s32 $0xFFFFEC00  }
.Ltmp2:
0xc5: {  	s6 =	sshrl.u32 s7, $0x3;
	[bflag:$0x0] =	sbarrier.arrive $0xFFFF;
	(pc) =	sbr.rel @p0 .LBB2_1-.Ltmp2, $4  }
0xc6: {  	[hbm:s15], [sflag:s5] =	dma.local [spmem:s6], $0x1400  }
0xc7: {  	_ =	swait.ge [sflag:s19], $0x1400  }
0xc8: {  	[sflag:s19] =	ssyncset.done $0x0  }
0xc9: {  	[sflag:s19] =	ssyncadd.s32 $0xFFFFEC00  }
0xca: {  	_ =	sfence.sel $0x180000  }
0xcb: {  	[bflag:$0x0] =	sbarrier.arrive $0xFFFF  }
0xcc: {  	_ =	strace $0x9000004A  }
0xcd: {  	s0 =	stileid.u32;
	[bflag:$0x2] =	sbarrier.arrive $0xFFFF  }
0xce: {  	p0 =	sne.s32 s0, $0x0;
	s0 =	rddreg [dreg:$0x2]  }
0xcf: {  	s0 =	sadd.s32 @!p0 $0x100000, s0  }
0xd0: {  	[sflag:s0] =	ssyncadd.tile.s32 @!p0 $0x1;
	_ =	shalt  }
.Lfunc_end2:
_tile_overlayer_lowered:
.L_overlay_start_2:
0xd1: {  	(tag) =	ssettag $0x2  }
0xd2: {  	s0 =	rddreg [dreg:$0x0];
	s2 =	stileid.u32  }
0xd3: {  	s1 =	rddreg [dreg:$0x1];
	p0 =	sne.s32 s2, $0x0  }
0xd4: {  	s3 =	rddreg [dreg:$0x2];
	[bflag:$0x3] =	sbarrier.arrive $0xFFFF;
	s2 =	simm.s32 @!p0 $0x1C07  }
0xd5: {  	[timem:s3], [sflag:s2] =	dma.local @!p0 [hbm:s0], s1  }
0xd6: {  	s0 =	simm.s32 @!p0 $0x7  }
0xd7: {  	_ =	swait.ge @!p0 [sflag:s0], s1  }
0xd8: {  	s1 =	ssub.s32 @!p0 $0x0, s1;
	[sflag:s0] =	ssyncset.done @!p0 $0x0  }
0xd9: {  	[sflag:s0] =	ssyncadd.s32 @!p0 s1  }
0xda: {  	[bflag:$0x3] =	sbarrier.arrive $0xFFFF  }
0xdb: {  	_ =	shalt  }

// kernel: kernel.17.cloned.1.call-start
scs
__scs_entry_jumppad:
0x0: {  	(pc) =	sbr.rel $0x88, $3  }
0x1: {  	(tag) =	ssettag $0x0;
	lr =	simm.s32 $0x1  }
0x2: {  	[smem:$0x3F96] =	sst lr;
	_ =	strace $0xD0000000  }
0x3: {  	_ = 	snop  }
0x4: {  	_ = 	snop  }
0x5: {  	_ = 	snop  }
0x6: {  	_ = 	snop  }
0x7: {  	_ = 	snop  }
__scs_overlays_trampoline_lowered:
0x8: {  	[smem:$0x3FA5] =	sst s0  }
0x9: {  	[smem:$0x3FA6] =	sst s1  }
0xa: {  	[smem:$0x3FA7] =	sst s2  }
0xb: {  	[smem:$0x3FA8] =	sst s3  }
0xc: {  	[smem:$0x3FA9] =	sst s4  }
0xd: {  	[smem:$0x3FAA] =	sst s5  }
0xe: {  	[smem:$0x3FAB] =	sst s6  }
0xf: {  	[smem:$0x3FAC] =	sst s7  }
0x10: {  	[smem:$0x3FAD] =	sst s8  }
0x11: {  	[smem:$0x3FAE] =	sst s9;
	s0 =	simm.s32 @!p0 $0x0  }
0x12: {  	s1 =	sld [smem:$0x3F94];
	s0 =	simm.s32 @p0 $0x1  }
0x13: {  	[smem:$0x3FAF] =	sst s0;
	s0 =	simm.s32 @!p1 $0x0  }
0x14: {  	s2 =	sld [smem:$0x3F93];
	s0 =	simm.s32 @p1 $0x1  }
0x15: {  	[smem:$0x3FB0] =	sst s0;
	s0 =	simm.s32 @!p2 $0x0  }
0x16: {  	s3 =	sld [smem:$0x3FDB];
	s0 =	simm.s32 @p2 $0x1  }
0x17: {  	s4 =	simm.s32 $0x1BF5;
	[smem:$0x3FB2] =	sst s0  }
0x18: {  	s0 =	sld [smem:$0x3F95];
	_ =	swait.ge [sflag:s4], $0x0  }
0x19: {  	s7 =	sld [smem:$0x3F96]  }
0x1a: {  	s8 =	sadd.s32 $0xFFFFE003, lr  }
0x1b: {  	s9 =	sadd.s32 $0xFFFFFEF7, lr;
	s5 =	simm.s32 $0xFFFFFFFF;
	p2 =	slt.u32 s8, $0xFFFFF086  }
0x1c: {  	p1 =	slt.u32 s9, $0xF7A;
	s5 =	simm.s32 @!p2 $0x0  }
0x1d: {  	s5 =	simm.s32 @p1 $0x1;
	p0 =	seq.s32 s7, s2  }
0x1e: {  	s7 =	smul.u32 @!p0 $0xF7A, s2;
	p2 =	seq.s32 @!p0 s5, $0x0  }
0x1f: {  	s9 =	smul.u32 $0xF7A, s1;
	s8 =	simm.s32 @!p0 $0x1BF5;
	p2 =	por !p2, p0  }
0x20: {  	[sflag:s8] =	ssyncset.s32 @!p0 $0xFFFFF086;
	s6 =	sadd.s32 @!p0 s3, s7;
	s7 =	simm.s32 @!p0 $0x108  }
0x21: {  	s3 =	sadd.s32 s3, s9;
	s6 =	sadd.s32 @!p0 $0x88, s6;
	s7 =	simm.s32 @p2 $0x1082  }
0x22: {  	[simem:s7], [sflag:s8] =	dma.local @!p0 [hbm:s6], $0xF7A  }
0x23: {  	s9 =	sor.u32 $0xD0000000, s2;
	s6 =	simm.s32 $0x108;
	_ =	swait.ge @!p0 [sflag:s8], $0x0  }
0x24: {  	s3 =	sadd.s32 $0x88, s3;
	s6 =	simm.s32 @!p1 $0x1082;
	[sflag:s4] =	ssyncset.s32 $0xFFFFF086  }
0x25: {  	[simem:s6], [sflag:s4] =	dma.local [hbm:s3], $0xF7A  }
0x26: {  	[smem:$0x3F96] =	sst s1;
	(tag) =	ssettag s2;
	_ =	strace s9  }
0x27: {  	s1 =	sld [smem:$0x3FA6]  }
0x28: {  	s2 =	sld [smem:$0x3FA7]  }
0x29: {  	s4 =	sld [smem:$0x3FA9]  }
0x2a: {  	p0 =	seq.s32 s5, $0x0;
	s5 =	sld [smem:$0x3FAA]  }
0x2b: {  	s6 =	sld [smem:$0x3FAB]  }
0x2c: {  	s7 =	sld [smem:$0x3FAC]  }
0x2d: {  	s3 =	simm.s32 $0x108;
	s8 =	sld [smem:$0x3FAD]  }
0x2e: {  	s3 =	simm.s32 @!p0 $0x1082;
	s9 =	sld [smem:$0x3FAE]  }
0x2f: {  	lr =	sadd.s32 s0, s3;
	s0 =	sld [smem:$0x3FA5]  }
0x30: {  	s3 =	sld [smem:$0x3FA8]  }
0x31: {  	[smem:$0x3FB1] =	sst s10  }
0x32: {  	s10 =	sld [smem:$0x3FAF];
	_ =	sdelay $0x3  }
0x33: {  	p0 =	seq.s32 s10, $0x1;
	s10 =	sld [smem:$0x3FB1];
	_ =	sdelay $0x3  }
0x34: {  	[smem:$0x3FB1] =	sst s10  }
0x35: {  	s10 =	sld [smem:$0x3FB0];
	_ =	sdelay $0x3  }
0x36: {  	p1 =	seq.s32 s10, $0x1;
	s10 =	sld [smem:$0x3FB1];
	_ =	sdelay $0x3  }
0x37: {  	[smem:$0x3FB1] =	sst s10  }
0x38: {  	s10 =	sld [smem:$0x3FB2]  }
0x39: {  	_ = 	snop;
	(pc) =	sbr.ind lr, $3  }
0x3a: {  	_ = 	snop  }
0x3b: {  	_ = 	snop  }
0x3c: {  	p2 =	seq.s32 s10, $0x1;
	s10 =	sld [smem:$0x3FB1]  }
0x3d: {  	_ =	shalt  }
0x3e: {  	_ =	shalt  }
0x3f: {  	_ =	shalt  }
0x40: {  	_ =	shalt  }
0x41: {  	_ =	shalt  }
0x42: {  	_ =	shalt  }
0x43: {  	_ =	shalt  }
0x44: {  	_ =	shalt  }
0x45: {  	_ =	shalt  }
0x46: {  	_ =	shalt  }
0x47: {  	_ =	shalt  }
0x48: {  	_ =	shalt  }
0x49: {  	_ =	shalt  }
0x4a: {  	_ =	shalt  }
0x4b: {  	_ =	shalt  }
0x4c: {  	_ =	shalt  }
0x4d: {  	_ =	shalt  }
0x4e: {  	_ =	shalt  }
0x4f: {  	_ =	shalt  }
0x50: {  	_ =	shalt  }
0x51: {  	_ =	shalt  }
0x52: {  	_ =	shalt  }
0x53: {  	_ =	shalt  }
0x54: {  	_ =	shalt  }
0x55: {  	_ =	shalt  }
0x56: {  	_ =	shalt  }
0x57: {  	_ =	shalt  }
0x58: {  	_ =	shalt  }
0x59: {  	_ =	shalt  }
0x5a: {  	_ =	shalt  }
0x5b: {  	_ =	shalt  }
0x5c: {  	_ =	shalt  }
0x5d: {  	_ =	shalt  }
0x5e: {  	_ =	shalt  }
0x5f: {  	_ =	shalt  }
0x60: {  	_ =	shalt  }
0x61: {  	_ =	shalt  }
0x62: {  	_ =	shalt  }
0x63: {  	_ =	shalt  }
0x64: {  	_ =	shalt  }
0x65: {  	_ =	shalt  }
0x66: {  	_ =	shalt  }
0x67: {  	_ =	shalt  }
0x68: {  	_ =	shalt  }
0x69: {  	_ =	shalt  }
0x6a: {  	_ =	shalt  }
0x6b: {  	_ =	shalt  }
0x6c: {  	_ =	shalt  }
0x6d: {  	_ =	shalt  }
0x6e: {  	_ =	shalt  }
0x6f: {  	_ =	shalt  }
0x70: {  	_ =	shalt  }
0x71: {  	_ =	shalt  }
0x72: {  	_ =	shalt  }
0x73: {  	_ =	shalt  }
0x74: {  	_ =	shalt  }
0x75: {  	_ =	shalt  }
0x76: {  	_ =	shalt  }
0x77: {  	_ =	shalt  }
0x78: {  	_ =	shalt  }
0x79: {  	_ =	shalt  }
0x7a: {  	_ =	shalt  }
0x7b: {  	_ =	shalt  }
0x7c: {  	_ =	shalt  }
0x7d: {  	_ =	shalt  }
0x7e: {  	_ =	shalt  }
0x7f: {  	_ =	shalt  }
0x80: {  	_ =	shalt  }
0x81: {  	_ =	shalt  }
0x82: {  	_ =	shalt  }
0x83: {  	_ =	shalt  }
0x84: {  	_ =	shalt  }
0x85: {  	_ =	shalt  }
0x86: {  	_ =	shalt  }
0x87: {  	_ =	shalt  }
.Lfunc_end0:
.L_simem_size_0:
called_computation.2_lowered:
.L_overlay_start_0:
0x88: {  	s2 =	sld [smem:$0x3FD9]  }
0x89: {  	s3 =	sld [smem:$0x3FFE];
	_ =	sdelay $0x1  }
0x8a: {  	s1 =	srdreg.scid  }
0x8b: {  	s0 =	sand.u32 $0x1, s1  }
0x8c: {  	s16 =	sshll.u32 s0, $0xA;
	s2 =	sadd.s32 s3, s2  }
0x8d: {  	s2 =	sadd.s32 s2, s16  }
0x8e: {  	[smem:$0x3FBD] =	sst s2  }
0x8f: {  	_ = 	snop  }
0x90: {  	(tm) =	ssettm $0x1  }
0x91: {  	s17 =	sld [smem:$0x3FFB];
	_ =	sdelay $0x3  }
0x92: {  	_ =	strace s17  }
0x93: {  	s2 =	sld [smem:$0x3FFC];
	_ =	sdelay $0x3  }
0x94: {  	_ =	strace s2  }
0x95: {  	s2 =	sld [smem:$0x3FFD];
	_ =	sdelay $0x3  }
0x96: {  	_ =	strace s2  }
0x97: {  	_ =	strace $0x8FFFFFFF  }
0x98: {  	s18 =	sld [smem:$0x3FDB];
	_ =	sdelay $0x1  }
0x99: {  	s19 =	simm.s32 $_scs_section_size  }
0x9a: {  	s4 =	simm.s32 $_size__tile_overlayer_lowered;
	s5 =	simm.s32 $_tile_overlayer_lowered  }
0x9b: {  	s22 =	simm.s32 $0x1BFF;
	s21 =	sshll.u32 s5, $0x1;
	s2 =	sadd.s32 s19, s18  }
0x9c: {  	s6 =	simm.s32 $0x0;
	s20 =	sshll.u32 s4, $0x1;
	s4 =	sadd.s32 s21, s2  }
0x9d: {  	[timem:s6], [sflag:s22] =	dma.local [hbm:s4], s20  }
0x9e: {  	_ =	swait.ge [sflag:s22], s20  }
0x9f: {  	s3 =	ssub.s32 $0x0, s20;
	[sflag:s22] =	ssyncset.done $0x0  }
0xa0: {  	[sflag:s22] =	ssyncadd.s32 s3;
	_ =	sdelay $0x1  }
0xa1: {  	s23 =	simm.s32 $0x1B8B  }
0xa2: {  	_ =	swait.ge [sflag:s23], $0x1  }
0xa3: {  	[sflag:s23] =	ssyncset.done $0x0  }
0xa4: {  	s25 =	simm.s32 $0x1B8E;
	s24 =	sld [smem:$0x3FFE];
	[sflag:s23] =	ssyncadd.s32 $0xFFFFFFFF  }
0xa5: {  	s26 =	simm.s32 $execute0_lowered;
	[smem:$0x3FD2] =	sst s25  }
0xa6: {  	s4 =	sshll.u32 s26, $0x1;
	_ =	strace $0x8000004C;
	[dreg:$0x1] =	wrdreg $0xFFFFFFFF  }
0xa7: {  	s28 =	simm.s32 $_size_execute0_lowered;
	s2 =	sadd.s32 s2, s4;
	[dreg:$0x0] =	wrdreg $0x0  }
0xa8: {  	s4 =	sshll.u32 s28, $0x1;
	[dreg:$0x2] =	wrdreg s2  }
0xa9: {  	[dreg:$0x3] =	wrdreg s4  }
0xaa: {  	[dreg:$0x4] =	wrdreg $0xC0  }
0xab: {  	_ =	task [dreg:s6], $0x5FFFF  }
0xac: {  	[dreg:$0x1] =	wrdreg $0xFFFFFFFF  }
0xad: {  	[dreg:$0x0] =	wrdreg $0x60  }
0xae: {  	[dreg:$0x2] =	wrdreg s24  }
0xaf: {  	[dreg:$0x3] =	wrdreg $0xB2200  }
0xb0: {  	[dreg:$0x4] =	wrdreg $0x9  }
0xb1: {  	_ =	task.clear_ibuf [dreg:s6], $0x5FFFF;
	_ =	strace $0x9000004C  }
0xb2: {  	s29 =	simm.s32 $0x9;
	_ =	strace $0x8000004E  }
0xb3: {  	_ =	swait.ge [sflag:s29], $0x1  }
0xb4: {  	[sflag:s29] =	ssyncadd.s32 $0xFFFFFFFF  }
0xb5: {  	_ =	strace $0x9000004E  }
0xb6: {  	_ =	sfence  }
0xb7: {  	s30 =	sld [smem:$0x0];
	_ =	sdelay $0x2  }
0xb8: {  	s31 =	sshll.u32 s1, $0xD;
	s1 =	sshrl.u32 s1, $0x2  }
0xb9: {  	s3 =	sand.u32 $0x4000, s31;
	s1 =	sadd.s32 s1, s30  }
0xba: {  	s0 =	sor.u32 s3, s0;
	s1 =	sshll.u32 s1, $0x11  }
0xbb: {  	s0 =	sor.u32 s1, s0  }
0xbc: {  	s0 =	sadd.s32 $0x8F2B, s0  }
0xbd: {  	[sflag:s0] =	ssyncadd.remote.s32 $0x1  }
0xbe: {  	_ =	sfence.sel $0xFFFF  }
0xbf: {  	[dreg:$0x0] =	wrdreg $0xFFFFFFFF;
	(pc) =	sbr.abs _section_cstart, $3  }
0xc0: {  	[dreg:$0x1] =	wrdreg $0xFFFFFFFF  }
0xc1: {  	_ =	task.clear_ibuf [dreg:s6], $0x2FFFF;
	_ =	strace $0x9FFFFFFF  }
0xc2: {  	(tm) =	ssettm $0x7FFFFFFF  }
0xc3: {  	_ =	shalt  }
tec
execute0_lowered:
.L_overlay_start_1:
0x0: {  	(tag) =	ssettag $0x1  }
0x1: {  	s0 =	rddreg [dreg:$0x0]  }
0x2: {  	s2 =	rddreg [dreg:$0x1];
	s3 =	simm.s32 $0x0;
	s1 =	srdreg.scid  }
0x3: {  	s8 =	stileid.u32;
	s18 =	simm.s32 $0x4E20;
	s19 =	simm.s32 $0x7  }
0x4: {  	s20 =	simm.s32 $0x1;
	s21 =	simm.s32 $0x50;
	s22 =	simm.s32 $0x6220  }
0x5: {  	s24 =	simm.s32 $0x7620;
	s29 =	simm.s32 $0x9E20;
	s30 =	simm.s32 $0x2  }
0x6: {  	s31 =	simm.s32 $0x3;
	s17 =	simm.s32 $0x5;
	s28 =	simm.s32 $0x0  }
0x7: {  	s1 =	sand.u32 $0x1, s1;
	s4 =	sshll.u32 s8, $0x1;
	s5 =	smul.u32 $0xA000, s8  }
0x8: {  	[smem:$0x7FF] =	sst s3;
	s8 =	smul.u32 $0x28000, s8;
	s6 =	sor.u32 s1, s4  }
0x9: {  	s7 =	smul.u32 $0xA0000, s1;
	_ =	strace $0x8000004D;
	s1 =	ssub.s32 $0x2, s1  }
0xa: {  	s4 =	sadd.s32 $0x17200, s0;
	s6 =	smul.u32 $0x4E2, s6;
	s9 =	sshrl.u32 s1, $0x1  }
0xb: {  	s25 =	sshrl.u32 s8, $0x2;
	s7 =	sadd.s32 s5, s7;
	s1 =	ssub.s32 s1, s9  }
0xc: {  	s14 =	sadd.s32 s25, s2;
	s6 =	sadd.s32 s6, s0;
	s7 =	sshrl.u32 s7, $0x3  }
0xd: {  	s8 =	sadd.s32 $0x1400, s14;
	s9 =	sadd.s32 $0x2800, s14;
	s10 =	sadd.s32 $0x3C00, s14  }
0xe: {  	s11 =	sadd.s32 $0x5000, s14;
	s12 =	sadd.s32 $0x6400, s14;
	s13 =	sadd.s32 $0x7800, s14  }
0xf: {  	s14 =	sadd.s32 $0x8C00, s14;
	s16 =	smax.u32 s1, $0x1;
	s26 =	sadd.s32 $0x3600, s6  }
0x10: {  	s1 =	simm.s32 $0x6;
	s6 =	sadd.s32 $0xD400, s6;
	[dreg:$0x3] =	wrdreg s26  }
0x11: {  	s0 =	sadd.s32 s7, s0;
	s7 =	sadd.s32 s5, s2;
	[dreg:$0x4] =	wrdreg s6  }
0x12: {  	v0 =	vimm.f32 $0.0e+00;
	s15 =	sadd.s32 $0x2AC00, s0;
	s26 =	simm.s32 $0x8A20;
	s0 =	simm.s32 $0x4  }
.LBB2_1:
0x13: {  	s5 =	rddreg [dreg:$0x3]  }
0x14: {  	[tilespmem:s3], [sflag:$0x1] =	stream.linear.gather [hbm4b:s5+s3], $0x2710, $0x38;
	[tilespmem:$0x15220] =	vst v63  }
0x15: {  	s25 =	rddreg [dreg:$0x4];
	s6 =	simm.s32 $0x2710;
	s23 =	sand.u32 $0x7F00, s3  }
0x16: {  	[tilespmem:s6], [sflag:$0x1] =	stream.linear.gather [hbm4b:s25+s3], $0x2710, $0x38;
	[tilespmem:$0x15220] =	vst v63  }
0x17: {  	s5 =	sshrl.u32 s23, $0x2;
	s25 =	sand.u32 $0x30, s3  }
0x18: {  	s23 =	simm.s32 $0x40;
	s5 =	sor.u32 s25, s5;
	s25 =	simm.s32 $0x0  }
.LBB2_2:
0x19: {  	p0 =	sne.s32 s23, $0x4FC0  }
0x1a: {  	[tilespmem:s5+$0x4E20] =	vst v0;
	s25 =	sadd.s32 $0x10, s25;
	s5 =	smov.u32 s23;
	s23 =	sadd.s32 $0x40, s23  }
.Ltmp0:
0x1b: {  	(pc) =	sbr.rel @p0 .LBB2_2-.Ltmp0, $4  }
0x1c: {  	_ = 	snop  }
0x1d: {  	s5 =	sand.u32 $0x7F00, s5  }
0x1e: {  	s6 =	sand.u32 $0x30, s25;
	s5 =	sshrl.u32 s5, $0x2  }
0x1f: {  	s5 =	sor.u32 s6, s5  }
0x20: {  	[tilespmem:s5+$0x4E20] =	vst v0  }
0x21: {  	[spmem:s7] =	stream.linear.scatter [tilespmem:s18], [sflag:$0x7], $0x1400, $0x38;
	[tilespmem:$0x15220] =	vst v63  }
0x22: {  	_ =	swait.ge [sflag:s19], $0x1400  }
0x23: {  	[sflag:s19] =	ssyncset.done $0x0  }
0x24: {  	[sflag:s19] =	ssyncadd.s32 $0xFFFFEC00  }
0x25: {  	[spmem:s8] =	stream.linear.scatter [tilespmem:s18], [sflag:$0x7], $0x1400, $0x38;
	[tilespmem:$0x15220] =	vst v63  }
0x26: {  	_ =	swait.ge [sflag:s19], $0x1400  }
0x27: {  	[sflag:s19] =	ssyncset.done $0x0  }
0x28: {  	[sflag:s19] =	ssyncadd.s32 $0xFFFFEC00  }
0x29: {  	[spmem:s9] =	stream.linear.scatter [tilespmem:s18], [sflag:$0x7], $0x1400, $0x38;
	[tilespmem:$0x15220] =	vst v63  }
0x2a: {  	_ =	swait.ge [sflag:s19], $0x1400  }
0x2b: {  	[sflag:s19] =	ssyncset.done $0x0  }
0x2c: {  	[sflag:s19] =	ssyncadd.s32 $0xFFFFEC00  }
0x2d: {  	[spmem:s10] =	stream.linear.scatter [tilespmem:s18], [sflag:$0x7], $0x1400, $0x38;
	[tilespmem:$0x15220] =	vst v63  }
0x2e: {  	_ =	swait.ge [sflag:s19], $0x1400  }
0x2f: {  	[sflag:s19] =	ssyncset.done $0x0  }
0x30: {  	[sflag:s19] =	ssyncadd.s32 $0xFFFFEC00  }
0x31: {  	[spmem:s11] =	stream.linear.scatter [tilespmem:s18], [sflag:$0x7], $0x1400, $0x38;
	[tilespmem:$0x15220] =	vst v63  }
0x32: {  	_ =	swait.ge [sflag:s19], $0x1400  }
0x33: {  	[sflag:s19] =	ssyncset.done $0x0  }
0x34: {  	[sflag:s19] =	ssyncadd.s32 $0xFFFFEC00  }
0x35: {  	[spmem:s12] =	stream.linear.scatter [tilespmem:s18], [sflag:$0x7], $0x1400, $0x38;
	[tilespmem:$0x15220] =	vst v63  }
0x36: {  	_ =	swait.ge [sflag:s19], $0x1400  }
0x37: {  	[sflag:s19] =	ssyncset.done $0x0  }
0x38: {  	[sflag:s19] =	ssyncadd.s32 $0xFFFFEC00  }
0x39: {  	[spmem:s13] =	stream.linear.scatter [tilespmem:s18], [sflag:$0x7], $0x1400, $0x38;
	[tilespmem:$0x15220] =	vst v63  }
0x3a: {  	_ =	swait.ge [sflag:s19], $0x1400  }
0x3b: {  	[sflag:s19] =	ssyncset.done $0x0  }
0x3c: {  	[sflag:s19] =	ssyncadd.s32 $0xFFFFEC00  }
0x3d: {  	[spmem:s14] =	stream.linear.scatter [tilespmem:s18], [sflag:$0x7], $0x1400, $0x38;
	[tilespmem:$0x15220] =	vst v63  }
0x3e: {  	_ =	swait.ge [sflag:s19], $0x1400  }
0x3f: {  	[sflag:s19] =	ssyncset.done $0x0  }
0x40: {  	[sflag:s19] =	ssyncadd.s32 $0xFFFFEC00  }
0x41: {  	_ =	swait.ge [sflag:s20], $0x2710  }
0x42: {  	[sflag:s20] =	ssyncset.done $0x0  }
0x43: {  	[sflag:s20] =	ssyncadd.s32 $0xFFFFD8F0  }
0x44: {  	_ =	swait.ge [sflag:s20], $0x2710  }
0x45: {  	[sflag:s20] =	ssyncset.done $0x0  }
0x46: {  	[sflag:s20] =	ssyncadd.s32 $0xFFFFD8F0  }
0x47: {  	s25 =	simm.s32 $0x0;
	[bflag:$0x0] =	sbarrier.arrive $0xFFFF  }
0x48: {  	[tilespmem:s18], [sflag:$0x2] =	stream.indirect.gather [hbm4b:s4+s21], $0x40, s25, s21, $0xb8;
	[tilespmem:$0x15220] =	vst v63  }
0x49: {  	_ = 	snop  }
0x4a: {  	[tilespmem:s22], [sflag:$0x3] =	stream.indirect.gather [hbm4b:s4+s21], $0x40, s21, s21, $0xb8;
	[tilespmem:$0x15220] =	vst v63  }
0x4b: {  	s6 =	simm.s32 $0xA0  }
0x4c: {  	[tilespmem:s24], [sflag:$0x4] =	stream.indirect.gather [hbm4b:s4+s21], $0x40, s6, s21, $0xb8;
	[tilespmem:$0x15220] =	vst v63  }
0x4d: {  	s23 =	simm.s32 $0xF0  }
0x4e: {  	[tilespmem:s26], [sflag:$0x5] =	stream.indirect.gather [hbm4b:s4+s21], $0x40, s23, s21, $0xb8;
	[tilespmem:$0x15220] =	vst v63  }
0x4f: {  	s25 =	simm.s32 $0x140  }
0x50: {  	[tilespmem:s29], [sflag:$0x6] =	stream.indirect.gather [hbm4b:s4+s21], $0x40, s25, s21, $0xb8;
	[tilespmem:$0x15220] =	vst v63  }
0x51: {  	_ =	swait.ge [sflag:s30], $0x1400  }
0x52: {  	[sflag:s30] =	ssyncset.done $0x0  }
0x53: {  	s6 =	simm.s32 $0x2710;
	[sflag:s30] =	ssyncadd.s32 $0xFFFFEC00  }
0x54: {  	[spmem:s2] =	stream.indirect.scatter.add.f32 [tilespmem:s18], [sflag:$0x7], $0x40, s6, s21, $0xb8;
	[tilespmem:$0x15220] =	vst v63  }
0x55: {  	_ =	swait.ge [sflag:s19], $0x1400  }
0x56: {  	[sflag:s19] =	ssyncset.done $0x0  }
0x57: {  	s23 =	simm.s32 $0x190;
	[sflag:s19] =	ssyncadd.s32 $0xFFFFEC00  }
0x58: {  	[tilespmem:s18], [sflag:$0x2] =	stream.indirect.gather [hbm4b:s4+s21], $0x40, s23, s21, $0xb8;
	[tilespmem:$0x15220] =	vst v63  }
0x59: {  	_ =	swait.ge [sflag:s31], $0x1400  }
0x5a: {  	[sflag:s31] =	ssyncset.done $0x0  }
0x5b: {  	s25 =	simm.s32 $0x2760;
	[sflag:s31] =	ssyncadd.s32 $0xFFFFEC00  }
0x5c: {  	[spmem:s2] =	stream.indirect.scatter.add.f32 [tilespmem:s22], [sflag:$0x7], $0x40, s25, s21, $0xb8;
	[tilespmem:$0x15220] =	vst v63  }
0x5d: {  	_ =	swait.ge [sflag:s19], $0x1400  }
0x5e: {  	[sflag:s19] =	ssyncset.done $0x0  }
0x5f: {  	s6 =	simm.s32 $0x1E0;
	[sflag:s19] =	ssyncadd.s32 $0xFFFFEC00  }
0x60: {  	[tilespmem:s22], [sflag:$0x3] =	stream.indirect.gather [hbm4b:s4+s21], $0x40, s6, s21, $0xb8;
	[tilespmem:$0x15220] =	vst v63  }
0x61: {  	_ =	swait.ge [sflag:s0], $0x1400  }
0x62: {  	[sflag:s0] =	ssyncset.done $0x0  }
0x63: {  	s23 =	simm.s32 $0x27B0;
	[sflag:s0] =	ssyncadd.s32 $0xFFFFEC00  }
0x64: {  	[spmem:s2] =	stream.indirect.scatter.add.f32 [tilespmem:s24], [sflag:$0x7], $0x40, s23, s21, $0xb8;
	[tilespmem:$0x15220] =	vst v63  }
0x65: {  	_ =	swait.ge [sflag:s19], $0x1400  }
0x66: {  	[sflag:s19] =	ssyncset.done $0x0  }
0x67: {  	s25 =	simm.s32 $0x230;
	[sflag:s19] =	ssyncadd.s32 $0xFFFFEC00  }
0x68: {  	[tilespmem:s24], [sflag:$0x4] =	stream.indirect.gather [hbm4b:s4+s21], $0x40, s25, s21, $0xb8;
	[tilespmem:$0x15220] =	vst v63  }
0x69: {  	_ =	swait.ge [sflag:s17], $0x1400  }
0x6a: {  	[sflag:s17] =	ssyncset.done $0x0  }
0x6b: {  	s6 =	simm.s32 $0x2800;
	[sflag:s17] =	ssyncadd.s32 $0xFFFFEC00  }
0x6c: {  	[spmem:s2] =	stream.indirect.scatter.add.f32 [tilespmem:s26], [sflag:$0x7], $0x40, s6, s21, $0xb8;
	[tilespmem:$0x15220] =	vst v63  }
0x6d: {  	_ =	swait.ge [sflag:s19], $0x1400  }
0x6e: {  	[sflag:s19] =	ssyncset.done $0x0  }
0x6f: {  	s23 =	simm.s32 $0x280;
	[sflag:s19] =	ssyncadd.s32 $0xFFFFEC00  }
0x70: {  	[tilespmem:s26], [sflag:$0x5] =	stream.indirect.gather [hbm4b:s4+s21], $0x40, s23, s21, $0xb8;
	[tilespmem:$0x15220] =	vst v63  }
0x71: {  	_ =	swait.ge [sflag:s1], $0x1400  }
0x72: {  	[sflag:s1] =	ssyncset.done $0x0  }
0x73: {  	s25 =	simm.s32 $0x2850;
	[sflag:s1] =	ssyncadd.s32 $0xFFFFEC00  }
0x74: {  	[spmem:s2] =	stream.indirect.scatter.add.f32 [tilespmem:s29], [sflag:$0x7], $0x40, s25, s21, $0xb8;
	[tilespmem:$0x15220] =	vst v63  }
0x75: {  	_ =	swait.ge [sflag:s19], $0x1400  }
0x76: {  	[sflag:s19] =	ssyncset.done $0x0  }
0x77: {  	s5 =	simm.s32 $0x2D0;
	s23 =	simm.s32 $0x640;
	[sflag:s19] =	ssyncadd.s32 $0xFFFFEC00  }
.LBB2_4:
0x78: {  	[tilespmem:s29], [sflag:$0x6] =	stream.indirect.gather [hbm4b:s4+s21], $0x40, s5, s21, $0xb8;
	[tilespmem:$0x15220] =	vst v63  }
0x79: {  	s5 =	smov.u32 s23  }
0x7a: {  	p0 =	sne.s32 s23, $0x8FC0;
	s23 =	sadd.s32 $0x640, s23;
	_ =	swait.ge [sflag:s30], $0x1400  }
0x7b: {  	s25 =	sshra.s32 s5, $0x2;
	[sflag:s30] =	ssyncset.done $0x0  }
0x7c: {  	s5 =	sadd.s32 $0x2710, s25;
	[sflag:s30] =	ssyncadd.s32 $0xFFFFEC00  }
0x7d: {  	[spmem:s2] =	stream.indirect.scatter.add.f32 [tilespmem:s18], [sflag:$0x7], $0x40, s5, s21, $0xb8;
	[tilespmem:$0x15220] =	vst v63  }
0x7e: {  	_ =	swait.ge [sflag:s19], $0x1400  }
0x7f: {  	[sflag:s19] =	ssyncset.done $0x0  }
0x80: {  	s5 =	sadd.s32 $0x190, s25;
	[sflag:s19] =	ssyncadd.s32 $0xFFFFEC00  }
0x81: {  	[tilespmem:s18], [sflag:$0x2] =	stream.indirect.gather [hbm4b:s4+s21], $0x40, s5, s21, $0xb8;
	[tilespmem:$0x15220] =	vst v63  }
0x82: {  	_ =	swait.ge [sflag:s31], $0x1400  }
0x83: {  	[sflag:s31] =	ssyncset.done $0x0  }
0x84: {  	s5 =	sadd.s32 $0x2760, s25;
	[sflag:s31] =	ssyncadd.s32 $0xFFFFEC00  }
0x85: {  	[spmem:s2] =	stream.indirect.scatter.add.f32 [tilespmem:s22], [sflag:$0x7], $0x40, s5, s21, $0xb8;
	[tilespmem:$0x15220] =	vst v63  }
0x86: {  	_ =	swait.ge [sflag:s19], $0x1400  }
0x87: {  	[sflag:s19] =	ssyncset.done $0x0  }
0x88: {  	s5 =	sadd.s32 $0x1E0, s25;
	[sflag:s19] =	ssyncadd.s32 $0xFFFFEC00  }
0x89: {  	[tilespmem:s22], [sflag:$0x3] =	stream.indirect.gather [hbm4b:s4+s21], $0x40, s5, s21, $0xb8;
	[tilespmem:$0x15220] =	vst v63  }
0x8a: {  	_ =	swait.ge [sflag:s0], $0x1400  }
0x8b: {  	[sflag:s0] =	ssyncset.done $0x0  }
0x8c: {  	s5 =	sadd.s32 $0x27B0, s25;
	[sflag:s0] =	ssyncadd.s32 $0xFFFFEC00  }
0x8d: {  	[spmem:s2] =	stream.indirect.scatter.add.f32 [tilespmem:s24], [sflag:$0x7], $0x40, s5, s21, $0xb8;
	[tilespmem:$0x15220] =	vst v63  }
0x8e: {  	_ =	swait.ge [sflag:s19], $0x1400  }
0x8f: {  	[sflag:s19] =	ssyncset.done $0x0  }
0x90: {  	s5 =	sadd.s32 $0x230, s25;
	[sflag:s19] =	ssyncadd.s32 $0xFFFFEC00  }
0x91: {  	[tilespmem:s24], [sflag:$0x4] =	stream.indirect.gather [hbm4b:s4+s21], $0x40, s5, s21, $0xb8;
	[tilespmem:$0x15220] =	vst v63  }
0x92: {  	_ =	swait.ge [sflag:s17], $0x1400  }
0x93: {  	[sflag:s17] =	ssyncset.done $0x0  }
0x94: {  	s5 =	sadd.s32 $0x2800, s25;
	[sflag:s17] =	ssyncadd.s32 $0xFFFFEC00  }
0x95: {  	[spmem:s2] =	stream.indirect.scatter.add.f32 [tilespmem:s26], [sflag:$0x7], $0x40, s5, s21, $0xb8;
	[tilespmem:$0x15220] =	vst v63  }
0x96: {  	_ =	swait.ge [sflag:s19], $0x1400  }
0x97: {  	[sflag:s19] =	ssyncset.done $0x0  }
0x98: {  	s5 =	sadd.s32 $0x280, s25;
	[sflag:s19] =	ssyncadd.s32 $0xFFFFEC00  }
0x99: {  	[tilespmem:s26], [sflag:$0x5] =	stream.indirect.gather [hbm4b:s4+s21], $0x40, s5, s21, $0xb8;
	[tilespmem:$0x15220] =	vst v63  }
0x9a: {  	_ =	swait.ge [sflag:s1], $0x1400  }
0x9b: {  	[sflag:s1] =	ssyncset.done $0x0  }
.Ltmp1:
0x9c: {  	s5 =	sadd.s32 $0x2850, s25;
	[sflag:s1] =	ssyncadd.s32 $0xFFFFEC00;
	(pc) =	sbr.rel @p0 .LBB2_4-.Ltmp1, $4  }
0x9d: {  	[spmem:s2] =	stream.indirect.scatter.add.f32 [tilespmem:s29], [sflag:$0x7], $0x40, s5, s21, $0xb8;
	[tilespmem:$0x15220] =	vst v63  }
0x9e: {  	_ =	swait.ge [sflag:s19], $0x1400  }
0x9f: {  	[sflag:s19] =	ssyncset.done $0x0  }
0xa0: {  	s5 =	sadd.s32 $0x2D0, s25;
	[sflag:s19] =	ssyncadd.s32 $0xFFFFEC00  }
0xa1: {  	[tilespmem:s29], [sflag:$0x6] =	stream.indirect.gather [hbm4b:s4+s21], $0x40, s5, s21, $0xb8;
	[tilespmem:$0x15220] =	vst v63  }
0xa2: {  	_ =	swait.ge [sflag:s30], $0x1400  }
0xa3: {  	[sflag:s30] =	ssyncset.done $0x0  }
0xa4: {  	s6 =	simm.s32 $0x4C90;
	[sflag:s30] =	ssyncadd.s32 $0xFFFFEC00  }
0xa5: {  	[spmem:s2] =	stream.indirect.scatter.add.f32 [tilespmem:s18], [sflag:$0x7], $0x40, s6, s21, $0xb8;
	[tilespmem:$0x15220] =	vst v63  }
0xa6: {  	_ =	swait.ge [sflag:s19], $0x1400  }
0xa7: {  	[sflag:s19] =	ssyncset.done $0x0  }
0xa8: {  	[sflag:s19] =	ssyncadd.s32 $0xFFFFEC00  }
0xa9: {  	_ =	swait.ge [sflag:s31], $0x1400  }
0xaa: {  	[sflag:s31] =	ssyncset.done $0x0  }
0xab: {  	s23 =	simm.s32 $0x4CE0;
	[sflag:s31] =	ssyncadd.s32 $0xFFFFEC00  }
0xac: {  	[spmem:s2] =	stream.indirect.scatter.add.f32 [tilespmem:s22], [sflag:$0x7], $0x40, s23, s21, $0xb8;
	[tilespmem:$0x15220] =	vst v63  }
0xad: {  	_ =	swait.ge [sflag:s19], $0x1400  }
0xae: {  	[sflag:s19] =	ssyncset.done $0x0  }
0xaf: {  	[sflag:s19] =	ssyncadd.s32 $0xFFFFEC00  }
0xb0: {  	_ =	swait.ge [sflag:s0], $0x1400  }
0xb1: {  	[sflag:s0] =	ssyncset.done $0x0  }
0xb2: {  	s25 =	simm.s32 $0x4D30;
	[sflag:s0] =	ssyncadd.s32 $0xFFFFEC00  }
0xb3: {  	[spmem:s2] =	stream.indirect.scatter.add.f32 [tilespmem:s24], [sflag:$0x7], $0x40, s25, s21, $0xb8;
	[tilespmem:$0x15220] =	vst v63  }
0xb4: {  	_ =	swait.ge [sflag:s19], $0x1400  }
0xb5: {  	[sflag:s19] =	ssyncset.done $0x0  }
0xb6: {  	[sflag:s19] =	ssyncadd.s32 $0xFFFFEC00  }
0xb7: {  	_ =	swait.ge [sflag:s17], $0x1400  }
0xb8: {  	[sflag:s17] =	ssyncset.done $0x0  }
0xb9: {  	s6 =	simm.s32 $0x4D80;
	[sflag:s17] =	ssyncadd.s32 $0xFFFFEC00  }
0xba: {  	[spmem:s2] =	stream.indirect.scatter.add.f32 [tilespmem:s26], [sflag:$0x7], $0x40, s6, s21, $0xb8;
	[tilespmem:$0x15220] =	vst v63  }
0xbb: {  	_ =	swait.ge [sflag:s19], $0x1400  }
0xbc: {  	[sflag:s19] =	ssyncset.done $0x0  }
0xbd: {  	[sflag:s19] =	ssyncadd.s32 $0xFFFFEC00  }
0xbe: {  	_ =	swait.ge [sflag:s1], $0x1400  }
0xbf: {  	[sflag:s1] =	ssyncset.done $0x0  }
0xc0: {  	s23 =	simm.s32 $0x4DD0;
	[sflag:s1] =	ssyncadd.s32 $0xFFFFEC00  }
0xc1: {  	[spmem:s2] =	stream.indirect.scatter.add.f32 [tilespmem:s29], [sflag:$0x7], $0x40, s23, s21, $0xb8;
	[tilespmem:$0x15220] =	vst v63  }
0xc2: {  	s25 =	stileid.u32;
	_ =	swait.ge [sflag:s19], $0x1400  }
0xc3: {  	s28 =	sadd.s32 $0x1, s28;
	s5 =	sshll.u32 s25, $0x6;
	[sflag:s19] =	ssyncset.done $0x0  }
0xc4: {  	p0 =	sne.s32 s28, s16;
	s5 =	sor.u32 $0x1C07, s5;
	[sflag:s19] =	ssyncadd.s32 $0xFFFFEC00  }
.Ltmp2:
0xc5: {  	s6 =	sshrl.u32 s7, $0x3;
	[bflag:$0x0] =	sbarrier.arrive $0xFFFF;
	(pc) =	sbr.rel @p0 .LBB2_1-.Ltmp2, $4  }
0xc6: {  	[hbm:s15], [sflag:s5] =	dma.local [spmem:s6], $0x1400  }
0xc7: {  	_ =	swait.ge [sflag:s19], $0x1400  }
0xc8: {  	[sflag:s19] =	ssyncset.done $0x0  }
0xc9: {  	[sflag:s19] =	ssyncadd.s32 $0xFFFFEC00  }
0xca: {  	_ =	sfence.sel $0x180000  }
0xcb: {  	[bflag:$0x0] =	sbarrier.arrive $0xFFFF  }
0xcc: {  	_ =	strace $0x9000004D  }
0xcd: {  	s0 =	stileid.u32;
	[bflag:$0x2] =	sbarrier.arrive $0xFFFF  }
0xce: {  	p0 =	sne.s32 s0, $0x0;
	s0 =	rddreg [dreg:$0x2]  }
0xcf: {  	s0 =	sadd.s32 @!p0 $0x100000, s0  }
0xd0: {  	[sflag:s0] =	ssyncadd.tile.s32 @!p0 $0x1;
	_ =	shalt  }
.Lfunc_end2:
_tile_overlayer_lowered:
.L_overlay_start_2:
0xd1: {  	(tag) =	ssettag $0x2  }
0xd2: {  	s0 =	rddreg [dreg:$0x0];
	s2 =	stileid.u32  }
0xd3: {  	s1 =	rddreg [dreg:$0x1];
	p0 =	sne.s32 s2, $0x0  }
0xd4: {  	s3 =	rddreg [dreg:$0x2];
	[bflag:$0x3] =	sbarrier.arrive $0xFFFF;
	s2 =	simm.s32 @!p0 $0x1C07  }
0xd5: {  	[timem:s3], [sflag:s2] =	dma.local @!p0 [hbm:s0], s1  }
0xd6: {  	s0 =	simm.s32 @!p0 $0x7  }
0xd7: {  	_ =	swait.ge @!p0 [sflag:s0], s1  }
0xd8: {  	s1 =	ssub.s32 @!p0 $0x0, s1;
	[sflag:s0] =	ssyncset.done @!p0 $0x0  }
0xd9: {  	[sflag:s0] =	ssyncadd.s32 @!p0 s1  }
0xda: {  	[bflag:$0x3] =	sbarrier.arrive $0xFFFF  }
0xdb: {  	_ =	shalt  }

// kernel: kernel.20.cloned.1.call-start
scs
__scs_entry_jumppad:
0x0: {  	(pc) =	sbr.rel $0x88, $3  }
0x1: {  	(tag) =	ssettag $0x0;
	lr =	simm.s32 $0x1  }
0x2: {  	[smem:$0x3F96] =	sst lr;
	_ =	strace $0xD0000000  }
0x3: {  	_ = 	snop  }
0x4: {  	_ = 	snop  }
0x5: {  	_ = 	snop  }
0x6: {  	_ = 	snop  }
0x7: {  	_ = 	snop  }
__scs_overlays_trampoline_lowered:
0x8: {  	[smem:$0x3FA5] =	sst s0  }
0x9: {  	[smem:$0x3FA6] =	sst s1  }
0xa: {  	[smem:$0x3FA7] =	sst s2  }
0xb: {  	[smem:$0x3FA8] =	sst s3  }
0xc: {  	[smem:$0x3FA9] =	sst s4  }
0xd: {  	[smem:$0x3FAA] =	sst s5  }
0xe: {  	[smem:$0x3FAB] =	sst s6  }
0xf: {  	[smem:$0x3FAC] =	sst s7  }
0x10: {  	[smem:$0x3FAD] =	sst s8  }
0x11: {  	[smem:$0x3FAE] =	sst s9;
	s0 =	simm.s32 @!p0 $0x0  }
0x12: {  	s1 =	sld [smem:$0x3F94];
	s0 =	simm.s32 @p0 $0x1  }
0x13: {  	[smem:$0x3FAF] =	sst s0;
	s0 =	simm.s32 @!p1 $0x0  }
0x14: {  	s2 =	sld [smem:$0x3F93];
	s0 =	simm.s32 @p1 $0x1  }
0x15: {  	[smem:$0x3FB0] =	sst s0;
	s0 =	simm.s32 @!p2 $0x0  }
0x16: {  	s3 =	sld [smem:$0x3FDB];
	s0 =	simm.s32 @p2 $0x1  }
0x17: {  	s4 =	simm.s32 $0x1BF5;
	[smem:$0x3FB2] =	sst s0  }
0x18: {  	s0 =	sld [smem:$0x3F95];
	_ =	swait.ge [sflag:s4], $0x0  }
0x19: {  	s7 =	sld [smem:$0x3F96]  }
0x1a: {  	s8 =	sadd.s32 $0xFFFFE003, lr  }
0x1b: {  	s9 =	sadd.s32 $0xFFFFFEF7, lr;
	s5 =	simm.s32 $0xFFFFFFFF;
	p2 =	slt.u32 s8, $0xFFFFF086  }
0x1c: {  	p1 =	slt.u32 s9, $0xF7A;
	s5 =	simm.s32 @!p2 $0x0  }
0x1d: {  	s5 =	simm.s32 @p1 $0x1;
	p0 =	seq.s32 s7, s2  }
0x1e: {  	s7 =	smul.u32 @!p0 $0xF7A, s2;
	p2 =	seq.s32 @!p0 s5, $0x0  }
0x1f: {  	s9 =	smul.u32 $0xF7A, s1;
	s8 =	simm.s32 @!p0 $0x1BF5;
	p2 =	por !p2, p0  }
0x20: {  	[sflag:s8] =	ssyncset.s32 @!p0 $0xFFFFF086;
	s6 =	sadd.s32 @!p0 s3, s7;
	s7 =	simm.s32 @!p0 $0x108  }
0x21: {  	s3 =	sadd.s32 s3, s9;
	s6 =	sadd.s32 @!p0 $0x88, s6;
	s7 =	simm.s32 @p2 $0x1082  }
0x22: {  	[simem:s7], [sflag:s8] =	dma.local @!p0 [hbm:s6], $0xF7A  }
0x23: {  	s9 =	sor.u32 $0xD0000000, s2;
	s6 =	simm.s32 $0x108;
	_ =	swait.ge @!p0 [sflag:s8], $0x0  }
0x24: {  	s3 =	sadd.s32 $0x88, s3;
	s6 =	simm.s32 @!p1 $0x1082;
	[sflag:s4] =	ssyncset.s32 $0xFFFFF086  }
0x25: {  	[simem:s6], [sflag:s4] =	dma.local [hbm:s3], $0xF7A  }
0x26: {  	[smem:$0x3F96] =	sst s1;
	(tag) =	ssettag s2;
	_ =	strace s9  }
0x27: {  	s1 =	sld [smem:$0x3FA6]  }
0x28: {  	s2 =	sld [smem:$0x3FA7]  }
0x29: {  	s4 =	sld [smem:$0x3FA9]  }
0x2a: {  	p0 =	seq.s32 s5, $0x0;
	s5 =	sld [smem:$0x3FAA]  }
0x2b: {  	s6 =	sld [smem:$0x3FAB]  }
0x2c: {  	s7 =	sld [smem:$0x3FAC]  }
0x2d: {  	s3 =	simm.s32 $0x108;
	s8 =	sld [smem:$0x3FAD]  }
0x2e: {  	s3 =	simm.s32 @!p0 $0x1082;
	s9 =	sld [smem:$0x3FAE]  }
0x2f: {  	lr =	sadd.s32 s0, s3;
	s0 =	sld [smem:$0x3FA5]  }
0x30: {  	s3 =	sld [smem:$0x3FA8]  }
0x31: {  	[smem:$0x3FB1] =	sst s10  }
0x32: {  	s10 =	sld [smem:$0x3FAF];
	_ =	sdelay $0x3  }
0x33: {  	p0 =	seq.s32 s10, $0x1;
	s10 =	sld [smem:$0x3FB1];
	_ =	sdelay $0x3  }
0x34: {  	[smem:$0x3FB1] =	sst s10  }
0x35: {  	s10 =	sld [smem:$0x3FB0];
	_ =	sdelay $0x3  }
0x36: {  	p1 =	seq.s32 s10, $0x1;
	s10 =	sld [smem:$0x3FB1];
	_ =	sdelay $0x3  }
0x37: {  	[smem:$0x3FB1] =	sst s10  }
0x38: {  	s10 =	sld [smem:$0x3FB2]  }
0x39: {  	_ = 	snop;
	(pc) =	sbr.ind lr, $3  }
0x3a: {  	_ = 	snop  }
0x3b: {  	_ = 	snop  }
0x3c: {  	p2 =	seq.s32 s10, $0x1;
	s10 =	sld [smem:$0x3FB1]  }
0x3d: {  	_ =	shalt  }
0x3e: {  	_ =	shalt  }
0x3f: {  	_ =	shalt  }
0x40: {  	_ =	shalt  }
0x41: {  	_ =	shalt  }
0x42: {  	_ =	shalt  }
0x43: {  	_ =	shalt  }
0x44: {  	_ =	shalt  }
0x45: {  	_ =	shalt  }
0x46: {  	_ =	shalt  }
0x47: {  	_ =	shalt  }
0x48: {  	_ =	shalt  }
0x49: {  	_ =	shalt  }
0x4a: {  	_ =	shalt  }
0x4b: {  	_ =	shalt  }
0x4c: {  	_ =	shalt  }
0x4d: {  	_ =	shalt  }
0x4e: {  	_ =	shalt  }
0x4f: {  	_ =	shalt  }
0x50: {  	_ =	shalt  }
0x51: {  	_ =	shalt  }
0x52: {  	_ =	shalt  }
0x53: {  	_ =	shalt  }
0x54: {  	_ =	shalt  }
0x55: {  	_ =	shalt  }
0x56: {  	_ =	shalt  }
0x57: {  	_ =	shalt  }
0x58: {  	_ =	shalt  }
0x59: {  	_ =	shalt  }
0x5a: {  	_ =	shalt  }
0x5b: {  	_ =	shalt  }
0x5c: {  	_ =	shalt  }
0x5d: {  	_ =	shalt  }
0x5e: {  	_ =	shalt  }
0x5f: {  	_ =	shalt  }
0x60: {  	_ =	shalt  }
0x61: {  	_ =	shalt  }
0x62: {  	_ =	shalt  }
0x63: {  	_ =	shalt  }
0x64: {  	_ =	shalt  }
0x65: {  	_ =	shalt  }
0x66: {  	_ =	shalt  }
0x67: {  	_ =	shalt  }
0x68: {  	_ =	shalt  }
0x69: {  	_ =	shalt  }
0x6a: {  	_ =	shalt  }
0x6b: {  	_ =	shalt  }
0x6c: {  	_ =	shalt  }
0x6d: {  	_ =	shalt  }
0x6e: {  	_ =	shalt  }
0x6f: {  	_ =	shalt  }
0x70: {  	_ =	shalt  }
0x71: {  	_ =	shalt  }
0x72: {  	_ =	shalt  }
0x73: {  	_ =	shalt  }
0x74: {  	_ =	shalt  }
0x75: {  	_ =	shalt  }
0x76: {  	_ =	shalt  }
0x77: {  	_ =	shalt  }
0x78: {  	_ =	shalt  }
0x79: {  	_ =	shalt  }
0x7a: {  	_ =	shalt  }
0x7b: {  	_ =	shalt  }
0x7c: {  	_ =	shalt  }
0x7d: {  	_ =	shalt  }
0x7e: {  	_ =	shalt  }
0x7f: {  	_ =	shalt  }
0x80: {  	_ =	shalt  }
0x81: {  	_ =	shalt  }
0x82: {  	_ =	shalt  }
0x83: {  	_ =	shalt  }
0x84: {  	_ =	shalt  }
0x85: {  	_ =	shalt  }
0x86: {  	_ =	shalt  }
0x87: {  	_ =	shalt  }
.Lfunc_end0:
.L_simem_size_0:
called_computation.3_lowered:
.L_overlay_start_0:
0x88: {  	s2 =	sld [smem:$0x3FD9]  }
0x89: {  	s3 =	sld [smem:$0x3FFE];
	_ =	sdelay $0x1  }
0x8a: {  	s1 =	srdreg.scid  }
0x8b: {  	s0 =	sand.u32 $0x1, s1  }
0x8c: {  	s16 =	sshll.u32 s0, $0xA;
	s2 =	sadd.s32 s3, s2  }
0x8d: {  	s2 =	sadd.s32 s2, s16  }
0x8e: {  	[smem:$0x3FBD] =	sst s2  }
0x8f: {  	_ = 	snop  }
0x90: {  	(tm) =	ssettm $0x1  }
0x91: {  	s17 =	sld [smem:$0x3FFB];
	_ =	sdelay $0x3  }
0x92: {  	_ =	strace s17  }
0x93: {  	s2 =	sld [smem:$0x3FFC];
	_ =	sdelay $0x3  }
0x94: {  	_ =	strace s2  }
0x95: {  	s2 =	sld [smem:$0x3FFD];
	_ =	sdelay $0x3  }
0x96: {  	_ =	strace s2  }
0x97: {  	_ =	strace $0x8FFFFFFF  }
0x98: {  	s18 =	sld [smem:$0x3FDB];
	_ =	sdelay $0x1  }
0x99: {  	s19 =	simm.s32 $_scs_section_size  }
0x9a: {  	s4 =	simm.s32 $_size__tile_overlayer_lowered;
	s5 =	simm.s32 $_tile_overlayer_lowered  }
0x9b: {  	s22 =	simm.s32 $0x1BFF;
	s21 =	sshll.u32 s5, $0x1;
	s2 =	sadd.s32 s19, s18  }
0x9c: {  	s6 =	simm.s32 $0x0;
	s20 =	sshll.u32 s4, $0x1;
	s4 =	sadd.s32 s21, s2  }
0x9d: {  	[timem:s6], [sflag:s22] =	dma.local [hbm:s4], s20  }
0x9e: {  	_ =	swait.ge [sflag:s22], s20  }
0x9f: {  	s3 =	ssub.s32 $0x0, s20;
	[sflag:s22] =	ssyncset.done $0x0  }
0xa0: {  	[sflag:s22] =	ssyncadd.s32 s3;
	_ =	sdelay $0x1  }
0xa1: {  	s23 =	simm.s32 $0x1B8B  }
0xa2: {  	_ =	swait.ge [sflag:s23], $0x1  }
0xa3: {  	[sflag:s23] =	ssyncset.done $0x0  }
0xa4: {  	s25 =	simm.s32 $0x1B8E;
	s24 =	sld [smem:$0x3FFE];
	[sflag:s23] =	ssyncadd.s32 $0xFFFFFFFF  }
0xa5: {  	s26 =	simm.s32 $execute0_lowered;
	[smem:$0x3FD2] =	sst s25  }
0xa6: {  	s4 =	sshll.u32 s26, $0x1;
	_ =	strace $0x8000004F;
	[dreg:$0x1] =	wrdreg $0xFFFFFFFF  }
0xa7: {  	s28 =	simm.s32 $_size_execute0_lowered;
	s2 =	sadd.s32 s2, s4;
	[dreg:$0x0] =	wrdreg $0x0  }
0xa8: {  	s4 =	sshll.u32 s28, $0x1;
	[dreg:$0x2] =	wrdreg s2  }
0xa9: {  	[dreg:$0x3] =	wrdreg s4  }
0xaa: {  	[dreg:$0x4] =	wrdreg $0xC0  }
0xab: {  	_ =	task [dreg:s6], $0x5FFFF  }
0xac: {  	[dreg:$0x1] =	wrdreg $0xFFFFFFFF  }
0xad: {  	[dreg:$0x0] =	wrdreg $0x60  }
0xae: {  	[dreg:$0x2] =	wrdreg s24  }
0xaf: {  	[dreg:$0x3] =	wrdreg $0xB2200  }
0xb0: {  	[dreg:$0x4] =	wrdreg $0x9  }
0xb1: {  	_ =	task.clear_ibuf [dreg:s6], $0x5FFFF;
	_ =	strace $0x9000004F  }
0xb2: {  	s29 =	simm.s32 $0x9;
	_ =	strace $0x80000051  }
0xb3: {  	_ =	swait.ge [sflag:s29], $0x1  }
0xb4: {  	[sflag:s29] =	ssyncadd.s32 $0xFFFFFFFF  }
0xb5: {  	_ =	strace $0x90000051  }
0xb6: {  	_ =	sfence  }
0xb7: {  	s30 =	sld [smem:$0x0];
	_ =	sdelay $0x2  }
0xb8: {  	s31 =	sshll.u32 s1, $0xD;
	s1 =	sshrl.u32 s1, $0x2  }
0xb9: {  	s3 =	sand.u32 $0x4000, s31;
	s1 =	sadd.s32 s1, s30  }
0xba: {  	s0 =	sor.u32 s3, s0;
	s1 =	sshll.u32 s1, $0x11  }
0xbb: {  	s0 =	sor.u32 s1, s0  }
0xbc: {  	s0 =	sadd.s32 $0x8F2B, s0  }
0xbd: {  	[sflag:s0] =	ssyncadd.remote.s32 $0x1  }
0xbe: {  	_ =	sfence.sel $0xFFFF  }
0xbf: {  	[dreg:$0x0] =	wrdreg $0xFFFFFFFF;
	(pc) =	sbr.abs _section_cstart, $3  }
0xc0: {  	[dreg:$0x1] =	wrdreg $0xFFFFFFFF  }
0xc1: {  	_ =	task.clear_ibuf [dreg:s6], $0x2FFFF;
	_ =	strace $0x9FFFFFFF  }
0xc2: {  	(tm) =	ssettm $0x7FFFFFFF  }
0xc3: {  	_ =	shalt  }
tec
execute0_lowered:
.L_overlay_start_1:
0x0: {  	(tag) =	ssettag $0x1  }
0x1: {  	s0 =	rddreg [dreg:$0x0]  }
0x2: {  	s2 =	rddreg [dreg:$0x1];
	s3 =	simm.s32 $0x0;
	s1 =	srdreg.scid  }
0x3: {  	s8 =	stileid.u32;
	s18 =	simm.s32 $0x4E20;
	s19 =	simm.s32 $0x7  }
0x4: {  	s20 =	simm.s32 $0x1;
	s21 =	simm.s32 $0x50;
	s22 =	simm.s32 $0x6220  }
0x5: {  	s24 =	simm.s32 $0x7620;
	s29 =	simm.s32 $0x9E20;
	s30 =	simm.s32 $0x2  }
0x6: {  	s31 =	simm.s32 $0x3;
	s17 =	simm.s32 $0x5;
	s28 =	simm.s32 $0x0  }
0x7: {  	s1 =	sand.u32 $0x1, s1;
	s4 =	sshll.u32 s8, $0x1;
	s5 =	smul.u32 $0xA000, s8  }
0x8: {  	[smem:$0x7FF] =	sst s3;
	s8 =	smul.u32 $0x28000, s8;
	s6 =	sor.u32 s1, s4  }
0x9: {  	s7 =	smul.u32 $0xA0000, s1;
	_ =	strace $0x80000050;
	s1 =	ssub.s32 $0x2, s1  }
0xa: {  	s4 =	sadd.s32 $0x17200, s0;
	s6 =	smul.u32 $0x4E2, s6;
	s9 =	sshrl.u32 s1, $0x1  }
0xb: {  	s25 =	sshrl.u32 s8, $0x2;
	s7 =	sadd.s32 s5, s7;
	s1 =	ssub.s32 s1, s9  }
0xc: {  	s14 =	sadd.s32 s25, s2;
	s6 =	sadd.s32 s6, s0;
	s7 =	sshrl.u32 s7, $0x3  }
0xd: {  	s8 =	sadd.s32 $0x1400, s14;
	s9 =	sadd.s32 $0x2800, s14;
	s10 =	sadd.s32 $0x3C00, s14  }
0xe: {  	s11 =	sadd.s32 $0x5000, s14;
	s12 =	sadd.s32 $0x6400, s14;
	s13 =	sadd.s32 $0x7800, s14  }
0xf: {  	s14 =	sadd.s32 $0x8C00, s14;
	s16 =	smax.u32 s1, $0x1;
	s26 =	sadd.s32 $0x3600, s6  }
0x10: {  	s1 =	simm.s32 $0x6;
	s6 =	sadd.s32 $0xD400, s6;
	[dreg:$0x3] =	wrdreg s26  }
0x11: {  	s0 =	sadd.s32 s7, s0;
	s7 =	sadd.s32 s5, s2;
	[dreg:$0x4] =	wrdreg s6  }
0x12: {  	v0 =	vimm.f32 $0.0e+00;
	s15 =	sadd.s32 $0x2AC00, s0;
	s26 =	simm.s32 $0x8A20;
	s0 =	simm.s32 $0x4  }
.LBB2_1:
0x13: {  	s5 =	rddreg [dreg:$0x3]  }
0x14: {  	[tilespmem:s3], [sflag:$0x1] =	stream.linear.gather [hbm4b:s5+s3], $0x2710, $0x38;
	[tilespmem:$0x15220] =	vst v63  }
0x15: {  	s25 =	rddreg [dreg:$0x4];
	s6 =	simm.s32 $0x2710;
	s23 =	sand.u32 $0x7F00, s3  }
0x16: {  	[tilespmem:s6], [sflag:$0x1] =	stream.linear.gather [hbm4b:s25+s3], $0x2710, $0x38;
	[tilespmem:$0x15220] =	vst v63  }
0x17: {  	s5 =	sshrl.u32 s23, $0x2;
	s25 =	sand.u32 $0x30, s3  }
0x18: {  	s23 =	simm.s32 $0x40;
	s5 =	sor.u32 s25, s5;
	s25 =	simm.s32 $0x0  }
.LBB2_2:
0x19: {  	p0 =	sne.s32 s23, $0x4FC0  }
0x1a: {  	[tilespmem:s5+$0x4E20] =	vst v0;
	s25 =	sadd.s32 $0x10, s25;
	s5 =	smov.u32 s23;
	s23 =	sadd.s32 $0x40, s23  }
.Ltmp0:
0x1b: {  	(pc) =	sbr.rel @p0 .LBB2_2-.Ltmp0, $4  }
0x1c: {  	_ = 	snop  }
0x1d: {  	s5 =	sand.u32 $0x7F00, s5  }
0x1e: {  	s6 =	sand.u32 $0x30, s25;
	s5 =	sshrl.u32 s5, $0x2  }
0x1f: {  	s5 =	sor.u32 s6, s5  }
0x20: {  	[tilespmem:s5+$0x4E20] =	vst v0  }
0x21: {  	[spmem:s7] =	stream.linear.scatter [tilespmem:s18], [sflag:$0x7], $0x1400, $0x38;
	[tilespmem:$0x15220] =	vst v63  }
0x22: {  	_ =	swait.ge [sflag:s19], $0x1400  }
0x23: {  	[sflag:s19] =	ssyncset.done $0x0  }
0x24: {  	[sflag:s19] =	ssyncadd.s32 $0xFFFFEC00  }
0x25: {  	[spmem:s8] =	stream.linear.scatter [tilespmem:s18], [sflag:$0x7], $0x1400, $0x38;
	[tilespmem:$0x15220] =	vst v63  }
0x26: {  	_ =	swait.ge [sflag:s19], $0x1400  }
0x27: {  	[sflag:s19] =	ssyncset.done $0x0  }
0x28: {  	[sflag:s19] =	ssyncadd.s32 $0xFFFFEC00  }
0x29: {  	[spmem:s9] =	stream.linear.scatter [tilespmem:s18], [sflag:$0x7], $0x1400, $0x38;
	[tilespmem:$0x15220] =	vst v63  }
0x2a: {  	_ =	swait.ge [sflag:s19], $0x1400  }
0x2b: {  	[sflag:s19] =	ssyncset.done $0x0  }
0x2c: {  	[sflag:s19] =	ssyncadd.s32 $0xFFFFEC00  }
0x2d: {  	[spmem:s10] =	stream.linear.scatter [tilespmem:s18], [sflag:$0x7], $0x1400, $0x38;
	[tilespmem:$0x15220] =	vst v63  }
0x2e: {  	_ =	swait.ge [sflag:s19], $0x1400  }
0x2f: {  	[sflag:s19] =	ssyncset.done $0x0  }
0x30: {  	[sflag:s19] =	ssyncadd.s32 $0xFFFFEC00  }
0x31: {  	[spmem:s11] =	stream.linear.scatter [tilespmem:s18], [sflag:$0x7], $0x1400, $0x38;
	[tilespmem:$0x15220] =	vst v63  }
0x32: {  	_ =	swait.ge [sflag:s19], $0x1400  }
0x33: {  	[sflag:s19] =	ssyncset.done $0x0  }
0x34: {  	[sflag:s19] =	ssyncadd.s32 $0xFFFFEC00  }
0x35: {  	[spmem:s12] =	stream.linear.scatter [tilespmem:s18], [sflag:$0x7], $0x1400, $0x38;
	[tilespmem:$0x15220] =	vst v63  }
0x36: {  	_ =	swait.ge [sflag:s19], $0x1400  }
0x37: {  	[sflag:s19] =	ssyncset.done $0x0  }
0x38: {  	[sflag:s19] =	ssyncadd.s32 $0xFFFFEC00  }
0x39: {  	[spmem:s13] =	stream.linear.scatter [tilespmem:s18], [sflag:$0x7], $0x1400, $0x38;
	[tilespmem:$0x15220] =	vst v63  }
0x3a: {  	_ =	swait.ge [sflag:s19], $0x1400  }
0x3b: {  	[sflag:s19] =	ssyncset.done $0x0  }
0x3c: {  	[sflag:s19] =	ssyncadd.s32 $0xFFFFEC00  }
0x3d: {  	[spmem:s14] =	stream.linear.scatter [tilespmem:s18], [sflag:$0x7], $0x1400, $0x38;
	[tilespmem:$0x15220] =	vst v63  }
0x3e: {  	_ =	swait.ge [sflag:s19], $0x1400  }
0x3f: {  	[sflag:s19] =	ssyncset.done $0x0  }
0x40: {  	[sflag:s19] =	ssyncadd.s32 $0xFFFFEC00  }
0x41: {  	_ =	swait.ge [sflag:s20], $0x2710  }
0x42: {  	[sflag:s20] =	ssyncset.done $0x0  }
0x43: {  	[sflag:s20] =	ssyncadd.s32 $0xFFFFD8F0  }
0x44: {  	_ =	swait.ge [sflag:s20], $0x2710  }
0x45: {  	[sflag:s20] =	ssyncset.done $0x0  }
0x46: {  	[sflag:s20] =	ssyncadd.s32 $0xFFFFD8F0  }
0x47: {  	s25 =	simm.s32 $0x0;
	[bflag:$0x0] =	sbarrier.arrive $0xFFFF  }
0x48: {  	[tilespmem:s18], [sflag:$0x2] =	stream.indirect.gather [hbm4b:s4+s21], $0x40, s25, s21, $0xb8;
	[tilespmem:$0x15220] =	vst v63  }
0x49: {  	_ = 	snop  }
0x4a: {  	[tilespmem:s22], [sflag:$0x3] =	stream.indirect.gather [hbm4b:s4+s21], $0x40, s21, s21, $0xb8;
	[tilespmem:$0x15220] =	vst v63  }
0x4b: {  	s6 =	simm.s32 $0xA0  }
0x4c: {  	[tilespmem:s24], [sflag:$0x4] =	stream.indirect.gather [hbm4b:s4+s21], $0x40, s6, s21, $0xb8;
	[tilespmem:$0x15220] =	vst v63  }
0x4d: {  	s23 =	simm.s32 $0xF0  }
0x4e: {  	[tilespmem:s26], [sflag:$0x5] =	stream.indirect.gather [hbm4b:s4+s21], $0x40, s23, s21, $0xb8;
	[tilespmem:$0x15220] =	vst v63  }
0x4f: {  	s25 =	simm.s32 $0x140  }
0x50: {  	[tilespmem:s29], [sflag:$0x6] =	stream.indirect.gather [hbm4b:s4+s21], $0x40, s25, s21, $0xb8;
	[tilespmem:$0x15220] =	vst v63  }
0x51: {  	_ =	swait.ge [sflag:s30], $0x1400  }
0x52: {  	[sflag:s30] =	ssyncset.done $0x0  }
0x53: {  	s6 =	simm.s32 $0x2710;
	[sflag:s30] =	ssyncadd.s32 $0xFFFFEC00  }
0x54: {  	[spmem:s2] =	stream.indirect.scatter.add.f32 [tilespmem:s18], [sflag:$0x7], $0x40, s6, s21, $0xb8;
	[tilespmem:$0x15220] =	vst v63  }
0x55: {  	_ =	swait.ge [sflag:s19], $0x1400  }
0x56: {  	[sflag:s19] =	ssyncset.done $0x0  }
0x57: {  	s23 =	simm.s32 $0x190;
	[sflag:s19] =	ssyncadd.s32 $0xFFFFEC00  }
0x58: {  	[tilespmem:s18], [sflag:$0x2] =	stream.indirect.gather [hbm4b:s4+s21], $0x40, s23, s21, $0xb8;
	[tilespmem:$0x15220] =	vst v63  }
0x59: {  	_ =	swait.ge [sflag:s31], $0x1400  }
0x5a: {  	[sflag:s31] =	ssyncset.done $0x0  }
0x5b: {  	s25 =	simm.s32 $0x2760;
	[sflag:s31] =	ssyncadd.s32 $0xFFFFEC00  }
0x5c: {  	[spmem:s2] =	stream.indirect.scatter.add.f32 [tilespmem:s22], [sflag:$0x7], $0x40, s25, s21, $0xb8;
	[tilespmem:$0x15220] =	vst v63  }
0x5d: {  	_ =	swait.ge [sflag:s19], $0x1400  }
0x5e: {  	[sflag:s19] =	ssyncset.done $0x0  }
0x5f: {  	s6 =	simm.s32 $0x1E0;
	[sflag:s19] =	ssyncadd.s32 $0xFFFFEC00  }
0x60: {  	[tilespmem:s22], [sflag:$0x3] =	stream.indirect.gather [hbm4b:s4+s21], $0x40, s6, s21, $0xb8;
	[tilespmem:$0x15220] =	vst v63  }
0x61: {  	_ =	swait.ge [sflag:s0], $0x1400  }
0x62: {  	[sflag:s0] =	ssyncset.done $0x0  }
0x63: {  	s23 =	simm.s32 $0x27B0;
	[sflag:s0] =	ssyncadd.s32 $0xFFFFEC00  }
0x64: {  	[spmem:s2] =	stream.indirect.scatter.add.f32 [tilespmem:s24], [sflag:$0x7], $0x40, s23, s21, $0xb8;
	[tilespmem:$0x15220] =	vst v63  }
0x65: {  	_ =	swait.ge [sflag:s19], $0x1400  }
0x66: {  	[sflag:s19] =	ssyncset.done $0x0  }
0x67: {  	s25 =	simm.s32 $0x230;
	[sflag:s19] =	ssyncadd.s32 $0xFFFFEC00  }
0x68: {  	[tilespmem:s24], [sflag:$0x4] =	stream.indirect.gather [hbm4b:s4+s21], $0x40, s25, s21, $0xb8;
	[tilespmem:$0x15220] =	vst v63  }
0x69: {  	_ =	swait.ge [sflag:s17], $0x1400  }
0x6a: {  	[sflag:s17] =	ssyncset.done $0x0  }
0x6b: {  	s6 =	simm.s32 $0x2800;
	[sflag:s17] =	ssyncadd.s32 $0xFFFFEC00  }
0x6c: {  	[spmem:s2] =	stream.indirect.scatter.add.f32 [tilespmem:s26], [sflag:$0x7], $0x40, s6, s21, $0xb8;
	[tilespmem:$0x15220] =	vst v63  }
0x6d: {  	_ =	swait.ge [sflag:s19], $0x1400  }
0x6e: {  	[sflag:s19] =	ssyncset.done $0x0  }
0x6f: {  	s23 =	simm.s32 $0x280;
	[sflag:s19] =	ssyncadd.s32 $0xFFFFEC00  }
0x70: {  	[tilespmem:s26], [sflag:$0x5] =	stream.indirect.gather [hbm4b:s4+s21], $0x40, s23, s21, $0xb8;
	[tilespmem:$0x15220] =	vst v63  }
0x71: {  	_ =	swait.ge [sflag:s1], $0x1400  }
0x72: {  	[sflag:s1] =	ssyncset.done $0x0  }
0x73: {  	s25 =	simm.s32 $0x2850;
	[sflag:s1] =	ssyncadd.s32 $0xFFFFEC00  }
0x74: {  	[spmem:s2] =	stream.indirect.scatter.add.f32 [tilespmem:s29], [sflag:$0x7], $0x40, s25, s21, $0xb8;
	[tilespmem:$0x15220] =	vst v63  }
0x75: {  	_ =	swait.ge [sflag:s19], $0x1400  }
0x76: {  	[sflag:s19] =	ssyncset.done $0x0  }
0x77: {  	s5 =	simm.s32 $0x2D0;
	s23 =	simm.s32 $0x640;
	[sflag:s19] =	ssyncadd.s32 $0xFFFFEC00  }
.LBB2_4:
0x78: {  	[tilespmem:s29], [sflag:$0x6] =	stream.indirect.gather [hbm4b:s4+s21], $0x40, s5, s21, $0xb8;
	[tilespmem:$0x15220] =	vst v63  }
0x79: {  	s5 =	smov.u32 s23  }
0x7a: {  	p0 =	sne.s32 s23, $0x8FC0;
	s23 =	sadd.s32 $0x640, s23;
	_ =	swait.ge [sflag:s30], $0x1400  }
0x7b: {  	s25 =	sshra.s32 s5, $0x2;
	[sflag:s30] =	ssyncset.done $0x0  }
0x7c: {  	s5 =	sadd.s32 $0x2710, s25;
	[sflag:s30] =	ssyncadd.s32 $0xFFFFEC00  }
0x7d: {  	[spmem:s2] =	stream.indirect.scatter.add.f32 [tilespmem:s18], [sflag:$0x7], $0x40, s5, s21, $0xb8;
	[tilespmem:$0x15220] =	vst v63  }
0x7e: {  	_ =	swait.ge [sflag:s19], $0x1400  }
0x7f: {  	[sflag:s19] =	ssyncset.done $0x0  }
0x80: {  	s5 =	sadd.s32 $0x190, s25;
	[sflag:s19] =	ssyncadd.s32 $0xFFFFEC00  }
0x81: {  	[tilespmem:s18], [sflag:$0x2] =	stream.indirect.gather [hbm4b:s4+s21], $0x40, s5, s21, $0xb8;
	[tilespmem:$0x15220] =	vst v63  }
0x82: {  	_ =	swait.ge [sflag:s31], $0x1400  }
0x83: {  	[sflag:s31] =	ssyncset.done $0x0  }
0x84: {  	s5 =	sadd.s32 $0x2760, s25;
	[sflag:s31] =	ssyncadd.s32 $0xFFFFEC00  }
0x85: {  	[spmem:s2] =	stream.indirect.scatter.add.f32 [tilespmem:s22], [sflag:$0x7], $0x40, s5, s21, $0xb8;
	[tilespmem:$0x15220] =	vst v63  }
0x86: {  	_ =	swait.ge [sflag:s19], $0x1400  }
0x87: {  	[sflag:s19] =	ssyncset.done $0x0  }
0x88: {  	s5 =	sadd.s32 $0x1E0, s25;
	[sflag:s19] =	ssyncadd.s32 $0xFFFFEC00  }
0x89: {  	[tilespmem:s22], [sflag:$0x3] =	stream.indirect.gather [hbm4b:s4+s21], $0x40, s5, s21, $0xb8;
	[tilespmem:$0x15220] =	vst v63  }
0x8a: {  	_ =	swait.ge [sflag:s0], $0x1400  }
0x8b: {  	[sflag:s0] =	ssyncset.done $0x0  }
0x8c: {  	s5 =	sadd.s32 $0x27B0, s25;
	[sflag:s0] =	ssyncadd.s32 $0xFFFFEC00  }
0x8d: {  	[spmem:s2] =	stream.indirect.scatter.add.f32 [tilespmem:s24], [sflag:$0x7], $0x40, s5, s21, $0xb8;
	[tilespmem:$0x15220] =	vst v63  }
0x8e: {  	_ =	swait.ge [sflag:s19], $0x1400  }
0x8f: {  	[sflag:s19] =	ssyncset.done $0x0  }
0x90: {  	s5 =	sadd.s32 $0x230, s25;
	[sflag:s19] =	ssyncadd.s32 $0xFFFFEC00  }
0x91: {  	[tilespmem:s24], [sflag:$0x4] =	stream.indirect.gather [hbm4b:s4+s21], $0x40, s5, s21, $0xb8;
	[tilespmem:$0x15220] =	vst v63  }
0x92: {  	_ =	swait.ge [sflag:s17], $0x1400  }
0x93: {  	[sflag:s17] =	ssyncset.done $0x0  }
0x94: {  	s5 =	sadd.s32 $0x2800, s25;
	[sflag:s17] =	ssyncadd.s32 $0xFFFFEC00  }
0x95: {  	[spmem:s2] =	stream.indirect.scatter.add.f32 [tilespmem:s26], [sflag:$0x7], $0x40, s5, s21, $0xb8;
	[tilespmem:$0x15220] =	vst v63  }
0x96: {  	_ =	swait.ge [sflag:s19], $0x1400  }
0x97: {  	[sflag:s19] =	ssyncset.done $0x0  }
0x98: {  	s5 =	sadd.s32 $0x280, s25;
	[sflag:s19] =	ssyncadd.s32 $0xFFFFEC00  }
0x99: {  	[tilespmem:s26], [sflag:$0x5] =	stream.indirect.gather [hbm4b:s4+s21], $0x40, s5, s21, $0xb8;
	[tilespmem:$0x15220] =	vst v63  }
0x9a: {  	_ =	swait.ge [sflag:s1], $0x1400  }
0x9b: {  	[sflag:s1] =	ssyncset.done $0x0  }
.Ltmp1:
0x9c: {  	s5 =	sadd.s32 $0x2850, s25;
	[sflag:s1] =	ssyncadd.s32 $0xFFFFEC00;
	(pc) =	sbr.rel @p0 .LBB2_4-.Ltmp1, $4  }
0x9d: {  	[spmem:s2] =	stream.indirect.scatter.add.f32 [tilespmem:s29], [sflag:$0x7], $0x40, s5, s21, $0xb8;
	[tilespmem:$0x15220] =	vst v63  }
0x9e: {  	_ =	swait.ge [sflag:s19], $0x1400  }
0x9f: {  	[sflag:s19] =	ssyncset.done $0x0  }
0xa0: {  	s5 =	sadd.s32 $0x2D0, s25;
	[sflag:s19] =	ssyncadd.s32 $0xFFFFEC00  }
0xa1: {  	[tilespmem:s29], [sflag:$0x6] =	stream.indirect.gather [hbm4b:s4+s21], $0x40, s5, s21, $0xb8;
	[tilespmem:$0x15220] =	vst v63  }
0xa2: {  	_ =	swait.ge [sflag:s30], $0x1400  }
0xa3: {  	[sflag:s30] =	ssyncset.done $0x0  }
0xa4: {  	s6 =	simm.s32 $0x4C90;
	[sflag:s30] =	ssyncadd.s32 $0xFFFFEC00  }
0xa5: {  	[spmem:s2] =	stream.indirect.scatter.add.f32 [tilespmem:s18], [sflag:$0x7], $0x40, s6, s21, $0xb8;
	[tilespmem:$0x15220] =	vst v63  }
0xa6: {  	_ =	swait.ge [sflag:s19], $0x1400  }
0xa7: {  	[sflag:s19] =	ssyncset.done $0x0  }
0xa8: {  	[sflag:s19] =	ssyncadd.s32 $0xFFFFEC00  }
0xa9: {  	_ =	swait.ge [sflag:s31], $0x1400  }
0xaa: {  	[sflag:s31] =	ssyncset.done $0x0  }
0xab: {  	s23 =	simm.s32 $0x4CE0;
	[sflag:s31] =	ssyncadd.s32 $0xFFFFEC00  }
0xac: {  	[spmem:s2] =	stream.indirect.scatter.add.f32 [tilespmem:s22], [sflag:$0x7], $0x40, s23, s21, $0xb8;
	[tilespmem:$0x15220] =	vst v63  }
0xad: {  	_ =	swait.ge [sflag:s19], $0x1400  }
0xae: {  	[sflag:s19] =	ssyncset.done $0x0  }
0xaf: {  	[sflag:s19] =	ssyncadd.s32 $0xFFFFEC00  }
0xb0: {  	_ =	swait.ge [sflag:s0], $0x1400  }
0xb1: {  	[sflag:s0] =	ssyncset.done $0x0  }
0xb2: {  	s25 =	simm.s32 $0x4D30;
	[sflag:s0] =	ssyncadd.s32 $0xFFFFEC00  }
0xb3: {  	[spmem:s2] =	stream.indirect.scatter.add.f32 [tilespmem:s24], [sflag:$0x7], $0x40, s25, s21, $0xb8;
	[tilespmem:$0x15220] =	vst v63  }
0xb4: {  	_ =	swait.ge [sflag:s19], $0x1400  }
0xb5: {  	[sflag:s19] =	ssyncset.done $0x0  }
0xb6: {  	[sflag:s19] =	ssyncadd.s32 $0xFFFFEC00  }
0xb7: {  	_ =	swait.ge [sflag:s17], $0x1400  }
0xb8: {  	[sflag:s17] =	ssyncset.done $0x0  }
0xb9: {  	s6 =	simm.s32 $0x4D80;
	[sflag:s17] =	ssyncadd.s32 $0xFFFFEC00  }
0xba: {  	[spmem:s2] =	stream.indirect.scatter.add.f32 [tilespmem:s26], [sflag:$0x7], $0x40, s6, s21, $0xb8;
	[tilespmem:$0x15220] =	vst v63  }
0xbb: {  	_ =	swait.ge [sflag:s19], $0x1400  }
0xbc: {  	[sflag:s19] =	ssyncset.done $0x0  }
0xbd: {  	[sflag:s19] =	ssyncadd.s32 $0xFFFFEC00  }
0xbe: {  	_ =	swait.ge [sflag:s1], $0x1400  }
0xbf: {  	[sflag:s1] =	ssyncset.done $0x0  }
0xc0: {  	s23 =	simm.s32 $0x4DD0;
	[sflag:s1] =	ssyncadd.s32 $0xFFFFEC00  }
0xc1: {  	[spmem:s2] =	stream.indirect.scatter.add.f32 [tilespmem:s29], [sflag:$0x7], $0x40, s23, s21, $0xb8;
	[tilespmem:$0x15220] =	vst v63  }
0xc2: {  	s25 =	stileid.u32;
	_ =	swait.ge [sflag:s19], $0x1400  }
0xc3: {  	s28 =	sadd.s32 $0x1, s28;
	s5 =	sshll.u32 s25, $0x6;
	[sflag:s19] =	ssyncset.done $0x0  }
0xc4: {  	p0 =	sne.s32 s28, s16;
	s5 =	sor.u32 $0x1C07, s5;
	[sflag:s19] =	ssyncadd.s32 $0xFFFFEC00  }
.Ltmp2:
0xc5: {  	s6 =	sshrl.u32 s7, $0x3;
	[bflag:$0x0] =	sbarrier.arrive $0xFFFF;
	(pc) =	sbr.rel @p0 .LBB2_1-.Ltmp2, $4  }
0xc6: {  	[hbm:s15], [sflag:s5] =	dma.local [spmem:s6], $0x1400  }
0xc7: {  	_ =	swait.ge [sflag:s19], $0x1400  }
0xc8: {  	[sflag:s19] =	ssyncset.done $0x0  }
0xc9: {  	[sflag:s19] =	ssyncadd.s32 $0xFFFFEC00  }
0xca: {  	_ =	sfence.sel $0x180000  }
0xcb: {  	[bflag:$0x0] =	sbarrier.arrive $0xFFFF  }
0xcc: {  	_ =	strace $0x90000050  }
0xcd: {  	s0 =	stileid.u32;
	[bflag:$0x2] =	sbarrier.arrive $0xFFFF  }
0xce: {  	p0 =	sne.s32 s0, $0x0;
	s0 =	rddreg [dreg:$0x2]  }
0xcf: {  	s0 =	sadd.s32 @!p0 $0x100000, s0  }
0xd0: {  	[sflag:s0] =	ssyncadd.tile.s32 @!p0 $0x1;
	_ =	shalt  }
.Lfunc_end2:
_tile_overlayer_lowered:
.L_overlay_start_2:
0xd1: {  	(tag) =	ssettag $0x2  }
0xd2: {  	s0 =	rddreg [dreg:$0x0];
	s2 =	stileid.u32  }
0xd3: {  	s1 =	rddreg [dreg:$0x1];
	p0 =	sne.s32 s2, $0x0  }
0xd4: {  	s3 =	rddreg [dreg:$0x2];
	[bflag:$0x3] =	sbarrier.arrive $0xFFFF;
	s2 =	simm.s32 @!p0 $0x1C07  }
0xd5: {  	[timem:s3], [sflag:s2] =	dma.local @!p0 [hbm:s0], s1  }
0xd6: {  	s0 =	simm.s32 @!p0 $0x7  }
0xd7: {  	_ =	swait.ge @!p0 [sflag:s0], s1  }
0xd8: {  	s1 =	ssub.s32 @!p0 $0x0, s1;
	[sflag:s0] =	ssyncset.done @!p0 $0x0  }
0xd9: {  	[sflag:s0] =	ssyncadd.s32 @!p0 s1  }
0xda: {  	[bflag:$0x3] =	sbarrier.arrive $0xFFFF  }
0xdb: {  	_ =	shalt  }

</sc_bundles>
